<compile_context>
chip_gen: v7x
topology: tpu7x:2x2x1
jax: 0.10.2.dev20260603
libtpu: 0.0.44.dev20260713+nightly
codegen_flags: <defaults>
</compile_context>

<pallas_src>
import functools

import jax
import jax.numpy as jnp
from jax import lax
from jax.experimental import pallas as pl
from jax.experimental.pallas import tpu as pltpu
from jax.experimental.pallas import tpu_sc as plsc

_K = 8
_DEPTH = 4
_LANES = 16
_LN2 = 0.6931471805599453


def _log_small(d):
    bits = plsc.bitcast(d, jnp.int32)
    e = (bits >> 23) - 127
    m = plsc.bitcast((bits & 0x007FFFFF) | 0x3F800000, jnp.float32)
    s = (m - 1.0) / (m + 1.0)
    s2 = s * s
    p = jnp.float32(1.0 / 11.0)
    for c in (1.0 / 9.0, 1.0 / 7.0, 1.0 / 5.0, 1.0 / 3.0, 1.0):
        p = p * s2 + jnp.float32(c)
    return e.astype(jnp.float32) * _LN2 + 2.0 * s * p


def kernel(inputs, target, weights, path_onehot, segment_ids, num_groups):
    B, E = inputs.shape
    NW = 32
    NSTRIPE = B // 128
    NCHUNK = 12
    NJOBS = NCHUNK // 4
    NGROUPS = E - _K ** _DEPTH
    PG = -(-NGROUPS // NCHUNK)
    RMAX = 8 * PG + 16

    mesh = plsc.VectorSubcoreMesh(core_axis_name="c", subcore_axis_name="s")

    @functools.partial(
        pl.kernel,
        out_type=jax.ShapeDtypeStruct((NW, 128), jnp.float32),
        mesh=mesh,
        compiler_params=pltpu.CompilerParams(
            needs_layout_passes=False, use_tc_tiling_on_sc=True),
        scratch_types=[
            pltpu.VMEM((128,), jnp.int32),
            pltpu.VMEM((RMAX + 1, 128), jnp.float32),
            pltpu.VMEM((RMAX + 1, 128), jnp.float32),
            pltpu.VMEM((E,), jnp.float32),
            pltpu.VMEM((128,), jnp.float32),
            pltpu.SemaphoreType.DMA,
            pltpu.SemaphoreType.DMA,
        ],
    )
    def cascade(xt_hbm, tgt_hbm, w_hbm, out_hbm, tgt_v, xbuf_a, xbuf_b, w_v,
                acc_v, sem_a, sem_b):
        wid = lax.axis_index("c") * 16 + lax.axis_index("s")
        stripe = wid & (NSTRIPE - 1)
        c0 = wid >> 3
        col0 = stripe * 128
        lane = lax.iota(jnp.int32, _LANES)

        bufs = (xbuf_a, xbuf_b)
        sems = (sem_a, sem_b)
        RCLAMP = (E - RMAX - 1) & ~7

        def start_dma(k):
            p0 = PG * (c0 + 4 * k)
            r0s = jnp.minimum(8 * p0, RCLAMP)
            buf, sem = bufs[k % 2], sems[k % 2]
            d_main = pltpu.async_copy(
                xt_hbm.at[pl.ds(r0s, RMAX), pl.ds(col0, 128)],
                buf.at[pl.ds(0, RMAX)], sem)
            d_last = pltpu.async_copy(
                xt_hbm.at[pl.ds(E - 1, 1), pl.ds(col0, 128)],
                buf.at[pl.ds(RMAX, 1)], sem)
            return (d_main, d_last), r0s

        pending = start_dma(0)
        pltpu.sync_copy(tgt_hbm.at[pl.ds(col0, 128)], tgt_v)
        pltpu.sync_copy(w_hbm, w_v)
        zeros = jnp.zeros((_LANES,), jnp.float32)
        for grp in range(8):
            acc_v[pl.ds(grp * _LANES, _LANES)] = zeros
        for k in range(NJOBS):
            p0 = PG * (c0 + 4 * k)
            pend = jnp.minimum(p0 + PG, NGROUPS)
            (d_main, d_last), r0s = pending
            if k < NJOBS - 1:
                pending = start_dma(k + 1)
            d_main.wait()
            d_last.wait()
            xbuf = bufs[k % 2]

            def grp_body(grp, _, xbuf=xbuf, p0=p0, pend=pend, r0s=r0s):
                col = grp * _LANES + lane
                a = plsc.load_gather(tgt_v, [col])
                acc = jnp.zeros((_LANES,), jnp.float32)
                for lvl in range(_DEPTH):
                    valid = a > 0
                    p = jnp.where(valid, (a - 1) >> 3, 0)
                    inchunk = valid & (p >= p0) & (p < pend)
                    sel = (a - 1) & 7
                    lbase = jnp.where(inchunk, 8 * p + 1 - r0s, 0)
                    vj = [
                        plsc.load_gather(xbuf, [lbase + j, col])
                        for j in range(_K)
                    ]
                    m = vj[0]
                    for v in vj[1:]:
                        m = jnp.maximum(m, v)
                    ssum = jnp.exp(vj[0] - m)
                    for v in vj[1:]:
                        ssum = ssum + jnp.exp(v - m)
                    lse = m + _log_small(ssum)
                    xa = plsc.load_gather(xbuf, [lbase + sel, col])
                    wa = plsc.load_gather(w_v, [jnp.where(inchunk, a, 0)])
                    acc = acc + jnp.where(inchunk, wa * (xa - lse), 0.0)
                    a = p
                plsc.addupdate_scatter(acc_v, [col], acc)
                return 0

            lax.fori_loop(0, 8, grp_body, 0)

        for grp in range(8):
            part = acc_v[pl.ds(grp * _LANES, _LANES)]
            acc_v[pl.ds(grp * _LANES, _LANES)] = part * (-1.0 / B)
        pltpu.sync_copy(acc_v, out_hbm.at[wid])

    partial = cascade(inputs.T, target.astype(jnp.int32), weights)
    return jnp.sum(partial)

# --- scband reference (transcript-rebuilt; emitter-appended) ---
"""Pipeline reference for scband-softmax-cascade-48730698940767 (READ-ONLY COPY).

The authoritative reference and input builder live on the scoring server;
editing this copy changes nothing except your own understanding.
"""

import jax, jax.numpy as jnp
import numpy as np

K = 8      # branching factor
D = 4      # depth -> K**D = 4096 leaves
B = 1024   # batch size


def _build_tree():
    level_sizes = [K ** l for l in range(D + 1)]
    offsets = np.concatenate([[0], np.cumsum(level_sizes)])
    E = int(offsets[-1])  # 4681 total nodes (edges)
    parent = np.full(E, -1, dtype=np.int64)
    for l in range(1, D + 1):
        ids = offsets[l] + np.arange(level_sizes[l])
        parent[ids] = offsets[l - 1] + np.arange(level_sizes[l]) // K
    # softmax group of each edge: group 0 is the ROOT group (contains only the
    # root edge); every other edge belongs to the group of its parent node.
    segment_ids = np.where(parent >= 0, parent + 1, 0).astype(np.int32)
    num_groups = int(offsets[D]) + 1  # internal nodes + ROOT = 586
    # path_onehot[i, j] = 1 iff j is an ancestor of i (including i itself and root)
    path_onehot = np.zeros((E, E), dtype=np.float32)
    for i in range(E):
        j = i
        while j >= 0:
            path_onehot[i, j] = 1.0
            j = parent[j]
    return E, segment_ids, num_groups, path_onehot


def setup_inputs(seed: int = 0) -> dict:
    key = jax.random.key(seed)
    k1, k2, k3 = jax.random.split(key, 3)
    E, segment_ids, num_groups, path_onehot = _build_tree()
    inputs = jax.random.normal(k1, (B, E), dtype=jnp.float32)
    target = jax.random.randint(k2, (B,), 0, E, dtype=jnp.int64)
    weights = jax.random.uniform(k3, (E,), dtype=jnp.float32)
    return {
        "inputs": inputs,
        "target": target,
        "weights": weights,
        "path_onehot": jnp.asarray(path_onehot),
        "segment_ids": jnp.asarray(segment_ids),
        "num_groups": num_groups,
    }


def _cascade_log_softmax(inputs, segment_ids, num_groups):
    # grouped (cascaded) log_softmax along the edge axis
    x = inputs.T  # [E, B]
    m = jax.ops.segment_max(x, segment_ids, num_segments=num_groups)
    xs = x - m[segment_ids]
    denom = jax.ops.segment_sum(jnp.exp(xs), segment_ids, num_segments=num_groups)
    logp = xs - jnp.log(denom)[segment_ids]
    return logp.T  # [B, E]


def reference(inputs, target, weights, path_onehot, segment_ids, num_groups):
    # SoftmaxCascade.cross_entropy
    batch_size = inputs.shape[0]
    static_num_groups = inputs.shape[1] - K ** D + 1
    normalised = _cascade_log_softmax(inputs, segment_ids, static_num_groups)
    onehot = path_onehot[target]  # gather of ancestor-path one-hots, [B, E]
    loss = -jnp.sum(normalised * onehot * weights[None, :]) / batch_size
    return loss + jnp.zeros((), loss.dtype) * num_groups

if __name__ == "__main__":
    import jax
    _d = setup_inputs()
    print(jax.jit(kernel)(*tuple(_d.values())))

</pallas_src>

<mosaic_0001>
#map = affine_map<(d0, d1) -> (0, 0)>
#map1 = affine_map<(d0, d1) -> (0)>
module attributes {stable_mosaic.version = 14 : i64} {
  func.func @cascade(%arg0: i32, %arg1: i32, %arg2: memref<4681x1024xf32, #tpu.memory_space<hbm>>, %arg3: memref<1024xi32, #tpu.memory_space<hbm>>, %arg4: memref<4681xf32, #tpu.memory_space<hbm>>, %arg5: memref<32x128xf32, #tpu.memory_space<hbm>>, %arg6: memref<128xi32, #tpu.memory_space<vmem>>, %arg7: memref<409x128xf32, #tpu.memory_space<vmem>>, %arg8: memref<409x128xf32, #tpu.memory_space<vmem>>, %arg9: memref<4681xf32, #tpu.memory_space<vmem>>, %arg10: memref<128xf32, #tpu.memory_space<vmem>>, %arg11: memref<!tpu.dma_semaphore, #tpu.memory_space<semaphore_mem>>, %arg12: memref<!tpu.dma_semaphore, #tpu.memory_space<semaphore_mem>>) attributes {dimension_semantics = [#tpu.dimension_semantics<core_parallel>, #tpu.dimension_semantics<subcore_parallel>], iteration_bounds = array<i64: 2, 16>, scalar_prefetch = 0 : i64, scratch_operands = 7 : i64, tpu.core_type = #tpu.core_type<sc_vector_subcore>, window_params = [{transform_indices = #map}, {transform_indices = #map1}, {transform_indices = #map1}, {transform_indices = #map}]} {
    %mul3A = arith.constant 16 : i32
    %mul3A_0 = arith.muli %arg0, %mul3A : i32
    %add3A = arith.addi %mul3A_0, %arg1 : i32
    %and3A = arith.constant 7 : i32
    %and3A_1 = arith.andi %add3A, %and3A : i32
    %shift_right_arithmetic3A = arith.constant 3 : i32
    %shift_right_arithmetic3A_2 = arith.shrsi %add3A, %shift_right_arithmetic3A : i32
    %mul3A_3 = arith.constant 128 : i32
    %mul3A_4 = arith.muli %and3A_1, %mul3A_3 : i32
    %iota3A = tpu.iota {dimensions = array<i32: 0>} : vector<16xi32>
    %add3A_5 = arith.constant 0 : i32
    %add3A_6 = arith.addi %shift_right_arithmetic3A_2, %add3A_5 : i32
    %mul3A_7 = arith.constant 49 : i32
    %mul3A_8 = arith.muli %mul3A_7, %add3A_6 : i32
    %mul3A_9 = arith.constant 8 : i32
    %mul3A_10 = arith.muli %mul3A_9, %mul3A_8 : i32
    %min3A = arith.constant 4272 : i32
    %min3A_11 = arith.minsi %mul3A_10, %min3A : i32
    %dma_start3A = arith.constant 0 : i32
    %dma_start3A_12 = arith.constant 0 : i32
    %dma_start3A_13 = tpu.memref_slice %arg7[%dma_start3A, %dma_start3A_12] : memref<409x128xf32, #tpu.memory_space<vmem>> -> memref<408x128xf32, #tpu.memory_space<vmem>>
    %dma_start3A_14 = tpu.memref_slice %arg2[%min3A_11, %mul3A_4] : memref<4681x1024xf32, #tpu.memory_space<hbm>> -> memref<408x128xf32, #tpu.memory_space<hbm>>
    %dma_start3A_15 = arith.constant 0 : i32
    %dma_start3A_16 = arith.constant 0 : i32
    %dma_start3A_17 = tpu.memref_slice %arg7[%dma_start3A_15, %dma_start3A_16] : memref<409x128xf32, #tpu.memory_space<vmem>> -> memref<408x128xf32, #tpu.memory_space<vmem>>
    %dma_start3A_18 = tpu.memref_slice %arg2[%min3A_11, %mul3A_4] : memref<4681x1024xf32, #tpu.memory_space<hbm>> -> memref<408x128xf32, #tpu.memory_space<hbm>>
    tpu.enqueue_dma source(%dma_start3A_18 : memref<408x128xf32, #tpu.memory_space<hbm>>) target(%dma_start3A_17 : memref<408x128xf32, #tpu.memory_space<vmem>>) target_semaphore(%arg11 : memref<!tpu.dma_semaphore, #tpu.memory_space<semaphore_mem>>)
    %dma_start3A_19 = arith.constant 408 : i32
    %dma_start3A_20 = arith.constant 0 : i32
    %dma_start3A_21 = tpu.memref_slice %arg7[%dma_start3A_19, %dma_start3A_20] : memref<409x128xf32, #tpu.memory_space<vmem>> -> memref<1x128xf32, #tpu.memory_space<vmem>>
    %dma_start3A_22 = arith.constant 4680 : i32
    %dma_start3A_23 = tpu.memref_slice %arg2[%dma_start3A_22, %mul3A_4] : memref<4681x1024xf32, #tpu.memory_space<hbm>> -> memref<1x128xf32, #tpu.memory_space<hbm>>
    %dma_start3A_24 = arith.constant 408 : i32
    %dma_start3A_25 = arith.constant 0 : i32
    %dma_start3A_26 = tpu.memref_slice %arg7[%dma_start3A_24, %dma_start3A_25] : memref<409x128xf32, #tpu.memory_space<vmem>> -> memref<1x128xf32, #tpu.memory_space<vmem>>
    %dma_start3A_27 = arith.constant 4680 : i32
    %dma_start3A_28 = tpu.memref_slice %arg2[%dma_start3A_27, %mul3A_4] : memref<4681x1024xf32, #tpu.memory_space<hbm>> -> memref<1x128xf32, #tpu.memory_space<hbm>>
    tpu.enqueue_dma source(%dma_start3A_28 : memref<1x128xf32, #tpu.memory_space<hbm>>) target(%dma_start3A_26 : memref<1x128xf32, #tpu.memory_space<vmem>>) target_semaphore(%arg11 : memref<!tpu.dma_semaphore, #tpu.memory_space<semaphore_mem>>)
    "tpu.region"() ({
      %run_scoped3A = tpu.sem_alloc : memref<!tpu.dma_semaphore, #tpu.memory_space<semaphore_mem>>
      %dma_start3A_249 = tpu.memref_slice %arg3[%mul3A_4] : memref<1024xi32, #tpu.memory_space<hbm>> -> memref<128xi32, #tpu.memory_space<hbm>>
      %dma_start3A_250 = tpu.memref_slice %arg3[%mul3A_4] : memref<1024xi32, #tpu.memory_space<hbm>> -> memref<128xi32, #tpu.memory_space<hbm>>
      tpu.enqueue_dma source(%dma_start3A_250 : memref<128xi32, #tpu.memory_space<hbm>>) target(%arg6 : memref<128xi32, #tpu.memory_space<vmem>>) target_semaphore(%run_scoped3A : memref<!tpu.dma_semaphore, #tpu.memory_space<semaphore_mem>>)
      %dma_wait3A_251 = tpu.memref_slice %arg3[%mul3A_4] : memref<1024xi32, #tpu.memory_space<hbm>> -> memref<128xi32, #tpu.memory_space<hbm>>
      %dma_wait3A_252 = tpu.memref_slice %arg3[%mul3A_4] : memref<1024xi32, #tpu.memory_space<hbm>> -> memref<128xi32, #tpu.memory_space<hbm>>
      tpu.wait_dma2 semaphore(%run_scoped3A : memref<!tpu.dma_semaphore, #tpu.memory_space<semaphore_mem>>) src(%dma_wait3A_252 : memref<128xi32, #tpu.memory_space<hbm>>) dst(%arg6 : memref<128xi32, #tpu.memory_space<vmem>>)
      tpu.yield
    }) : () -> ()
    "tpu.region"() ({
      %run_scoped3A = tpu.sem_alloc : memref<!tpu.dma_semaphore, #tpu.memory_space<semaphore_mem>>
      tpu.enqueue_dma source(%arg4 : memref<4681xf32, #tpu.memory_space<hbm>>) target(%arg9 : memref<4681xf32, #tpu.memory_space<vmem>>) target_semaphore(%run_scoped3A : memref<!tpu.dma_semaphore, #tpu.memory_space<semaphore_mem>>)
      tpu.wait_dma2 semaphore(%run_scoped3A : memref<!tpu.dma_semaphore, #tpu.memory_space<semaphore_mem>>) src(%arg4 : memref<4681xf32, #tpu.memory_space<hbm>>) dst(%arg9 : memref<4681xf32, #tpu.memory_space<vmem>>)
      tpu.yield
    }) : () -> ()
    %broadcast_in_dim3A = arith.constant 0.000000e+00 : f32
    %broadcast_in_dim3A_29 = vector.broadcast %broadcast_in_dim3A : f32 to vector<16xf32>
    %swap3A = arith.constant 0 : index
    %swap3A_30 = tpu.vector_load %arg10[%swap3A] {strides = array<i32>} : memref<128xf32, #tpu.memory_space<vmem>>, vector<16xf32>,
    tpu.vector_store %arg10[%swap3A], %broadcast_in_dim3A_29 {strides = array<i32>} : memref<128xf32, #tpu.memory_space<vmem>>, vector<16xf32>,
    %swap3A_31 = arith.constant 16 : index
    %swap3A_32 = tpu.vector_load %arg10[%swap3A_31] {strides = array<i32>} : memref<128xf32, #tpu.memory_space<vmem>>, vector<16xf32>,
    tpu.vector_store %arg10[%swap3A_31], %broadcast_in_dim3A_29 {strides = array<i32>} : memref<128xf32, #tpu.memory_space<vmem>>, vector<16xf32>,
    %swap3A_33 = arith.constant 32 : index
    %swap3A_34 = tpu.vector_load %arg10[%swap3A_33] {strides = array<i32>} : memref<128xf32, #tpu.memory_space<vmem>>, vector<16xf32>,
    tpu.vector_store %arg10[%swap3A_33], %broadcast_in_dim3A_29 {strides = array<i32>} : memref<128xf32, #tpu.memory_space<vmem>>, vector<16xf32>,
    %swap3A_35 = arith.constant 48 : index
    %swap3A_36 = tpu.vector_load %arg10[%swap3A_35] {strides = array<i32>} : memref<128xf32, #tpu.memory_space<vmem>>, vector<16xf32>,
    tpu.vector_store %arg10[%swap3A_35], %broadcast_in_dim3A_29 {strides = array<i32>} : memref<128xf32, #tpu.memory_space<vmem>>, vector<16xf32>,
    %swap3A_37 = arith.constant 64 : index
    %swap3A_38 = tpu.vector_load %arg10[%swap3A_37] {strides = array<i32>} : memref<128xf32, #tpu.memory_space<vmem>>, vector<16xf32>,
    tpu.vector_store %arg10[%swap3A_37], %broadcast_in_dim3A_29 {strides = array<i32>} : memref<128xf32, #tpu.memory_space<vmem>>, vector<16xf32>,
    %swap3A_39 = arith.constant 80 : index
    %swap3A_40 = tpu.vector_load %arg10[%swap3A_39] {strides = array<i32>} : memref<128xf32, #tpu.memory_space<vmem>>, vector<16xf32>,
    tpu.vector_store %arg10[%swap3A_39], %broadcast_in_dim3A_29 {strides = array<i32>} : memref<128xf32, #tpu.memory_space<vmem>>, vector<16xf32>,
    %swap3A_41 = arith.constant 96 : index
    %swap3A_42 = tpu.vector_load %arg10[%swap3A_41] {strides = array<i32>} : memref<128xf32, #tpu.memory_space<vmem>>, vector<16xf32>,
    tpu.vector_store %arg10[%swap3A_41], %broadcast_in_dim3A_29 {strides = array<i32>} : memref<128xf32, #tpu.memory_space<vmem>>, vector<16xf32>,
    %swap3A_43 = arith.constant 112 : index
    %swap3A_44 = tpu.vector_load %arg10[%swap3A_43] {strides = array<i32>} : memref<128xf32, #tpu.memory_space<vmem>>, vector<16xf32>,
    tpu.vector_store %arg10[%swap3A_43], %broadcast_in_dim3A_29 {strides = array<i32>} : memref<128xf32, #tpu.memory_space<vmem>>, vector<16xf32>,
    %add3A_45 = arith.constant 0 : i32
    %add3A_46 = arith.addi %shift_right_arithmetic3A_2, %add3A_45 : i32
    %mul3A_47 = arith.constant 49 : i32
    %mul3A_48 = arith.muli %mul3A_47, %add3A_46 : i32
    %add3A_49 = arith.constant 49 : i32
    %add3A_50 = arith.addi %mul3A_48, %add3A_49 : i32
    %min3A_51 = arith.constant 585 : i32
    %min3A_52 = arith.minsi %add3A_50, %min3A_51 : i32
    %add3A_53 = arith.constant 4 : i32
    %add3A_54 = arith.addi %shift_right_arithmetic3A_2, %add3A_53 : i32
    %mul3A_55 = arith.constant 49 : i32
    %mul3A_56 = arith.muli %mul3A_55, %add3A_54 : i32
    %mul3A_57 = arith.constant 8 : i32
    %mul3A_58 = arith.muli %mul3A_57, %mul3A_56 : i32
    %min3A_59 = arith.constant 4272 : i32
    %min3A_60 = arith.minsi %mul3A_58, %min3A_59 : i32
    %dma_start3A_61 = arith.constant 0 : i32
    %dma_start3A_62 = arith.constant 0 : i32
    %dma_start3A_63 = tpu.memref_slice %arg8[%dma_start3A_61, %dma_start3A_62] : memref<409x128xf32, #tpu.memory_space<vmem>> -> memref<408x128xf32, #tpu.memory_space<vmem>>
    %dma_start3A_64 = tpu.memref_slice %arg2[%min3A_60, %mul3A_4] : memref<4681x1024xf32, #tpu.memory_space<hbm>> -> memref<408x128xf32, #tpu.memory_space<hbm>>
    %dma_start3A_65 = arith.constant 0 : i32
    %dma_start3A_66 = arith.constant 0 : i32
    %dma_start3A_67 = tpu.memref_slice %arg8[%dma_start3A_65, %dma_start3A_66] : memref<409x128xf32, #tpu.memory_space<vmem>> -> memref<408x128xf32, #tpu.memory_space<vmem>>
    %dma_start3A_68 = tpu.memref_slice %arg2[%min3A_60, %mul3A_4] : memref<4681x1024xf32, #tpu.memory_space<hbm>> -> memref<408x128xf32, #tpu.memory_space<hbm>>
    tpu.enqueue_dma source(%dma_start3A_68 : memref<408x128xf32, #tpu.memory_space<hbm>>) target(%dma_start3A_67 : memref<408x128xf32, #tpu.memory_space<vmem>>) target_semaphore(%arg12 : memref<!tpu.dma_semaphore, #tpu.memory_space<semaphore_mem>>)
    %dma_start3A_69 = arith.constant 408 : i32
    %dma_start3A_70 = arith.constant 0 : i32
    %dma_start3A_71 = tpu.memref_slice %arg8[%dma_start3A_69, %dma_start3A_70] : memref<409x128xf32, #tpu.memory_space<vmem>> -> memref<1x128xf32, #tpu.memory_space<vmem>>
    %dma_start3A_72 = arith.constant 4680 : i32
    %dma_start3A_73 = tpu.memref_slice %arg2[%dma_start3A_72, %mul3A_4] : memref<4681x1024xf32, #tpu.memory_space<hbm>> -> memref<1x128xf32, #tpu.memory_space<hbm>>
    %dma_start3A_74 = arith.constant 408 : i32
    %dma_start3A_75 = arith.constant 0 : i32
    %dma_start3A_76 = tpu.memref_slice %arg8[%dma_start3A_74, %dma_start3A_75] : memref<409x128xf32, #tpu.memory_space<vmem>> -> memref<1x128xf32, #tpu.memory_space<vmem>>
    %dma_start3A_77 = arith.constant 4680 : i32
    %dma_start3A_78 = tpu.memref_slice %arg2[%dma_start3A_77, %mul3A_4] : memref<4681x1024xf32, #tpu.memory_space<hbm>> -> memref<1x128xf32, #tpu.memory_space<hbm>>
    tpu.enqueue_dma source(%dma_start3A_78 : memref<1x128xf32, #tpu.memory_space<hbm>>) target(%dma_start3A_76 : memref<1x128xf32, #tpu.memory_space<vmem>>) target_semaphore(%arg12 : memref<!tpu.dma_semaphore, #tpu.memory_space<semaphore_mem>>)
    %dma_wait3A = arith.constant 0 : i32
    %dma_wait3A_79 = arith.constant 0 : i32
    %dma_wait3A_80 = tpu.memref_slice %arg7[%dma_wait3A, %dma_wait3A_79] : memref<409x128xf32, #tpu.memory_space<vmem>> -> memref<408x128xf32, #tpu.memory_space<vmem>>
    %dma_wait3A_81 = tpu.memref_slice %arg2[%min3A_11, %mul3A_4] : memref<4681x1024xf32, #tpu.memory_space<hbm>> -> memref<408x128xf32, #tpu.memory_space<hbm>>
    %dma_wait3A_82 = arith.constant 0 : i32
    %dma_wait3A_83 = arith.constant 0 : i32
    %dma_wait3A_84 = tpu.memref_slice %arg7[%dma_wait3A_82, %dma_wait3A_83] : memref<409x128xf32, #tpu.memory_space<vmem>> -> memref<408x128xf32, #tpu.memory_space<vmem>>
    %dma_wait3A_85 = tpu.memref_slice %arg2[%min3A_11, %mul3A_4] : memref<4681x1024xf32, #tpu.memory_space<hbm>> -> memref<408x128xf32, #tpu.memory_space<hbm>>
    tpu.wait_dma2 semaphore(%arg11 : memref<!tpu.dma_semaphore, #tpu.memory_space<semaphore_mem>>) src(%dma_wait3A_85 : memref<408x128xf32, #tpu.memory_space<hbm>>) dst(%dma_wait3A_84 : memref<408x128xf32, #tpu.memory_space<vmem>>)
    %dma_wait3A_86 = arith.constant 408 : i32
    %dma_wait3A_87 = arith.constant 0 : i32
    %dma_wait3A_88 = tpu.memref_slice %arg7[%dma_wait3A_86, %dma_wait3A_87] : memref<409x128xf32, #tpu.memory_space<vmem>> -> memref<1x128xf32, #tpu.memory_space<vmem>>
    %dma_wait3A_89 = arith.constant 4680 : i32
    %dma_wait3A_90 = tpu.memref_slice %arg2[%dma_wait3A_89, %mul3A_4] : memref<4681x1024xf32, #tpu.memory_space<hbm>> -> memref<1x128xf32, #tpu.memory_space<hbm>>
    %dma_wait3A_91 = arith.constant 408 : i32
    %dma_wait3A_92 = arith.constant 0 : i32
    %dma_wait3A_93 = tpu.memref_slice %arg7[%dma_wait3A_91, %dma_wait3A_92] : memref<409x128xf32, #tpu.memory_space<vmem>> -> memref<1x128xf32, #tpu.memory_space<vmem>>
    %dma_wait3A_94 = arith.constant 4680 : i32
    %dma_wait3A_95 = tpu.memref_slice %arg2[%dma_wait3A_94, %mul3A_4] : memref<4681x1024xf32, #tpu.memory_space<hbm>> -> memref<1x128xf32, #tpu.memory_space<hbm>>
    tpu.wait_dma2 semaphore(%arg11 : memref<!tpu.dma_semaphore, #tpu.memory_space<semaphore_mem>>) src(%dma_wait3A_95 : memref<1x128xf32, #tpu.memory_space<hbm>>) dst(%dma_wait3A_93 : memref<1x128xf32, #tpu.memory_space<vmem>>)
    %scan3A = arith.constant 0 : i32
    %scan3A_96 = arith.constant 0 : i32
    %scan3A_97 = arith.constant 8 : i32
    %scan3A_98 = arith.addi %scan3A_96, %scan3A_97 : i32
    %scan3A_99 = arith.constant 1 : i32
    %scan3A_100 = scf.for %scan3A_249 = %scan3A_96 to %scan3A_98 step %scan3A_99 iter_args(%scan3A_250 = %scan3A) -> (i32)  : i32 {
      %mul3A_251 = arith.constant 16 : i32
      %mul3A_252 = arith.muli %scan3A_249, %mul3A_251 : i32
      %add3A_253 = vector.broadcast %mul3A_252 : i32 to vector<16xi32>
      %add3A_254 = arith.addi %add3A_253, %iota3A : vector<16xi32>
      %gather3A = tpu.vector_load_idx %arg6[%add3A_254] : memref<128xi32, #tpu.memory_space<vmem>>[vector<16xi32>], vector<16xi32>,
      %broadcast_in_dim3A_255 = arith.constant 0.000000e+00 : f32
      %broadcast_in_dim3A_256 = vector.broadcast %broadcast_in_dim3A_255 : f32 to vector<16xf32>
      %gt3A = arith.constant 0 : i32
      %gt3A_257 = vector.broadcast %gt3A : i32 to vector<16xi32>
      %gt3A_258 = arith.cmpi sgt, %gather3A, %gt3A_257 : vector<16xi32>
      %sub3A = arith.constant 1 : i32
      %sub3A_259 = vector.broadcast %sub3A : i32 to vector<16xi32>
      %sub3A_260 = arith.subi %gather3A, %sub3A_259 : vector<16xi32>
      %shift_right_arithmetic3A_261 = arith.constant 3 : i32
      %shift_right_arithmetic3A_262 = vector.broadcast %shift_right_arithmetic3A_261 : i32 to vector<16xi32>
      %shift_right_arithmetic3A_263 = arith.shrsi %sub3A_260, %shift_right_arithmetic3A_262 : vector<16xi32>
      %jit3A = arith.constant 0 : i32
      %broadcast_in_dim3A_264 = vector.broadcast %jit3A : i32 to vector<16xi32>
      %select_n3A = arith.select %gt3A_258, %shift_right_arithmetic3A_263, %broadcast_in_dim3A_264 : vector<16xi1>, vector<16xi32>
      %ge3A = vector.broadcast %mul3A_48 : i32 to vector<16xi32>
      %ge3A_265 = arith.cmpi sge, %select_n3A, %ge3A : vector<16xi32>
      %and3A_266 = arith.andi %gt3A_258, %ge3A_265 : vector<16xi1>
      %lt3A = vector.broadcast %min3A_52 : i32 to vector<16xi32>
      %lt3A_267 = arith.cmpi slt, %select_n3A, %lt3A : vector<16xi32>
      %and3A_268 = arith.andi %and3A_266, %lt3A_267 : vector<16xi1>
      %sub3A_269 = arith.constant 1 : i32
      %sub3A_270 = vector.broadcast %sub3A_269 : i32 to vector<16xi32>
      %sub3A_271 = arith.subi %gather3A, %sub3A_270 : vector<16xi32>
      %and3A_272 = arith.constant 7 : i32
      %and3A_273 = vector.broadcast %and3A_272 : i32 to vector<16xi32>
      %and3A_274 = arith.andi %sub3A_271, %and3A_273 : vector<16xi32>
      %mul3A_275 = arith.constant 8 : i32
      %mul3A_276 = vector.broadcast %mul3A_275 : i32 to vector<16xi32>
      %mul3A_277 = arith.muli %mul3A_276, %select_n3A : vector<16xi32>
      %add3A_278 = arith.constant 1 : i32
      %add3A_279 = vector.broadcast %add3A_278 : i32 to vector<16xi32>
      %add3A_280 = arith.addi %mul3A_277, %add3A_279 : vector<16xi32>
      %sub3A_281 = vector.broadcast %min3A_11 : i32 to vector<16xi32>
      %sub3A_282 = arith.subi %add3A_280, %sub3A_281 : vector<16xi32>
      %jit3A_283 = arith.constant 0 : i32
      %broadcast_in_dim3A_284 = vector.broadcast %jit3A_283 : i32 to vector<16xi32>
      %select_n3A_285 = arith.select %and3A_268, %sub3A_282, %broadcast_in_dim3A_284 : vector<16xi1>, vector<16xi32>
      %add3A_286 = arith.constant 0 : i32
      %add3A_287 = vector.broadcast %add3A_286 : i32 to vector<16xi32>
      %add3A_288 = arith.addi %select_n3A_285, %add3A_287 : vector<16xi32>
      %gather3A_289 = tpu.vector_load_idx %arg7[%add3A_288, %add3A_254] : memref<409x128xf32, #tpu.memory_space<vmem>>[vector<16xi32>, vector<16xi32>], vector<16xf32>,
      %add3A_290 = arith.constant 1 : i32
      %add3A_291 = vector.broadcast %add3A_290 : i32 to vector<16xi32>
      %add3A_292 = arith.addi %select_n3A_285, %add3A_291 : vector<16xi32>
      %gather3A_293 = tpu.vector_load_idx %arg7[%add3A_292, %add3A_254] : memref<409x128xf32, #tpu.memory_space<vmem>>[vector<16xi32>, vector<16xi32>], vector<16xf32>,
      %add3A_294 = arith.constant 2 : i32
      %add3A_295 = vector.broadcast %add3A_294 : i32 to vector<16xi32>
      %add3A_296 = arith.addi %select_n3A_285, %add3A_295 : vector<16xi32>
      %gather3A_297 = tpu.vector_load_idx %arg7[%add3A_296, %add3A_254] : memref<409x128xf32, #tpu.memory_space<vmem>>[vector<16xi32>, vector<16xi32>], vector<16xf32>,
      %add3A_298 = arith.constant 3 : i32
      %add3A_299 = vector.broadcast %add3A_298 : i32 to vector<16xi32>
      %add3A_300 = arith.addi %select_n3A_285, %add3A_299 : vector<16xi32>
      %gather3A_301 = tpu.vector_load_idx %arg7[%add3A_300, %add3A_254] : memref<409x128xf32, #tpu.memory_space<vmem>>[vector<16xi32>, vector<16xi32>], vector<16xf32>,
      %add3A_302 = arith.constant 4 : i32
      %add3A_303 = vector.broadcast %add3A_302 : i32 to vector<16xi32>
      %add3A_304 = arith.addi %select_n3A_285, %add3A_303 : vector<16xi32>
      %gather3A_305 = tpu.vector_load_idx %arg7[%add3A_304, %add3A_254] : memref<409x128xf32, #tpu.memory_space<vmem>>[vector<16xi32>, vector<16xi32>], vector<16xf32>,
      %add3A_306 = arith.constant 5 : i32
      %add3A_307 = vector.broadcast %add3A_306 : i32 to vector<16xi32>
      %add3A_308 = arith.addi %select_n3A_285, %add3A_307 : vector<16xi32>
      %gather3A_309 = tpu.vector_load_idx %arg7[%add3A_308, %add3A_254] : memref<409x128xf32, #tpu.memory_space<vmem>>[vector<16xi32>, vector<16xi32>], vector<16xf32>,
      %add3A_310 = arith.constant 6 : i32
      %add3A_311 = vector.broadcast %add3A_310 : i32 to vector<16xi32>
      %add3A_312 = arith.addi %select_n3A_285, %add3A_311 : vector<16xi32>
      %gather3A_313 = tpu.vector_load_idx %arg7[%add3A_312, %add3A_254] : memref<409x128xf32, #tpu.memory_space<vmem>>[vector<16xi32>, vector<16xi32>], vector<16xf32>,
      %add3A_314 = arith.constant 7 : i32
      %add3A_315 = vector.broadcast %add3A_314 : i32 to vector<16xi32>
      %add3A_316 = arith.addi %select_n3A_285, %add3A_315 : vector<16xi32>
      %gather3A_317 = tpu.vector_load_idx %arg7[%add3A_316, %add3A_254] : memref<409x128xf32, #tpu.memory_space<vmem>>[vector<16xi32>, vector<16xi32>], vector<16xf32>,
      %max3A = arith.maximumf %gather3A_289, %gather3A_293 : vector<16xf32>
      %max3A_318 = arith.maximumf %max3A, %gather3A_297 : vector<16xf32>
      %max3A_319 = arith.maximumf %max3A_318, %gather3A_301 : vector<16xf32>
      %max3A_320 = arith.maximumf %max3A_319, %gather3A_305 : vector<16xf32>
      %max3A_321 = arith.maximumf %max3A_320, %gather3A_309 : vector<16xf32>
      %max3A_322 = arith.maximumf %max3A_321, %gather3A_313 : vector<16xf32>
      %max3A_323 = arith.maximumf %max3A_322, %gather3A_317 : vector<16xf32>
      %sub3A_324 = arith.subf %gather3A_289, %max3A_323 : vector<16xf32>
      %exp3A = math.exp %sub3A_324 : vector<16xf32>
      %sub3A_325 = arith.subf %gather3A_293, %max3A_323 : vector<16xf32>
      %exp3A_326 = math.exp %sub3A_325 : vector<16xf32>
      %add3A_327 = arith.addf %exp3A, %exp3A_326 : vector<16xf32>
      %sub3A_328 = arith.subf %gather3A_297, %max3A_323 : vector<16xf32>
      %exp3A_329 = math.exp %sub3A_328 : vector<16xf32>
      %add3A_330 = arith.addf %add3A_327, %exp3A_329 : vector<16xf32>
      %sub3A_331 = arith.subf %gather3A_301, %max3A_323 : vector<16xf32>
      %exp3A_332 = math.exp %sub3A_331 : vector<16xf32>
      %add3A_333 = arith.addf %add3A_330, %exp3A_332 : vector<16xf32>
      %sub3A_334 = arith.subf %gather3A_305, %max3A_323 : vector<16xf32>
      %exp3A_335 = math.exp %sub3A_334 : vector<16xf32>
      %add3A_336 = arith.addf %add3A_333, %exp3A_335 : vector<16xf32>
      %sub3A_337 = arith.subf %gather3A_309, %max3A_323 : vector<16xf32>
      %exp3A_338 = math.exp %sub3A_337 : vector<16xf32>
      %add3A_339 = arith.addf %add3A_336, %exp3A_338 : vector<16xf32>
      %sub3A_340 = arith.subf %gather3A_313, %max3A_323 : vector<16xf32>
      %exp3A_341 = math.exp %sub3A_340 : vector<16xf32>
      %add3A_342 = arith.addf %add3A_339, %exp3A_341 : vector<16xf32>
      %sub3A_343 = arith.subf %gather3A_317, %max3A_323 : vector<16xf32>
      %exp3A_344 = math.exp %sub3A_343 : vector<16xf32>
      %add3A_345 = arith.addf %add3A_342, %exp3A_344 : vector<16xf32>
      %bitcast3A = vector.bitcast %add3A_345 : vector<16xf32> to vector<16xi32>
      %shift_right_arithmetic3A_346 = arith.constant 23 : i32
      %shift_right_arithmetic3A_347 = vector.broadcast %shift_right_arithmetic3A_346 : i32 to vector<16xi32>
      %shift_right_arithmetic3A_348 = arith.shrsi %bitcast3A, %shift_right_arithmetic3A_347 : vector<16xi32>
      %sub3A_349 = arith.constant 127 : i32
      %sub3A_350 = vector.broadcast %sub3A_349 : i32 to vector<16xi32>
      %sub3A_351 = arith.subi %shift_right_arithmetic3A_348, %sub3A_350 : vector<16xi32>
      %and3A_352 = arith.constant 8388607 : i32
      %and3A_353 = vector.broadcast %and3A_352 : i32 to vector<16xi32>
      %and3A_354 = arith.andi %bitcast3A, %and3A_353 : vector<16xi32>
      %or3A = arith.constant 1065353216 : i32
      %or3A_355 = vector.broadcast %or3A : i32 to vector<16xi32>
      %or3A_356 = arith.ori %and3A_354, %or3A_355 : vector<16xi32>
      %bitcast3A_357 = vector.bitcast %or3A_356 : vector<16xi32> to vector<16xf32>
      %sub3A_358 = arith.constant 1.000000e+00 : f32
      %sub3A_359 = vector.broadcast %sub3A_358 : f32 to vector<16xf32>
      %sub3A_360 = arith.subf %bitcast3A_357, %sub3A_359 : vector<16xf32>
      %add3A_361 = arith.constant 1.000000e+00 : f32
      %add3A_362 = vector.broadcast %add3A_361 : f32 to vector<16xf32>
      %add3A_363 = arith.addf %bitcast3A_357, %add3A_362 : vector<16xf32>
      %div3A = arith.divf %sub3A_360, %add3A_363 : vector<16xf32>
      %mul3A_364 = arith.mulf %div3A, %div3A : vector<16xf32>
      %mul3A_365 = arith.constant 0.0909090936 : f32
      %mul3A_366 = vector.broadcast %mul3A_365 : f32 to vector<16xf32>
      %mul3A_367 = arith.mulf %mul3A_366, %mul3A_364 : vector<16xf32>
      %add3A_368 = arith.constant 0.111111112 : f32
      %add3A_369 = vector.broadcast %add3A_368 : f32 to vector<16xf32>
      %add3A_370 = arith.addf %mul3A_367, %add3A_369 : vector<16xf32>
      %mul3A_371 = arith.mulf %add3A_370, %mul3A_364 : vector<16xf32>
      %add3A_372 = arith.constant 0.142857149 : f32
      %add3A_373 = vector.broadcast %add3A_372 : f32 to vector<16xf32>
      %add3A_374 = arith.addf %mul3A_371, %add3A_373 : vector<16xf32>
      %mul3A_375 = arith.mulf %add3A_374, %mul3A_364 : vector<16xf32>
      %add3A_376 = arith.constant 2.000000e-01 : f32
      %add3A_377 = vector.broadcast %add3A_376 : f32 to vector<16xf32>
      %add3A_378 = arith.addf %mul3A_375, %add3A_377 : vector<16xf32>
      %mul3A_379 = arith.mulf %add3A_378, %mul3A_364 : vector<16xf32>
      %add3A_380 = arith.constant 0.333333343 : f32
      %add3A_381 = vector.broadcast %add3A_380 : f32 to vector<16xf32>
      %add3A_382 = arith.addf %mul3A_379, %add3A_381 : vector<16xf32>
      %mul3A_383 = arith.mulf %add3A_382, %mul3A_364 : vector<16xf32>
      %add3A_384 = arith.constant 1.000000e+00 : f32
      %add3A_385 = vector.broadcast %add3A_384 : f32 to vector<16xf32>
      %add3A_386 = arith.addf %mul3A_383, %add3A_385 : vector<16xf32>
      %convert_element_type3A = arith.sitofp %sub3A_351 : vector<16xi32> to vector<16xf32>
      %mul3A_387 = arith.constant 0.693147182 : f32
      %mul3A_388 = vector.broadcast %mul3A_387 : f32 to vector<16xf32>
      %mul3A_389 = arith.mulf %convert_element_type3A, %mul3A_388 : vector<16xf32>
      %mul3A_390 = arith.constant 2.000000e+00 : f32
      %mul3A_391 = vector.broadcast %mul3A_390 : f32 to vector<16xf32>
      %mul3A_392 = arith.mulf %mul3A_391, %div3A : vector<16xf32>
      %mul3A_393 = arith.mulf %mul3A_392, %add3A_386 : vector<16xf32>
      %add3A_394 = arith.addf %mul3A_389, %mul3A_393 : vector<16xf32>
      %add3A_395 = arith.addf %max3A_323, %add3A_394 : vector<16xf32>
      %add3A_396 = arith.addi %select_n3A_285, %and3A_274 : vector<16xi32>
      %gather3A_397 = tpu.vector_load_idx %arg7[%add3A_396, %add3A_254] : memref<409x128xf32, #tpu.memory_space<vmem>>[vector<16xi32>, vector<16xi32>], vector<16xf32>,
      %jit3A_398 = arith.constant 0 : i32
      %broadcast_in_dim3A_399 = vector.broadcast %jit3A_398 : i32 to vector<16xi32>
      %select_n3A_400 = arith.select %and3A_268, %gather3A, %broadcast_in_dim3A_399 : vector<16xi1>, vector<16xi32>
      %gather3A_401 = tpu.vector_load_idx %arg9[%select_n3A_400] : memref<4681xf32, #tpu.memory_space<vmem>>[vector<16xi32>], vector<16xf32>,
      %sub3A_402 = arith.subf %gather3A_397, %add3A_395 : vector<16xf32>
      %mul3A_403 = arith.mulf %gather3A_401, %sub3A_402 : vector<16xf32>
      %jit3A_404 = arith.constant 0.000000e+00 : f32
      %broadcast_in_dim3A_405 = vector.broadcast %jit3A_404 : f32 to vector<16xf32>
      %select_n3A_406 = arith.select %and3A_268, %mul3A_403, %broadcast_in_dim3A_405 : vector<16xi1>, vector<16xf32>
      %add3A_407 = arith.addf %broadcast_in_dim3A_256, %select_n3A_406 : vector<16xf32>
      %gt3A_408 = arith.constant 0 : i32
      %gt3A_409 = vector.broadcast %gt3A_408 : i32 to vector<16xi32>
      %gt3A_410 = arith.cmpi sgt, %select_n3A, %gt3A_409 : vector<16xi32>
      %sub3A_411 = arith.constant 1 : i32
      %sub3A_412 = vector.broadcast %sub3A_411 : i32 to vector<16xi32>
      %sub3A_413 = arith.subi %select_n3A, %sub3A_412 : vector<16xi32>
      %shift_right_arithmetic3A_414 = arith.constant 3 : i32
      %shift_right_arithmetic3A_415 = vector.broadcast %shift_right_arithmetic3A_414 : i32 to vector<16xi32>
      %shift_right_arithmetic3A_416 = arith.shrsi %sub3A_413, %shift_right_arithmetic3A_415 : vector<16xi32>
      %jit3A_417 = arith.constant 0 : i32
      %broadcast_in_dim3A_418 = vector.broadcast %jit3A_417 : i32 to vector<16xi32>
      %select_n3A_419 = arith.select %gt3A_410, %shift_right_arithmetic3A_416, %broadcast_in_dim3A_418 : vector<16xi1>, vector<16xi32>
      %ge3A_420 = vector.broadcast %mul3A_48 : i32 to vector<16xi32>
      %ge3A_421 = arith.cmpi sge, %select_n3A_419, %ge3A_420 : vector<16xi32>
      %and3A_422 = arith.andi %gt3A_410, %ge3A_421 : vector<16xi1>
      %lt3A_423 = vector.broadcast %min3A_52 : i32 to vector<16xi32>
      %lt3A_424 = arith.cmpi slt, %select_n3A_419, %lt3A_423 : vector<16xi32>
      %and3A_425 = arith.andi %and3A_422, %lt3A_424 : vector<16xi1>
      %sub3A_426 = arith.constant 1 : i32
      %sub3A_427 = vector.broadcast %sub3A_426 : i32 to vector<16xi32>
      %sub3A_428 = arith.subi %select_n3A, %sub3A_427 : vector<16xi32>
      %and3A_429 = arith.constant 7 : i32
      %and3A_430 = vector.broadcast %and3A_429 : i32 to vector<16xi32>
      %and3A_431 = arith.andi %sub3A_428, %and3A_430 : vector<16xi32>
      %mul3A_432 = arith.constant 8 : i32
      %mul3A_433 = vector.broadcast %mul3A_432 : i32 to vector<16xi32>
      %mul3A_434 = arith.muli %mul3A_433, %select_n3A_419 : vector<16xi32>
      %add3A_435 = arith.constant 1 : i32
      %add3A_436 = vector.broadcast %add3A_435 : i32 to vector<16xi32>
      %add3A_437 = arith.addi %mul3A_434, %add3A_436 : vector<16xi32>
      %sub3A_438 = vector.broadcast %min3A_11 : i32 to vector<16xi32>
      %sub3A_439 = arith.subi %add3A_437, %sub3A_438 : vector<16xi32>
      %jit3A_440 = arith.constant 0 : i32
      %broadcast_in_dim3A_441 = vector.broadcast %jit3A_440 : i32 to vector<16xi32>
      %select_n3A_442 = arith.select %and3A_425, %sub3A_439, %broadcast_in_dim3A_441 : vector<16xi1>, vector<16xi32>
      %add3A_443 = arith.constant 0 : i32
      %add3A_444 = vector.broadcast %add3A_443 : i32 to vector<16xi32>
      %add3A_445 = arith.addi %select_n3A_442, %add3A_444 : vector<16xi32>
      %gather3A_446 = tpu.vector_load_idx %arg7[%add3A_445, %add3A_254] : memref<409x128xf32, #tpu.memory_space<vmem>>[vector<16xi32>, vector<16xi32>], vector<16xf32>,
      %add3A_447 = arith.constant 1 : i32
      %add3A_448 = vector.broadcast %add3A_447 : i32 to vector<16xi32>
      %add3A_449 = arith.addi %select_n3A_442, %add3A_448 : vector<16xi32>
      %gather3A_450 = tpu.vector_load_idx %arg7[%add3A_449, %add3A_254] : memref<409x128xf32, #tpu.memory_space<vmem>>[vector<16xi32>, vector<16xi32>], vector<16xf32>,
      %add3A_451 = arith.constant 2 : i32
      %add3A_452 = vector.broadcast %add3A_451 : i32 to vector<16xi32>
      %add3A_453 = arith.addi %select_n3A_442, %add3A_452 : vector<16xi32>
      %gather3A_454 = tpu.vector_load_idx %arg7[%add3A_453, %add3A_254] : memref<409x128xf32, #tpu.memory_space<vmem>>[vector<16xi32>, vector<16xi32>], vector<16xf32>,
      %add3A_455 = arith.constant 3 : i32
      %add3A_456 = vector.broadcast %add3A_455 : i32 to vector<16xi32>
      %add3A_457 = arith.addi %select_n3A_442, %add3A_456 : vector<16xi32>
      %gather3A_458 = tpu.vector_load_idx %arg7[%add3A_457, %add3A_254] : memref<409x128xf32, #tpu.memory_space<vmem>>[vector<16xi32>, vector<16xi32>], vector<16xf32>,
      %add3A_459 = arith.constant 4 : i32
      %add3A_460 = vector.broadcast %add3A_459 : i32 to vector<16xi32>
      %add3A_461 = arith.addi %select_n3A_442, %add3A_460 : vector<16xi32>
      %gather3A_462 = tpu.vector_load_idx %arg7[%add3A_461, %add3A_254] : memref<409x128xf32, #tpu.memory_space<vmem>>[vector<16xi32>, vector<16xi32>], vector<16xf32>,
      %add3A_463 = arith.constant 5 : i32
      %add3A_464 = vector.broadcast %add3A_463 : i32 to vector<16xi32>
      %add3A_465 = arith.addi %select_n3A_442, %add3A_464 : vector<16xi32>
      %gather3A_466 = tpu.vector_load_idx %arg7[%add3A_465, %add3A_254] : memref<409x128xf32, #tpu.memory_space<vmem>>[vector<16xi32>, vector<16xi32>], vector<16xf32>,
      %add3A_467 = arith.constant 6 : i32
      %add3A_468 = vector.broadcast %add3A_467 : i32 to vector<16xi32>
      %add3A_469 = arith.addi %select_n3A_442, %add3A_468 : vector<16xi32>
      %gather3A_470 = tpu.vector_load_idx %arg7[%add3A_469, %add3A_254] : memref<409x128xf32, #tpu.memory_space<vmem>>[vector<16xi32>, vector<16xi32>], vector<16xf32>,
      %add3A_471 = arith.constant 7 : i32
      %add3A_472 = vector.broadcast %add3A_471 : i32 to vector<16xi32>
      %add3A_473 = arith.addi %select_n3A_442, %add3A_472 : vector<16xi32>
      %gather3A_474 = tpu.vector_load_idx %arg7[%add3A_473, %add3A_254] : memref<409x128xf32, #tpu.memory_space<vmem>>[vector<16xi32>, vector<16xi32>], vector<16xf32>,
      %max3A_475 = arith.maximumf %gather3A_446, %gather3A_450 : vector<16xf32>
      %max3A_476 = arith.maximumf %max3A_475, %gather3A_454 : vector<16xf32>
      %max3A_477 = arith.maximumf %max3A_476, %gather3A_458 : vector<16xf32>
      %max3A_478 = arith.maximumf %max3A_477, %gather3A_462 : vector<16xf32>
      %max3A_479 = arith.maximumf %max3A_478, %gather3A_466 : vector<16xf32>
      %max3A_480 = arith.maximumf %max3A_479, %gather3A_470 : vector<16xf32>
      %max3A_481 = arith.maximumf %max3A_480, %gather3A_474 : vector<16xf32>
      %sub3A_482 = arith.subf %gather3A_446, %max3A_481 : vector<16xf32>
      %exp3A_483 = math.exp %sub3A_482 : vector<16xf32>
      %sub3A_484 = arith.subf %gather3A_450, %max3A_481 : vector<16xf32>
      %exp3A_485 = math.exp %sub3A_484 : vector<16xf32>
      %add3A_486 = arith.addf %exp3A_483, %exp3A_485 : vector<16xf32>
      %sub3A_487 = arith.subf %gather3A_454, %max3A_481 : vector<16xf32>
      %exp3A_488 = math.exp %sub3A_487 : vector<16xf32>
      %add3A_489 = arith.addf %add3A_486, %exp3A_488 : vector<16xf32>
      %sub3A_490 = arith.subf %gather3A_458, %max3A_481 : vector<16xf32>
      %exp3A_491 = math.exp %sub3A_490 : vector<16xf32>
      %add3A_492 = arith.addf %add3A_489, %exp3A_491 : vector<16xf32>
      %sub3A_493 = arith.subf %gather3A_462, %max3A_481 : vector<16xf32>
      %exp3A_494 = math.exp %sub3A_493 : vector<16xf32>
      %add3A_495 = arith.addf %add3A_492, %exp3A_494 : vector<16xf32>
      %sub3A_496 = arith.subf %gather3A_466, %max3A_481 : vector<16xf32>
      %exp3A_497 = math.exp %sub3A_496 : vector<16xf32>
      %add3A_498 = arith.addf %add3A_495, %exp3A_497 : vector<16xf32>
      %sub3A_499 = arith.subf %gather3A_470, %max3A_481 : vector<16xf32>
      %exp3A_500 = math.exp %sub3A_499 : vector<16xf32>
      %add3A_501 = arith.addf %add3A_498, %exp3A_500 : vector<16xf32>
      %sub3A_502 = arith.subf %gather3A_474, %max3A_481 : vector<16xf32>
      %exp3A_503 = math.exp %sub3A_502 : vector<16xf32>
      %add3A_504 = arith.addf %add3A_501, %exp3A_503 : vector<16xf32>
      %bitcast3A_505 = vector.bitcast %add3A_504 : vector<16xf32> to vector<16xi32>
      %shift_right_arithmetic3A_506 = arith.constant 23 : i32
      %shift_right_arithmetic3A_507 = vector.broadcast %shift_right_arithmetic3A_506 : i32 to vector<16xi32>
      %shift_right_arithmetic3A_508 = arith.shrsi %bitcast3A_505, %shift_right_arithmetic3A_507 : vector<16xi32>
      %sub3A_509 = arith.constant 127 : i32
      %sub3A_510 = vector.broadcast %sub3A_509 : i32 to vector<16xi32>
      %sub3A_511 = arith.subi %shift_right_arithmetic3A_508, %sub3A_510 : vector<16xi32>
      %and3A_512 = arith.constant 8388607 : i32
      %and3A_513 = vector.broadcast %and3A_512 : i32 to vector<16xi32>
      %and3A_514 = arith.andi %bitcast3A_505, %and3A_513 : vector<16xi32>
      %or3A_515 = arith.constant 1065353216 : i32
      %or3A_516 = vector.broadcast %or3A_515 : i32 to vector<16xi32>
      %or3A_517 = arith.ori %and3A_514, %or3A_516 : vector<16xi32>
      %bitcast3A_518 = vector.bitcast %or3A_517 : vector<16xi32> to vector<16xf32>
      %sub3A_519 = arith.constant 1.000000e+00 : f32
      %sub3A_520 = vector.broadcast %sub3A_519 : f32 to vector<16xf32>
      %sub3A_521 = arith.subf %bitcast3A_518, %sub3A_520 : vector<16xf32>
      %add3A_522 = arith.constant 1.000000e+00 : f32
      %add3A_523 = vector.broadcast %add3A_522 : f32 to vector<16xf32>
      %add3A_524 = arith.addf %bitcast3A_518, %add3A_523 : vector<16xf32>
      %div3A_525 = arith.divf %sub3A_521, %add3A_524 : vector<16xf32>
      %mul3A_526 = arith.mulf %div3A_525, %div3A_525 : vector<16xf32>
      %mul3A_527 = arith.constant 0.0909090936 : f32
      %mul3A_528 = vector.broadcast %mul3A_527 : f32 to vector<16xf32>
      %mul3A_529 = arith.mulf %mul3A_528, %mul3A_526 : vector<16xf32>
      %add3A_530 = arith.constant 0.111111112 : f32
      %add3A_531 = vector.broadcast %add3A_530 : f32 to vector<16xf32>
      %add3A_532 = arith.addf %mul3A_529, %add3A_531 : vector<16xf32>
      %mul3A_533 = arith.mulf %add3A_532, %mul3A_526 : vector<16xf32>
      %add3A_534 = arith.constant 0.142857149 : f32
      %add3A_535 = vector.broadcast %add3A_534 : f32 to vector<16xf32>
      %add3A_536 = arith.addf %mul3A_533, %add3A_535 : vector<16xf32>
      %mul3A_537 = arith.mulf %add3A_536, %mul3A_526 : vector<16xf32>
      %add3A_538 = arith.constant 2.000000e-01 : f32
      %add3A_539 = vector.broadcast %add3A_538 : f32 to vector<16xf32>
      %add3A_540 = arith.addf %mul3A_537, %add3A_539 : vector<16xf32>
      %mul3A_541 = arith.mulf %add3A_540, %mul3A_526 : vector<16xf32>
      %add3A_542 = arith.constant 0.333333343 : f32
      %add3A_543 = vector.broadcast %add3A_542 : f32 to vector<16xf32>
      %add3A_544 = arith.addf %mul3A_541, %add3A_543 : vector<16xf32>
      %mul3A_545 = arith.mulf %add3A_544, %mul3A_526 : vector<16xf32>
      %add3A_546 = arith.constant 1.000000e+00 : f32
      %add3A_547 = vector.broadcast %add3A_546 : f32 to vector<16xf32>
      %add3A_548 = arith.addf %mul3A_545, %add3A_547 : vector<16xf32>
      %convert_element_type3A_549 = arith.sitofp %sub3A_511 : vector<16xi32> to vector<16xf32>
      %mul3A_550 = arith.constant 0.693147182 : f32
      %mul3A_551 = vector.broadcast %mul3A_550 : f32 to vector<16xf32>
      %mul3A_552 = arith.mulf %convert_element_type3A_549, %mul3A_551 : vector<16xf32>
      %mul3A_553 = arith.constant 2.000000e+00 : f32
      %mul3A_554 = vector.broadcast %mul3A_553 : f32 to vector<16xf32>
      %mul3A_555 = arith.mulf %mul3A_554, %div3A_525 : vector<16xf32>
      %mul3A_556 = arith.mulf %mul3A_555, %add3A_548 : vector<16xf32>
      %add3A_557 = arith.addf %mul3A_552, %mul3A_556 : vector<16xf32>
      %add3A_558 = arith.addf %max3A_481, %add3A_557 : vector<16xf32>
      %add3A_559 = arith.addi %select_n3A_442, %and3A_431 : vector<16xi32>
      %gather3A_560 = tpu.vector_load_idx %arg7[%add3A_559, %add3A_254] : memref<409x128xf32, #tpu.memory_space<vmem>>[vector<16xi32>, vector<16xi32>], vector<16xf32>,
      %jit3A_561 = arith.constant 0 : i32
      %broadcast_in_dim3A_562 = vector.broadcast %jit3A_561 : i32 to vector<16xi32>
      %select_n3A_563 = arith.select %and3A_425, %select_n3A, %broadcast_in_dim3A_562 : vector<16xi1>, vector<16xi32>
      %gather3A_564 = tpu.vector_load_idx %arg9[%select_n3A_563] : memref<4681xf32, #tpu.memory_space<vmem>>[vector<16xi32>], vector<16xf32>,
      %sub3A_565 = arith.subf %gather3A_560, %add3A_558 : vector<16xf32>
      %mul3A_566 = arith.mulf %gather3A_564, %sub3A_565 : vector<16xf32>
      %jit3A_567 = arith.constant 0.000000e+00 : f32
      %broadcast_in_dim3A_568 = vector.broadcast %jit3A_567 : f32 to vector<16xf32>
      %select_n3A_569 = arith.select %and3A_425, %mul3A_566, %broadcast_in_dim3A_568 : vector<16xi1>, vector<16xf32>
      %add3A_570 = arith.addf %add3A_407, %select_n3A_569 : vector<16xf32>
      %gt3A_571 = arith.constant 0 : i32
      %gt3A_572 = vector.broadcast %gt3A_571 : i32 to vector<16xi32>
      %gt3A_573 = arith.cmpi sgt, %select_n3A_419, %gt3A_572 : vector<16xi32>
      %sub3A_574 = arith.constant 1 : i32
      %sub3A_575 = vector.broadcast %sub3A_574 : i32 to vector<16xi32>
      %sub3A_576 = arith.subi %select_n3A_419, %sub3A_575 : vector<16xi32>
      %shift_right_arithmetic3A_577 = arith.constant 3 : i32
      %shift_right_arithmetic3A_578 = vector.broadcast %shift_right_arithmetic3A_577 : i32 to vector<16xi32>
      %shift_right_arithmetic3A_579 = arith.shrsi %sub3A_576, %shift_right_arithmetic3A_578 : vector<16xi32>
      %jit3A_580 = arith.constant 0 : i32
      %broadcast_in_dim3A_581 = vector.broadcast %jit3A_580 : i32 to vector<16xi32>
      %select_n3A_582 = arith.select %gt3A_573, %shift_right_arithmetic3A_579, %broadcast_in_dim3A_581 : vector<16xi1>, vector<16xi32>
      %ge3A_583 = vector.broadcast %mul3A_48 : i32 to vector<16xi32>
      %ge3A_584 = arith.cmpi sge, %select_n3A_582, %ge3A_583 : vector<16xi32>
      %and3A_585 = arith.andi %gt3A_573, %ge3A_584 : vector<16xi1>
      %lt3A_586 = vector.broadcast %min3A_52 : i32 to vector<16xi32>
      %lt3A_587 = arith.cmpi slt, %select_n3A_582, %lt3A_586 : vector<16xi32>
      %and3A_588 = arith.andi %and3A_585, %lt3A_587 : vector<16xi1>
      %sub3A_589 = arith.constant 1 : i32
      %sub3A_590 = vector.broadcast %sub3A_589 : i32 to vector<16xi32>
      %sub3A_591 = arith.subi %select_n3A_419, %sub3A_590 : vector<16xi32>
      %and3A_592 = arith.constant 7 : i32
      %and3A_593 = vector.broadcast %and3A_592 : i32 to vector<16xi32>
      %and3A_594 = arith.andi %sub3A_591, %and3A_593 : vector<16xi32>
      %mul3A_595 = arith.constant 8 : i32
      %mul3A_596 = vector.broadcast %mul3A_595 : i32 to vector<16xi32>
      %mul3A_597 = arith.muli %mul3A_596, %select_n3A_582 : vector<16xi32>
      %add3A_598 = arith.constant 1 : i32
      %add3A_599 = vector.broadcast %add3A_598 : i32 to vector<16xi32>
      %add3A_600 = arith.addi %mul3A_597, %add3A_599 : vector<16xi32>
      %sub3A_601 = vector.broadcast %min3A_11 : i32 to vector<16xi32>
      %sub3A_602 = arith.subi %add3A_600, %sub3A_601 : vector<16xi32>
      %jit3A_603 = arith.constant 0 : i32
      %broadcast_in_dim3A_604 = vector.broadcast %jit3A_603 : i32 to vector<16xi32>
      %select_n3A_605 = arith.select %and3A_588, %sub3A_602, %broadcast_in_dim3A_604 : vector<16xi1>, vector<16xi32>
      %add3A_606 = arith.constant 0 : i32
      %add3A_607 = vector.broadcast %add3A_606 : i32 to vector<16xi32>
      %add3A_608 = arith.addi %select_n3A_605, %add3A_607 : vector<16xi32>
      %gather3A_609 = tpu.vector_load_idx %arg7[%add3A_608, %add3A_254] : memref<409x128xf32, #tpu.memory_space<vmem>>[vector<16xi32>, vector<16xi32>], vector<16xf32>,
      %add3A_610 = arith.constant 1 : i32
      %add3A_611 = vector.broadcast %add3A_610 : i32 to vector<16xi32>
      %add3A_612 = arith.addi %select_n3A_605, %add3A_611 : vector<16xi32>
      %gather3A_613 = tpu.vector_load_idx %arg7[%add3A_612, %add3A_254] : memref<409x128xf32, #tpu.memory_space<vmem>>[vector<16xi32>, vector<16xi32>], vector<16xf32>,
      %add3A_614 = arith.constant 2 : i32
      %add3A_615 = vector.broadcast %add3A_614 : i32 to vector<16xi32>
      %add3A_616 = arith.addi %select_n3A_605, %add3A_615 : vector<16xi32>
      %gather3A_617 = tpu.vector_load_idx %arg7[%add3A_616, %add3A_254] : memref<409x128xf32, #tpu.memory_space<vmem>>[vector<16xi32>, vector<16xi32>], vector<16xf32>,
      %add3A_618 = arith.constant 3 : i32
      %add3A_619 = vector.broadcast %add3A_618 : i32 to vector<16xi32>
      %add3A_620 = arith.addi %select_n3A_605, %add3A_619 : vector<16xi32>
      %gather3A_621 = tpu.vector_load_idx %arg7[%add3A_620, %add3A_254] : memref<409x128xf32, #tpu.memory_space<vmem>>[vector<16xi32>, vector<16xi32>], vector<16xf32>,
      %add3A_622 = arith.constant 4 : i32
      %add3A_623 = vector.broadcast %add3A_622 : i32 to vector<16xi32>
      %add3A_624 = arith.addi %select_n3A_605, %add3A_623 : vector<16xi32>
      %gather3A_625 = tpu.vector_load_idx %arg7[%add3A_624, %add3A_254] : memref<409x128xf32, #tpu.memory_space<vmem>>[vector<16xi32>, vector<16xi32>], vector<16xf32>,
      %add3A_626 = arith.constant 5 : i32
      %add3A_627 = vector.broadcast %add3A_626 : i32 to vector<16xi32>
      %add3A_628 = arith.addi %select_n3A_605, %add3A_627 : vector<16xi32>
      %gather3A_629 = tpu.vector_load_idx %arg7[%add3A_628, %add3A_254] : memref<409x128xf32, #tpu.memory_space<vmem>>[vector<16xi32>, vector<16xi32>], vector<16xf32>,
      %add3A_630 = arith.constant 6 : i32
      %add3A_631 = vector.broadcast %add3A_630 : i32 to vector<16xi32>
      %add3A_632 = arith.addi %select_n3A_605, %add3A_631 : vector<16xi32>
      %gather3A_633 = tpu.vector_load_idx %arg7[%add3A_632, %add3A_254] : memref<409x128xf32, #tpu.memory_space<vmem>>[vector<16xi32>, vector<16xi32>], vector<16xf32>,
      %add3A_634 = arith.constant 7 : i32
      %add3A_635 = vector.broadcast %add3A_634 : i32 to vector<16xi32>
      %add3A_636 = arith.addi %select_n3A_605, %add3A_635 : vector<16xi32>
      %gather3A_637 = tpu.vector_load_idx %arg7[%add3A_636, %add3A_254] : memref<409x128xf32, #tpu.memory_space<vmem>>[vector<16xi32>, vector<16xi32>], vector<16xf32>,
      %max3A_638 = arith.maximumf %gather3A_609, %gather3A_613 : vector<16xf32>
      %max3A_639 = arith.maximumf %max3A_638, %gather3A_617 : vector<16xf32>
      %max3A_640 = arith.maximumf %max3A_639, %gather3A_621 : vector<16xf32>
      %max3A_641 = arith.maximumf %max3A_640, %gather3A_625 : vector<16xf32>
      %max3A_642 = arith.maximumf %max3A_641, %gather3A_629 : vector<16xf32>
      %max3A_643 = arith.maximumf %max3A_642, %gather3A_633 : vector<16xf32>
      %max3A_644 = arith.maximumf %max3A_643, %gather3A_637 : vector<16xf32>
      %sub3A_645 = arith.subf %gather3A_609, %max3A_644 : vector<16xf32>
      %exp3A_646 = math.exp %sub3A_645 : vector<16xf32>
      %sub3A_647 = arith.subf %gather3A_613, %max3A_644 : vector<16xf32>
      %exp3A_648 = math.exp %sub3A_647 : vector<16xf32>
      %add3A_649 = arith.addf %exp3A_646, %exp3A_648 : vector<16xf32>
      %sub3A_650 = arith.subf %gather3A_617, %max3A_644 : vector<16xf32>
      %exp3A_651 = math.exp %sub3A_650 : vector<16xf32>
      %add3A_652 = arith.addf %add3A_649, %exp3A_651 : vector<16xf32>
      %sub3A_653 = arith.subf %gather3A_621, %max3A_644 : vector<16xf32>
      %exp3A_654 = math.exp %sub3A_653 : vector<16xf32>
      %add3A_655 = arith.addf %add3A_652, %exp3A_654 : vector<16xf32>
      %sub3A_656 = arith.subf %gather3A_625, %max3A_644 : vector<16xf32>
      %exp3A_657 = math.exp %sub3A_656 : vector<16xf32>
      %add3A_658 = arith.addf %add3A_655, %exp3A_657 : vector<16xf32>
      %sub3A_659 = arith.subf %gather3A_629, %max3A_644 : vector<16xf32>
      %exp3A_660 = math.exp %sub3A_659 : vector<16xf32>
      %add3A_661 = arith.addf %add3A_658, %exp3A_660 : vector<16xf32>
      %sub3A_662 = arith.subf %gather3A_633, %max3A_644 : vector<16xf32>
      %exp3A_663 = math.exp %sub3A_662 : vector<16xf32>
      %add3A_664 = arith.addf %add3A_661, %exp3A_663 : vector<16xf32>
      %sub3A_665 = arith.subf %gather3A_637, %max3A_644 : vector<16xf32>
      %exp3A_666 = math.exp %sub3A_665 : vector<16xf32>
      %add3A_667 = arith.addf %add3A_664, %exp3A_666 : vector<16xf32>
      %bitcast3A_668 = vector.bitcast %add3A_667 : vector<16xf32> to vector<16xi32>
      %shift_right_arithmetic3A_669 = arith.constant 23 : i32
      %shift_right_arithmetic3A_670 = vector.broadcast %shift_right_arithmetic3A_669 : i32 to vector<16xi32>
      %shift_right_arithmetic3A_671 = arith.shrsi %bitcast3A_668, %shift_right_arithmetic3A_670 : vector<16xi32>
      %sub3A_672 = arith.constant 127 : i32
      %sub3A_673 = vector.broadcast %sub3A_672 : i32 to vector<16xi32>
      %sub3A_674 = arith.subi %shift_right_arithmetic3A_671, %sub3A_673 : vector<16xi32>
      %and3A_675 = arith.constant 8388607 : i32
      %and3A_676 = vector.broadcast %and3A_675 : i32 to vector<16xi32>
      %and3A_677 = arith.andi %bitcast3A_668, %and3A_676 : vector<16xi32>
      %or3A_678 = arith.constant 1065353216 : i32
      %or3A_679 = vector.broadcast %or3A_678 : i32 to vector<16xi32>
      %or3A_680 = arith.ori %and3A_677, %or3A_679 : vector<16xi32>
      %bitcast3A_681 = vector.bitcast %or3A_680 : vector<16xi32> to vector<16xf32>
      %sub3A_682 = arith.constant 1.000000e+00 : f32
      %sub3A_683 = vector.broadcast %sub3A_682 : f32 to vector<16xf32>
      %sub3A_684 = arith.subf %bitcast3A_681, %sub3A_683 : vector<16xf32>
      %add3A_685 = arith.constant 1.000000e+00 : f32
      %add3A_686 = vector.broadcast %add3A_685 : f32 to vector<16xf32>
      %add3A_687 = arith.addf %bitcast3A_681, %add3A_686 : vector<16xf32>
      %div3A_688 = arith.divf %sub3A_684, %add3A_687 : vector<16xf32>
      %mul3A_689 = arith.mulf %div3A_688, %div3A_688 : vector<16xf32>
      %mul3A_690 = arith.constant 0.0909090936 : f32
      %mul3A_691 = vector.broadcast %mul3A_690 : f32 to vector<16xf32>
      %mul3A_692 = arith.mulf %mul3A_691, %mul3A_689 : vector<16xf32>
      %add3A_693 = arith.constant 0.111111112 : f32
      %add3A_694 = vector.broadcast %add3A_693 : f32 to vector<16xf32>
      %add3A_695 = arith.addf %mul3A_692, %add3A_694 : vector<16xf32>
      %mul3A_696 = arith.mulf %add3A_695, %mul3A_689 : vector<16xf32>
      %add3A_697 = arith.constant 0.142857149 : f32
      %add3A_698 = vector.broadcast %add3A_697 : f32 to vector<16xf32>
      %add3A_699 = arith.addf %mul3A_696, %add3A_698 : vector<16xf32>
      %mul3A_700 = arith.mulf %add3A_699, %mul3A_689 : vector<16xf32>
      %add3A_701 = arith.constant 2.000000e-01 : f32
      %add3A_702 = vector.broadcast %add3A_701 : f32 to vector<16xf32>
      %add3A_703 = arith.addf %mul3A_700, %add3A_702 : vector<16xf32>
      %mul3A_704 = arith.mulf %add3A_703, %mul3A_689 : vector<16xf32>
      %add3A_705 = arith.constant 0.333333343 : f32
      %add3A_706 = vector.broadcast %add3A_705 : f32 to vector<16xf32>
      %add3A_707 = arith.addf %mul3A_704, %add3A_706 : vector<16xf32>
      %mul3A_708 = arith.mulf %add3A_707, %mul3A_689 : vector<16xf32>
      %add3A_709 = arith.constant 1.000000e+00 : f32
      %add3A_710 = vector.broadcast %add3A_709 : f32 to vector<16xf32>
      %add3A_711 = arith.addf %mul3A_708, %add3A_710 : vector<16xf32>
      %convert_element_type3A_712 = arith.sitofp %sub3A_674 : vector<16xi32> to vector<16xf32>
      %mul3A_713 = arith.constant 0.693147182 : f32
      %mul3A_714 = vector.broadcast %mul3A_713 : f32 to vector<16xf32>
      %mul3A_715 = arith.mulf %convert_element_type3A_712, %mul3A_714 : vector<16xf32>
      %mul3A_716 = arith.constant 2.000000e+00 : f32
      %mul3A_717 = vector.broadcast %mul3A_716 : f32 to vector<16xf32>
      %mul3A_718 = arith.mulf %mul3A_717, %div3A_688 : vector<16xf32>
      %mul3A_719 = arith.mulf %mul3A_718, %add3A_711 : vector<16xf32>
      %add3A_720 = arith.addf %mul3A_715, %mul3A_719 : vector<16xf32>
      %add3A_721 = arith.addf %max3A_644, %add3A_720 : vector<16xf32>
      %add3A_722 = arith.addi %select_n3A_605, %and3A_594 : vector<16xi32>
      %gather3A_723 = tpu.vector_load_idx %arg7[%add3A_722, %add3A_254] : memref<409x128xf32, #tpu.memory_space<vmem>>[vector<16xi32>, vector<16xi32>], vector<16xf32>,
      %jit3A_724 = arith.constant 0 : i32
      %broadcast_in_dim3A_725 = vector.broadcast %jit3A_724 : i32 to vector<16xi32>
      %select_n3A_726 = arith.select %and3A_588, %select_n3A_419, %broadcast_in_dim3A_725 : vector<16xi1>, vector<16xi32>
      %gather3A_727 = tpu.vector_load_idx %arg9[%select_n3A_726] : memref<4681xf32, #tpu.memory_space<vmem>>[vector<16xi32>], vector<16xf32>,
      %sub3A_728 = arith.subf %gather3A_723, %add3A_721 : vector<16xf32>
      %mul3A_729 = arith.mulf %gather3A_727, %sub3A_728 : vector<16xf32>
      %jit3A_730 = arith.constant 0.000000e+00 : f32
      %broadcast_in_dim3A_731 = vector.broadcast %jit3A_730 : f32 to vector<16xf32>
      %select_n3A_732 = arith.select %and3A_588, %mul3A_729, %broadcast_in_dim3A_731 : vector<16xi1>, vector<16xf32>
      %add3A_733 = arith.addf %add3A_570, %select_n3A_732 : vector<16xf32>
      %gt3A_734 = arith.constant 0 : i32
      %gt3A_735 = vector.broadcast %gt3A_734 : i32 to vector<16xi32>
      %gt3A_736 = arith.cmpi sgt, %select_n3A_582, %gt3A_735 : vector<16xi32>
      %sub3A_737 = arith.constant 1 : i32
      %sub3A_738 = vector.broadcast %sub3A_737 : i32 to vector<16xi32>
      %sub3A_739 = arith.subi %select_n3A_582, %sub3A_738 : vector<16xi32>
      %shift_right_arithmetic3A_740 = arith.constant 3 : i32
      %shift_right_arithmetic3A_741 = vector.broadcast %shift_right_arithmetic3A_740 : i32 to vector<16xi32>
      %shift_right_arithmetic3A_742 = arith.shrsi %sub3A_739, %shift_right_arithmetic3A_741 : vector<16xi32>
      %jit3A_743 = arith.constant 0 : i32
      %broadcast_in_dim3A_744 = vector.broadcast %jit3A_743 : i32 to vector<16xi32>
      %select_n3A_745 = arith.select %gt3A_736, %shift_right_arithmetic3A_742, %broadcast_in_dim3A_744 : vector<16xi1>, vector<16xi32>
      %ge3A_746 = vector.broadcast %mul3A_48 : i32 to vector<16xi32>
      %ge3A_747 = arith.cmpi sge, %select_n3A_745, %ge3A_746 : vector<16xi32>
      %and3A_748 = arith.andi %gt3A_736, %ge3A_747 : vector<16xi1>
      %lt3A_749 = vector.broadcast %min3A_52 : i32 to vector<16xi32>
      %lt3A_750 = arith.cmpi slt, %select_n3A_745, %lt3A_749 : vector<16xi32>
      %and3A_751 = arith.andi %and3A_748, %lt3A_750 : vector<16xi1>
      %sub3A_752 = arith.constant 1 : i32
      %sub3A_753 = vector.broadcast %sub3A_752 : i32 to vector<16xi32>
      %sub3A_754 = arith.subi %select_n3A_582, %sub3A_753 : vector<16xi32>
      %and3A_755 = arith.constant 7 : i32
      %and3A_756 = vector.broadcast %and3A_755 : i32 to vector<16xi32>
      %and3A_757 = arith.andi %sub3A_754, %and3A_756 : vector<16xi32>
      %mul3A_758 = arith.constant 8 : i32
      %mul3A_759 = vector.broadcast %mul3A_758 : i32 to vector<16xi32>
      %mul3A_760 = arith.muli %mul3A_759, %select_n3A_745 : vector<16xi32>
      %add3A_761 = arith.constant 1 : i32
      %add3A_762 = vector.broadcast %add3A_761 : i32 to vector<16xi32>
      %add3A_763 = arith.addi %mul3A_760, %add3A_762 : vector<16xi32>
      %sub3A_764 = vector.broadcast %min3A_11 : i32 to vector<16xi32>
      %sub3A_765 = arith.subi %add3A_763, %sub3A_764 : vector<16xi32>
      %jit3A_766 = arith.constant 0 : i32
      %broadcast_in_dim3A_767 = vector.broadcast %jit3A_766 : i32 to vector<16xi32>
      %select_n3A_768 = arith.select %and3A_751, %sub3A_765, %broadcast_in_dim3A_767 : vector<16xi1>, vector<16xi32>
      %add3A_769 = arith.constant 0 : i32
      %add3A_770 = vector.broadcast %add3A_769 : i32 to vector<16xi32>
      %add3A_771 = arith.addi %select_n3A_768, %add3A_770 : vector<16xi32>
      %gather3A_772 = tpu.vector_load_idx %arg7[%add3A_771, %add3A_254] : memref<409x128xf32, #tpu.memory_space<vmem>>[vector<16xi32>, vector<16xi32>], vector<16xf32>,
      %add3A_773 = arith.constant 1 : i32
      %add3A_774 = vector.broadcast %add3A_773 : i32 to vector<16xi32>
      %add3A_775 = arith.addi %select_n3A_768, %add3A_774 : vector<16xi32>
      %gather3A_776 = tpu.vector_load_idx %arg7[%add3A_775, %add3A_254] : memref<409x128xf32, #tpu.memory_space<vmem>>[vector<16xi32>, vector<16xi32>], vector<16xf32>,
      %add3A_777 = arith.constant 2 : i32
      %add3A_778 = vector.broadcast %add3A_777 : i32 to vector<16xi32>
      %add3A_779 = arith.addi %select_n3A_768, %add3A_778 : vector<16xi32>
      %gather3A_780 = tpu.vector_load_idx %arg7[%add3A_779, %add3A_254] : memref<409x128xf32, #tpu.memory_space<vmem>>[vector<16xi32>, vector<16xi32>], vector<16xf32>,
      %add3A_781 = arith.constant 3 : i32
      %add3A_782 = vector.broadcast %add3A_781 : i32 to vector<16xi32>
      %add3A_783 = arith.addi %select_n3A_768, %add3A_782 : vector<16xi32>
      %gather3A_784 = tpu.vector_load_idx %arg7[%add3A_783, %add3A_254] : memref<409x128xf32, #tpu.memory_space<vmem>>[vector<16xi32>, vector<16xi32>], vector<16xf32>,
      %add3A_785 = arith.constant 4 : i32
      %add3A_786 = vector.broadcast %add3A_785 : i32 to vector<16xi32>
      %add3A_787 = arith.addi %select_n3A_768, %add3A_786 : vector<16xi32>
      %gather3A_788 = tpu.vector_load_idx %arg7[%add3A_787, %add3A_254] : memref<409x128xf32, #tpu.memory_space<vmem>>[vector<16xi32>, vector<16xi32>], vector<16xf32>,
      %add3A_789 = arith.constant 5 : i32
      %add3A_790 = vector.broadcast %add3A_789 : i32 to vector<16xi32>
      %add3A_791 = arith.addi %select_n3A_768, %add3A_790 : vector<16xi32>
      %gather3A_792 = tpu.vector_load_idx %arg7[%add3A_791, %add3A_254] : memref<409x128xf32, #tpu.memory_space<vmem>>[vector<16xi32>, vector<16xi32>], vector<16xf32>,
      %add3A_793 = arith.constant 6 : i32
      %add3A_794 = vector.broadcast %add3A_793 : i32 to vector<16xi32>
      %add3A_795 = arith.addi %select_n3A_768, %add3A_794 : vector<16xi32>
      %gather3A_796 = tpu.vector_load_idx %arg7[%add3A_795, %add3A_254] : memref<409x128xf32, #tpu.memory_space<vmem>>[vector<16xi32>, vector<16xi32>], vector<16xf32>,
      %add3A_797 = arith.constant 7 : i32
      %add3A_798 = vector.broadcast %add3A_797 : i32 to vector<16xi32>
      %add3A_799 = arith.addi %select_n3A_768, %add3A_798 : vector<16xi32>
      %gather3A_800 = tpu.vector_load_idx %arg7[%add3A_799, %add3A_254] : memref<409x128xf32, #tpu.memory_space<vmem>>[vector<16xi32>, vector<16xi32>], vector<16xf32>,
      %max3A_801 = arith.maximumf %gather3A_772, %gather3A_776 : vector<16xf32>
      %max3A_802 = arith.maximumf %max3A_801, %gather3A_780 : vector<16xf32>
      %max3A_803 = arith.maximumf %max3A_802, %gather3A_784 : vector<16xf32>
      %max3A_804 = arith.maximumf %max3A_803, %gather3A_788 : vector<16xf32>
      %max3A_805 = arith.maximumf %max3A_804, %gather3A_792 : vector<16xf32>
      %max3A_806 = arith.maximumf %max3A_805, %gather3A_796 : vector<16xf32>
      %max3A_807 = arith.maximumf %max3A_806, %gather3A_800 : vector<16xf32>
      %sub3A_808 = arith.subf %gather3A_772, %max3A_807 : vector<16xf32>
      %exp3A_809 = math.exp %sub3A_808 : vector<16xf32>
      %sub3A_810 = arith.subf %gather3A_776, %max3A_807 : vector<16xf32>
      %exp3A_811 = math.exp %sub3A_810 : vector<16xf32>
      %add3A_812 = arith.addf %exp3A_809, %exp3A_811 : vector<16xf32>
      %sub3A_813 = arith.subf %gather3A_780, %max3A_807 : vector<16xf32>
      %exp3A_814 = math.exp %sub3A_813 : vector<16xf32>
      %add3A_815 = arith.addf %add3A_812, %exp3A_814 : vector<16xf32>
      %sub3A_816 = arith.subf %gather3A_784, %max3A_807 : vector<16xf32>
      %exp3A_817 = math.exp %sub3A_816 : vector<16xf32>
      %add3A_818 = arith.addf %add3A_815, %exp3A_817 : vector<16xf32>
      %sub3A_819 = arith.subf %gather3A_788, %max3A_807 : vector<16xf32>
      %exp3A_820 = math.exp %sub3A_819 : vector<16xf32>
      %add3A_821 = arith.addf %add3A_818, %exp3A_820 : vector<16xf32>
      %sub3A_822 = arith.subf %gather3A_792, %max3A_807 : vector<16xf32>
      %exp3A_823 = math.exp %sub3A_822 : vector<16xf32>
      %add3A_824 = arith.addf %add3A_821, %exp3A_823 : vector<16xf32>
      %sub3A_825 = arith.subf %gather3A_796, %max3A_807 : vector<16xf32>
      %exp3A_826 = math.exp %sub3A_825 : vector<16xf32>
      %add3A_827 = arith.addf %add3A_824, %exp3A_826 : vector<16xf32>
      %sub3A_828 = arith.subf %gather3A_800, %max3A_807 : vector<16xf32>
      %exp3A_829 = math.exp %sub3A_828 : vector<16xf32>
      %add3A_830 = arith.addf %add3A_827, %exp3A_829 : vector<16xf32>
      %bitcast3A_831 = vector.bitcast %add3A_830 : vector<16xf32> to vector<16xi32>
      %shift_right_arithmetic3A_832 = arith.constant 23 : i32
      %shift_right_arithmetic3A_833 = vector.broadcast %shift_right_arithmetic3A_832 : i32 to vector<16xi32>
      %shift_right_arithmetic3A_834 = arith.shrsi %bitcast3A_831, %shift_right_arithmetic3A_833 : vector<16xi32>
      %sub3A_835 = arith.constant 127 : i32
      %sub3A_836 = vector.broadcast %sub3A_835 : i32 to vector<16xi32>
      %sub3A_837 = arith.subi %shift_right_arithmetic3A_834, %sub3A_836 : vector<16xi32>
      %and3A_838 = arith.constant 8388607 : i32
      %and3A_839 = vector.broadcast %and3A_838 : i32 to vector<16xi32>
      %and3A_840 = arith.andi %bitcast3A_831, %and3A_839 : vector<16xi32>
      %or3A_841 = arith.constant 1065353216 : i32
      %or3A_842 = vector.broadcast %or3A_841 : i32 to vector<16xi32>
      %or3A_843 = arith.ori %and3A_840, %or3A_842 : vector<16xi32>
      %bitcast3A_844 = vector.bitcast %or3A_843 : vector<16xi32> to vector<16xf32>
      %sub3A_845 = arith.constant 1.000000e+00 : f32
      %sub3A_846 = vector.broadcast %sub3A_845 : f32 to vector<16xf32>
      %sub3A_847 = arith.subf %bitcast3A_844, %sub3A_846 : vector<16xf32>
      %add3A_848 = arith.constant 1.000000e+00 : f32
      %add3A_849 = vector.broadcast %add3A_848 : f32 to vector<16xf32>
      %add3A_850 = arith.addf %bitcast3A_844, %add3A_849 : vector<16xf32>
      %div3A_851 = arith.divf %sub3A_847, %add3A_850 : vector<16xf32>
      %mul3A_852 = arith.mulf %div3A_851, %div3A_851 : vector<16xf32>
      %mul3A_853 = arith.constant 0.0909090936 : f32
      %mul3A_854 = vector.broadcast %mul3A_853 : f32 to vector<16xf32>
      %mul3A_855 = arith.mulf %mul3A_854, %mul3A_852 : vector<16xf32>
      %add3A_856 = arith.constant 0.111111112 : f32
      %add3A_857 = vector.broadcast %add3A_856 : f32 to vector<16xf32>
      %add3A_858 = arith.addf %mul3A_855, %add3A_857 : vector<16xf32>
      %mul3A_859 = arith.mulf %add3A_858, %mul3A_852 : vector<16xf32>
      %add3A_860 = arith.constant 0.142857149 : f32
      %add3A_861 = vector.broadcast %add3A_860 : f32 to vector<16xf32>
      %add3A_862 = arith.addf %mul3A_859, %add3A_861 : vector<16xf32>
      %mul3A_863 = arith.mulf %add3A_862, %mul3A_852 : vector<16xf32>
      %add3A_864 = arith.constant 2.000000e-01 : f32
      %add3A_865 = vector.broadcast %add3A_864 : f32 to vector<16xf32>
      %add3A_866 = arith.addf %mul3A_863, %add3A_865 : vector<16xf32>
      %mul3A_867 = arith.mulf %add3A_866, %mul3A_852 : vector<16xf32>
      %add3A_868 = arith.constant 0.333333343 : f32
      %add3A_869 = vector.broadcast %add3A_868 : f32 to vector<16xf32>
      %add3A_870 = arith.addf %mul3A_867, %add3A_869 : vector<16xf32>
      %mul3A_871 = arith.mulf %add3A_870, %mul3A_852 : vector<16xf32>
      %add3A_872 = arith.constant 1.000000e+00 : f32
      %add3A_873 = vector.broadcast %add3A_872 : f32 to vector<16xf32>
      %add3A_874 = arith.addf %mul3A_871, %add3A_873 : vector<16xf32>
      %convert_element_type3A_875 = arith.sitofp %sub3A_837 : vector<16xi32> to vector<16xf32>
      %mul3A_876 = arith.constant 0.693147182 : f32
      %mul3A_877 = vector.broadcast %mul3A_876 : f32 to vector<16xf32>
      %mul3A_878 = arith.mulf %convert_element_type3A_875, %mul3A_877 : vector<16xf32>
      %mul3A_879 = arith.constant 2.000000e+00 : f32
      %mul3A_880 = vector.broadcast %mul3A_879 : f32 to vector<16xf32>
      %mul3A_881 = arith.mulf %mul3A_880, %div3A_851 : vector<16xf32>
      %mul3A_882 = arith.mulf %mul3A_881, %add3A_874 : vector<16xf32>
      %add3A_883 = arith.addf %mul3A_878, %mul3A_882 : vector<16xf32>
      %add3A_884 = arith.addf %max3A_807, %add3A_883 : vector<16xf32>
      %add3A_885 = arith.addi %select_n3A_768, %and3A_757 : vector<16xi32>
      %gather3A_886 = tpu.vector_load_idx %arg7[%add3A_885, %add3A_254] : memref<409x128xf32, #tpu.memory_space<vmem>>[vector<16xi32>, vector<16xi32>], vector<16xf32>,
      %jit3A_887 = arith.constant 0 : i32
      %broadcast_in_dim3A_888 = vector.broadcast %jit3A_887 : i32 to vector<16xi32>
      %select_n3A_889 = arith.select %and3A_751, %select_n3A_582, %broadcast_in_dim3A_888 : vector<16xi1>, vector<16xi32>
      %gather3A_890 = tpu.vector_load_idx %arg9[%select_n3A_889] : memref<4681xf32, #tpu.memory_space<vmem>>[vector<16xi32>], vector<16xf32>,
      %sub3A_891 = arith.subf %gather3A_886, %add3A_884 : vector<16xf32>
      %mul3A_892 = arith.mulf %gather3A_890, %sub3A_891 : vector<16xf32>
      %jit3A_893 = arith.constant 0.000000e+00 : f32
      %broadcast_in_dim3A_894 = vector.broadcast %jit3A_893 : f32 to vector<16xf32>
      %select_n3A_895 = arith.select %and3A_751, %mul3A_892, %broadcast_in_dim3A_894 : vector<16xi1>, vector<16xf32>
      %add3A_896 = arith.addf %add3A_733, %select_n3A_895 : vector<16xf32>
      tpu.vector_store_idx %arg10[%add3A_254], %add3A_896 {add = true} : memref<128xf32, #tpu.memory_space<vmem>>[vector<16xi32>], vector<16xf32>,
      %scan3A_897 = arith.constant 0 : i32
      scf.yield %scan3A_897 : i32
    }
    %scan3A_101 = arith.constant 8 : i32
    %add3A_102 = arith.constant 4 : i32
    %add3A_103 = arith.addi %shift_right_arithmetic3A_2, %add3A_102 : i32
    %mul3A_104 = arith.constant 49 : i32
    %mul3A_105 = arith.muli %mul3A_104, %add3A_103 : i32
    %add3A_106 = arith.constant 49 : i32
    %add3A_107 = arith.addi %mul3A_105, %add3A_106 : i32
    %min3A_108 = arith.constant 585 : i32
    %min3A_109 = arith.minsi %add3A_107, %min3A_108 : i32
    %add3A_110 = arith.constant 8 : i32
    %add3A_111 = arith.addi %shift_right_arithmetic3A_2, %add3A_110 : i32
    %mul3A_112 = arith.constant 49 : i32
    %mul3A_113 = arith.muli %mul3A_112, %add3A_111 : i32
    %mul3A_114 = arith.constant 8 : i32
    %mul3A_115 = arith.muli %mul3A_114, %mul3A_113 : i32
    %min3A_116 = arith.constant 4272 : i32
    %min3A_117 = arith.minsi %mul3A_115, %min3A_116 : i32
    %dma_start3A_118 = arith.constant 0 : i32
    %dma_start3A_119 = arith.constant 0 : i32
    %dma_start3A_120 = tpu.memref_slice %arg7[%dma_start3A_118, %dma_start3A_119] : memref<409x128xf32, #tpu.memory_space<vmem>> -> memref<408x128xf32, #tpu.memory_space<vmem>>
    %dma_start3A_121 = tpu.memref_slice %arg2[%min3A_117, %mul3A_4] : memref<4681x1024xf32, #tpu.memory_space<hbm>> -> memref<408x128xf32, #tpu.memory_space<hbm>>
    %dma_start3A_122 = arith.constant 0 : i32
    %dma_start3A_123 = arith.constant 0 : i32
    %dma_start3A_124 = tpu.memref_slice %arg7[%dma_start3A_122, %dma_start3A_123] : memref<409x128xf32, #tpu.memory_space<vmem>> -> memref<408x128xf32, #tpu.memory_space<vmem>>
    %dma_start3A_125 = tpu.memref_slice %arg2[%min3A_117, %mul3A_4] : memref<4681x1024xf32, #tpu.memory_space<hbm>> -> memref<408x128xf32, #tpu.memory_space<hbm>>
    tpu.enqueue_dma source(%dma_start3A_125 : memref<408x128xf32, #tpu.memory_space<hbm>>) target(%dma_start3A_124 : memref<408x128xf32, #tpu.memory_space<vmem>>) target_semaphore(%arg11 : memref<!tpu.dma_semaphore, #tpu.memory_space<semaphore_mem>>)
    %dma_start3A_126 = arith.constant 408 : i32
    %dma_start3A_127 = arith.constant 0 : i32
    %dma_start3A_128 = tpu.memref_slice %arg7[%dma_start3A_126, %dma_start3A_127] : memref<409x128xf32, #tpu.memory_space<vmem>> -> memref<1x128xf32, #tpu.memory_space<vmem>>
    %dma_start3A_129 = arith.constant 4680 : i32
    %dma_start3A_130 = tpu.memref_slice %arg2[%dma_start3A_129, %mul3A_4] : memref<4681x1024xf32, #tpu.memory_space<hbm>> -> memref<1x128xf32, #tpu.memory_space<hbm>>
    %dma_start3A_131 = arith.constant 408 : i32
    %dma_start3A_132 = arith.constant 0 : i32
    %dma_start3A_133 = tpu.memref_slice %arg7[%dma_start3A_131, %dma_start3A_132] : memref<409x128xf32, #tpu.memory_space<vmem>> -> memref<1x128xf32, #tpu.memory_space<vmem>>
    %dma_start3A_134 = arith.constant 4680 : i32
    %dma_start3A_135 = tpu.memref_slice %arg2[%dma_start3A_134, %mul3A_4] : memref<4681x1024xf32, #tpu.memory_space<hbm>> -> memref<1x128xf32, #tpu.memory_space<hbm>>
    tpu.enqueue_dma source(%dma_start3A_135 : memref<1x128xf32, #tpu.memory_space<hbm>>) target(%dma_start3A_133 : memref<1x128xf32, #tpu.memory_space<vmem>>) target_semaphore(%arg11 : memref<!tpu.dma_semaphore, #tpu.memory_space<semaphore_mem>>)
    %dma_wait3A_136 = arith.constant 0 : i32
    %dma_wait3A_137 = arith.constant 0 : i32
    %dma_wait3A_138 = tpu.memref_slice %arg8[%dma_wait3A_136, %dma_wait3A_137] : memref<409x128xf32, #tpu.memory_space<vmem>> -> memref<408x128xf32, #tpu.memory_space<vmem>>
    %dma_wait3A_139 = tpu.memref_slice %arg2[%min3A_60, %mul3A_4] : memref<4681x1024xf32, #tpu.memory_space<hbm>> -> memref<408x128xf32, #tpu.memory_space<hbm>>
    %dma_wait3A_140 = arith.constant 0 : i32
    %dma_wait3A_141 = arith.constant 0 : i32
    %dma_wait3A_142 = tpu.memref_slice %arg8[%dma_wait3A_140, %dma_wait3A_141] : memref<409x128xf32, #tpu.memory_space<vmem>> -> memref<408x128xf32, #tpu.memory_space<vmem>>
    %dma_wait3A_143 = tpu.memref_slice %arg2[%min3A_60, %mul3A_4] : memref<4681x1024xf32, #tpu.memory_space<hbm>> -> memref<408x128xf32, #tpu.memory_space<hbm>>
    tpu.wait_dma2 semaphore(%arg12 : memref<!tpu.dma_semaphore, #tpu.memory_space<semaphore_mem>>) src(%dma_wait3A_143 : memref<408x128xf32, #tpu.memory_space<hbm>>) dst(%dma_wait3A_142 : memref<408x128xf32, #tpu.memory_space<vmem>>)
    %dma_wait3A_144 = arith.constant 408 : i32
    %dma_wait3A_145 = arith.constant 0 : i32
    %dma_wait3A_146 = tpu.memref_slice %arg8[%dma_wait3A_144, %dma_wait3A_145] : memref<409x128xf32, #tpu.memory_space<vmem>> -> memref<1x128xf32, #tpu.memory_space<vmem>>
    %dma_wait3A_147 = arith.constant 4680 : i32
    %dma_wait3A_148 = tpu.memref_slice %arg2[%dma_wait3A_147, %mul3A_4] : memref<4681x1024xf32, #tpu.memory_space<hbm>> -> memref<1x128xf32, #tpu.memory_space<hbm>>
    %dma_wait3A_149 = arith.constant 408 : i32
    %dma_wait3A_150 = arith.constant 0 : i32
    %dma_wait3A_151 = tpu.memref_slice %arg8[%dma_wait3A_149, %dma_wait3A_150] : memref<409x128xf32, #tpu.memory_space<vmem>> -> memref<1x128xf32, #tpu.memory_space<vmem>>
    %dma_wait3A_152 = arith.constant 4680 : i32
    %dma_wait3A_153 = tpu.memref_slice %arg2[%dma_wait3A_152, %mul3A_4] : memref<4681x1024xf32, #tpu.memory_space<hbm>> -> memref<1x128xf32, #tpu.memory_space<hbm>>
    tpu.wait_dma2 semaphore(%arg12 : memref<!tpu.dma_semaphore, #tpu.memory_space<semaphore_mem>>) src(%dma_wait3A_153 : memref<1x128xf32, #tpu.memory_space<hbm>>) dst(%dma_wait3A_151 : memref<1x128xf32, #tpu.memory_space<vmem>>)
    %scan3A_154 = arith.constant 0 : i32
    %scan3A_155 = arith.constant 0 : i32
    %scan3A_156 = arith.constant 8 : i32
    %scan3A_157 = arith.addi %scan3A_155, %scan3A_156 : i32
    %scan3A_158 = arith.constant 1 : i32
    %scan3A_159 = scf.for %scan3A_249 = %scan3A_155 to %scan3A_157 step %scan3A_158 iter_args(%scan3A_250 = %scan3A_154) -> (i32)  : i32 {
      %mul3A_251 = arith.constant 16 : i32
      %mul3A_252 = arith.muli %scan3A_249, %mul3A_251 : i32
      %add3A_253 = vector.broadcast %mul3A_252 : i32 to vector<16xi32>
      %add3A_254 = arith.addi %add3A_253, %iota3A : vector<16xi32>
      %gather3A = tpu.vector_load_idx %arg6[%add3A_254] : memref<128xi32, #tpu.memory_space<vmem>>[vector<16xi32>], vector<16xi32>,
      %broadcast_in_dim3A_255 = arith.constant 0.000000e+00 : f32
      %broadcast_in_dim3A_256 = vector.broadcast %broadcast_in_dim3A_255 : f32 to vector<16xf32>
      %gt3A = arith.constant 0 : i32
      %gt3A_257 = vector.broadcast %gt3A : i32 to vector<16xi32>
      %gt3A_258 = arith.cmpi sgt, %gather3A, %gt3A_257 : vector<16xi32>
      %sub3A = arith.constant 1 : i32
      %sub3A_259 = vector.broadcast %sub3A : i32 to vector<16xi32>
      %sub3A_260 = arith.subi %gather3A, %sub3A_259 : vector<16xi32>
      %shift_right_arithmetic3A_261 = arith.constant 3 : i32
      %shift_right_arithmetic3A_262 = vector.broadcast %shift_right_arithmetic3A_261 : i32 to vector<16xi32>
      %shift_right_arithmetic3A_263 = arith.shrsi %sub3A_260, %shift_right_arithmetic3A_262 : vector<16xi32>
      %jit3A = arith.constant 0 : i32
      %broadcast_in_dim3A_264 = vector.broadcast %jit3A : i32 to vector<16xi32>
      %select_n3A = arith.select %gt3A_258, %shift_right_arithmetic3A_263, %broadcast_in_dim3A_264 : vector<16xi1>, vector<16xi32>
      %ge3A = vector.broadcast %mul3A_105 : i32 to vector<16xi32>
      %ge3A_265 = arith.cmpi sge, %select_n3A, %ge3A : vector<16xi32>
      %and3A_266 = arith.andi %gt3A_258, %ge3A_265 : vector<16xi1>
      %lt3A = vector.broadcast %min3A_109 : i32 to vector<16xi32>
      %lt3A_267 = arith.cmpi slt, %select_n3A, %lt3A : vector<16xi32>
      %and3A_268 = arith.andi %and3A_266, %lt3A_267 : vector<16xi1>
      %sub3A_269 = arith.constant 1 : i32
      %sub3A_270 = vector.broadcast %sub3A_269 : i32 to vector<16xi32>
      %sub3A_271 = arith.subi %gather3A, %sub3A_270 : vector<16xi32>
      %and3A_272 = arith.constant 7 : i32
      %and3A_273 = vector.broadcast %and3A_272 : i32 to vector<16xi32>
      %and3A_274 = arith.andi %sub3A_271, %and3A_273 : vector<16xi32>
      %mul3A_275 = arith.constant 8 : i32
      %mul3A_276 = vector.broadcast %mul3A_275 : i32 to vector<16xi32>
      %mul3A_277 = arith.muli %mul3A_276, %select_n3A : vector<16xi32>
      %add3A_278 = arith.constant 1 : i32
      %add3A_279 = vector.broadcast %add3A_278 : i32 to vector<16xi32>
      %add3A_280 = arith.addi %mul3A_277, %add3A_279 : vector<16xi32>
      %sub3A_281 = vector.broadcast %min3A_60 : i32 to vector<16xi32>
      %sub3A_282 = arith.subi %add3A_280, %sub3A_281 : vector<16xi32>
      %jit3A_283 = arith.constant 0 : i32
      %broadcast_in_dim3A_284 = vector.broadcast %jit3A_283 : i32 to vector<16xi32>
      %select_n3A_285 = arith.select %and3A_268, %sub3A_282, %broadcast_in_dim3A_284 : vector<16xi1>, vector<16xi32>
      %add3A_286 = arith.constant 0 : i32
      %add3A_287 = vector.broadcast %add3A_286 : i32 to vector<16xi32>
      %add3A_288 = arith.addi %select_n3A_285, %add3A_287 : vector<16xi32>
      %gather3A_289 = tpu.vector_load_idx %arg8[%add3A_288, %add3A_254] : memref<409x128xf32, #tpu.memory_space<vmem>>[vector<16xi32>, vector<16xi32>], vector<16xf32>,
      %add3A_290 = arith.constant 1 : i32
      %add3A_291 = vector.broadcast %add3A_290 : i32 to vector<16xi32>
      %add3A_292 = arith.addi %select_n3A_285, %add3A_291 : vector<16xi32>
      %gather3A_293 = tpu.vector_load_idx %arg8[%add3A_292, %add3A_254] : memref<409x128xf32, #tpu.memory_space<vmem>>[vector<16xi32>, vector<16xi32>], vector<16xf32>,
      %add3A_294 = arith.constant 2 : i32
      %add3A_295 = vector.broadcast %add3A_294 : i32 to vector<16xi32>
      %add3A_296 = arith.addi %select_n3A_285, %add3A_295 : vector<16xi32>
      %gather3A_297 = tpu.vector_load_idx %arg8[%add3A_296, %add3A_254] : memref<409x128xf32, #tpu.memory_space<vmem>>[vector<16xi32>, vector<16xi32>], vector<16xf32>,
      %add3A_298 = arith.constant 3 : i32
      %add3A_299 = vector.broadcast %add3A_298 : i32 to vector<16xi32>
      %add3A_300 = arith.addi %select_n3A_285, %add3A_299 : vector<16xi32>
      %gather3A_301 = tpu.vector_load_idx %arg8[%add3A_300, %add3A_254] : memref<409x128xf32, #tpu.memory_space<vmem>>[vector<16xi32>, vector<16xi32>], vector<16xf32>,
      %add3A_302 = arith.constant 4 : i32
      %add3A_303 = vector.broadcast %add3A_302 : i32 to vector<16xi32>
      %add3A_304 = arith.addi %select_n3A_285, %add3A_303 : vector<16xi32>
      %gather3A_305 = tpu.vector_load_idx %arg8[%add3A_304, %add3A_254] : memref<409x128xf32, #tpu.memory_space<vmem>>[vector<16xi32>, vector<16xi32>], vector<16xf32>,
      %add3A_306 = arith.constant 5 : i32
      %add3A_307 = vector.broadcast %add3A_306 : i32 to vector<16xi32>
      %add3A_308 = arith.addi %select_n3A_285, %add3A_307 : vector<16xi32>
      %gather3A_309 = tpu.vector_load_idx %arg8[%add3A_308, %add3A_254] : memref<409x128xf32, #tpu.memory_space<vmem>>[vector<16xi32>, vector<16xi32>], vector<16xf32>,
      %add3A_310 = arith.constant 6 : i32
      %add3A_311 = vector.broadcast %add3A_310 : i32 to vector<16xi32>
      %add3A_312 = arith.addi %select_n3A_285, %add3A_311 : vector<16xi32>
      %gather3A_313 = tpu.vector_load_idx %arg8[%add3A_312, %add3A_254] : memref<409x128xf32, #tpu.memory_space<vmem>>[vector<16xi32>, vector<16xi32>], vector<16xf32>,
      %add3A_314 = arith.constant 7 : i32
      %add3A_315 = vector.broadcast %add3A_314 : i32 to vector<16xi32>
      %add3A_316 = arith.addi %select_n3A_285, %add3A_315 : vector<16xi32>
      %gather3A_317 = tpu.vector_load_idx %arg8[%add3A_316, %add3A_254] : memref<409x128xf32, #tpu.memory_space<vmem>>[vector<16xi32>, vector<16xi32>], vector<16xf32>,
      %max3A = arith.maximumf %gather3A_289, %gather3A_293 : vector<16xf32>
      %max3A_318 = arith.maximumf %max3A, %gather3A_297 : vector<16xf32>
      %max3A_319 = arith.maximumf %max3A_318, %gather3A_301 : vector<16xf32>
      %max3A_320 = arith.maximumf %max3A_319, %gather3A_305 : vector<16xf32>
      %max3A_321 = arith.maximumf %max3A_320, %gather3A_309 : vector<16xf32>
      %max3A_322 = arith.maximumf %max3A_321, %gather3A_313 : vector<16xf32>
      %max3A_323 = arith.maximumf %max3A_322, %gather3A_317 : vector<16xf32>
      %sub3A_324 = arith.subf %gather3A_289, %max3A_323 : vector<16xf32>
      %exp3A = math.exp %sub3A_324 : vector<16xf32>
      %sub3A_325 = arith.subf %gather3A_293, %max3A_323 : vector<16xf32>
      %exp3A_326 = math.exp %sub3A_325 : vector<16xf32>
      %add3A_327 = arith.addf %exp3A, %exp3A_326 : vector<16xf32>
      %sub3A_328 = arith.subf %gather3A_297, %max3A_323 : vector<16xf32>
      %exp3A_329 = math.exp %sub3A_328 : vector<16xf32>
      %add3A_330 = arith.addf %add3A_327, %exp3A_329 : vector<16xf32>
      %sub3A_331 = arith.subf %gather3A_301, %max3A_323 : vector<16xf32>
      %exp3A_332 = math.exp %sub3A_331 : vector<16xf32>
      %add3A_333 = arith.addf %add3A_330, %exp3A_332 : vector<16xf32>
      %sub3A_334 = arith.subf %gather3A_305, %max3A_323 : vector<16xf32>
      %exp3A_335 = math.exp %sub3A_334 : vector<16xf32>
      %add3A_336 = arith.addf %add3A_333, %exp3A_335 : vector<16xf32>
      %sub3A_337 = arith.subf %gather3A_309, %max3A_323 : vector<16xf32>
      %exp3A_338 = math.exp %sub3A_337 : vector<16xf32>
      %add3A_339 = arith.addf %add3A_336, %exp3A_338 : vector<16xf32>
      %sub3A_340 = arith.subf %gather3A_313, %max3A_323 : vector<16xf32>
      %exp3A_341 = math.exp %sub3A_340 : vector<16xf32>
      %add3A_342 = arith.addf %add3A_339, %exp3A_341 : vector<16xf32>
      %sub3A_343 = arith.subf %gather3A_317, %max3A_323 : vector<16xf32>
      %exp3A_344 = math.exp %sub3A_343 : vector<16xf32>
      %add3A_345 = arith.addf %add3A_342, %exp3A_344 : vector<16xf32>
      %bitcast3A = vector.bitcast %add3A_345 : vector<16xf32> to vector<16xi32>
      %shift_right_arithmetic3A_346 = arith.constant 23 : i32
      %shift_right_arithmetic3A_347 = vector.broadcast %shift_right_arithmetic3A_346 : i32 to vector<16xi32>
      %shift_right_arithmetic3A_348 = arith.shrsi %bitcast3A, %shift_right_arithmetic3A_347 : vector<16xi32>
      %sub3A_349 = arith.constant 127 : i32
      %sub3A_350 = vector.broadcast %sub3A_349 : i32 to vector<16xi32>
      %sub3A_351 = arith.subi %shift_right_arithmetic3A_348, %sub3A_350 : vector<16xi32>
      %and3A_352 = arith.constant 8388607 : i32
      %and3A_353 = vector.broadcast %and3A_352 : i32 to vector<16xi32>
      %and3A_354 = arith.andi %bitcast3A, %and3A_353 : vector<16xi32>
      %or3A = arith.constant 1065353216 : i32
      %or3A_355 = vector.broadcast %or3A : i32 to vector<16xi32>
      %or3A_356 = arith.ori %and3A_354, %or3A_355 : vector<16xi32>
      %bitcast3A_357 = vector.bitcast %or3A_356 : vector<16xi32> to vector<16xf32>
      %sub3A_358 = arith.constant 1.000000e+00 : f32
      %sub3A_359 = vector.broadcast %sub3A_358 : f32 to vector<16xf32>
      %sub3A_360 = arith.subf %bitcast3A_357, %sub3A_359 : vector<16xf32>
      %add3A_361 = arith.constant 1.000000e+00 : f32
      %add3A_362 = vector.broadcast %add3A_361 : f32 to vector<16xf32>
      %add3A_363 = arith.addf %bitcast3A_357, %add3A_362 : vector<16xf32>
      %div3A = arith.divf %sub3A_360, %add3A_363 : vector<16xf32>
      %mul3A_364 = arith.mulf %div3A, %div3A : vector<16xf32>
      %mul3A_365 = arith.constant 0.0909090936 : f32
      %mul3A_366 = vector.broadcast %mul3A_365 : f32 to vector<16xf32>
      %mul3A_367 = arith.mulf %mul3A_366, %mul3A_364 : vector<16xf32>
      %add3A_368 = arith.constant 0.111111112 : f32
      %add3A_369 = vector.broadcast %add3A_368 : f32 to vector<16xf32>
      %add3A_370 = arith.addf %mul3A_367, %add3A_369 : vector<16xf32>
      %mul3A_371 = arith.mulf %add3A_370, %mul3A_364 : vector<16xf32>
      %add3A_372 = arith.constant 0.142857149 : f32
      %add3A_373 = vector.broadcast %add3A_372 : f32 to vector<16xf32>
      %add3A_374 = arith.addf %mul3A_371, %add3A_373 : vector<16xf32>
      %mul3A_375 = arith.mulf %add3A_374, %mul3A_364 : vector<16xf32>
      %add3A_376 = arith.constant 2.000000e-01 : f32
      %add3A_377 = vector.broadcast %add3A_376 : f32 to vector<16xf32>
      %add3A_378 = arith.addf %mul3A_375, %add3A_377 : vector<16xf32>
      %mul3A_379 = arith.mulf %add3A_378, %mul3A_364 : vector<16xf32>
      %add3A_380 = arith.constant 0.333333343 : f32
      %add3A_381 = vector.broadcast %add3A_380 : f32 to vector<16xf32>
      %add3A_382 = arith.addf %mul3A_379, %add3A_381 : vector<16xf32>
      %mul3A_383 = arith.mulf %add3A_382, %mul3A_364 : vector<16xf32>
      %add3A_384 = arith.constant 1.000000e+00 : f32
      %add3A_385 = vector.broadcast %add3A_384 : f32 to vector<16xf32>
      %add3A_386 = arith.addf %mul3A_383, %add3A_385 : vector<16xf32>
      %convert_element_type3A = arith.sitofp %sub3A_351 : vector<16xi32> to vector<16xf32>
      %mul3A_387 = arith.constant 0.693147182 : f32
      %mul3A_388 = vector.broadcast %mul3A_387 : f32 to vector<16xf32>
      %mul3A_389 = arith.mulf %convert_element_type3A, %mul3A_388 : vector<16xf32>
      %mul3A_390 = arith.constant 2.000000e+00 : f32
      %mul3A_391 = vector.broadcast %mul3A_390 : f32 to vector<16xf32>
      %mul3A_392 = arith.mulf %mul3A_391, %div3A : vector<16xf32>
      %mul3A_393 = arith.mulf %mul3A_392, %add3A_386 : vector<16xf32>
      %add3A_394 = arith.addf %mul3A_389, %mul3A_393 : vector<16xf32>
      %add3A_395 = arith.addf %max3A_323, %add3A_394 : vector<16xf32>
      %add3A_396 = arith.addi %select_n3A_285, %and3A_274 : vector<16xi32>
      %gather3A_397 = tpu.vector_load_idx %arg8[%add3A_396, %add3A_254] : memref<409x128xf32, #tpu.memory_space<vmem>>[vector<16xi32>, vector<16xi32>], vector<16xf32>,
      %jit3A_398 = arith.constant 0 : i32
      %broadcast_in_dim3A_399 = vector.broadcast %jit3A_398 : i32 to vector<16xi32>
      %select_n3A_400 = arith.select %and3A_268, %gather3A, %broadcast_in_dim3A_399 : vector<16xi1>, vector<16xi32>
      %gather3A_401 = tpu.vector_load_idx %arg9[%select_n3A_400] : memref<4681xf32, #tpu.memory_space<vmem>>[vector<16xi32>], vector<16xf32>,
      %sub3A_402 = arith.subf %gather3A_397, %add3A_395 : vector<16xf32>
      %mul3A_403 = arith.mulf %gather3A_401, %sub3A_402 : vector<16xf32>
      %jit3A_404 = arith.constant 0.000000e+00 : f32
      %broadcast_in_dim3A_405 = vector.broadcast %jit3A_404 : f32 to vector<16xf32>
      %select_n3A_406 = arith.select %and3A_268, %mul3A_403, %broadcast_in_dim3A_405 : vector<16xi1>, vector<16xf32>
      %add3A_407 = arith.addf %broadcast_in_dim3A_256, %select_n3A_406 : vector<16xf32>
      %gt3A_408 = arith.constant 0 : i32
      %gt3A_409 = vector.broadcast %gt3A_408 : i32 to vector<16xi32>
      %gt3A_410 = arith.cmpi sgt, %select_n3A, %gt3A_409 : vector<16xi32>
      %sub3A_411 = arith.constant 1 : i32
      %sub3A_412 = vector.broadcast %sub3A_411 : i32 to vector<16xi32>
      %sub3A_413 = arith.subi %select_n3A, %sub3A_412 : vector<16xi32>
      %shift_right_arithmetic3A_414 = arith.constant 3 : i32
      %shift_right_arithmetic3A_415 = vector.broadcast %shift_right_arithmetic3A_414 : i32 to vector<16xi32>
      %shift_right_arithmetic3A_416 = arith.shrsi %sub3A_413, %shift_right_arithmetic3A_415 : vector<16xi32>
      %jit3A_417 = arith.constant 0 : i32
      %broadcast_in_dim3A_418 = vector.broadcast %jit3A_417 : i32 to vector<16xi32>
      %select_n3A_419 = arith.select %gt3A_410, %shift_right_arithmetic3A_416, %broadcast_in_dim3A_418 : vector<16xi1>, vector<16xi32>
      %ge3A_420 = vector.broadcast %mul3A_105 : i32 to vector<16xi32>
      %ge3A_421 = arith.cmpi sge, %select_n3A_419, %ge3A_420 : vector<16xi32>
      %and3A_422 = arith.andi %gt3A_410, %ge3A_421 : vector<16xi1>
      %lt3A_423 = vector.broadcast %min3A_109 : i32 to vector<16xi32>
      %lt3A_424 = arith.cmpi slt, %select_n3A_419, %lt3A_423 : vector<16xi32>
      %and3A_425 = arith.andi %and3A_422, %lt3A_424 : vector<16xi1>
      %sub3A_426 = arith.constant 1 : i32
      %sub3A_427 = vector.broadcast %sub3A_426 : i32 to vector<16xi32>
      %sub3A_428 = arith.subi %select_n3A, %sub3A_427 : vector<16xi32>
      %and3A_429 = arith.constant 7 : i32
      %and3A_430 = vector.broadcast %and3A_429 : i32 to vector<16xi32>
      %and3A_431 = arith.andi %sub3A_428, %and3A_430 : vector<16xi32>
      %mul3A_432 = arith.constant 8 : i32
      %mul3A_433 = vector.broadcast %mul3A_432 : i32 to vector<16xi32>
      %mul3A_434 = arith.muli %mul3A_433, %select_n3A_419 : vector<16xi32>
      %add3A_435 = arith.constant 1 : i32
      %add3A_436 = vector.broadcast %add3A_435 : i32 to vector<16xi32>
      %add3A_437 = arith.addi %mul3A_434, %add3A_436 : vector<16xi32>
      %sub3A_438 = vector.broadcast %min3A_60 : i32 to vector<16xi32>
      %sub3A_439 = arith.subi %add3A_437, %sub3A_438 : vector<16xi32>
      %jit3A_440 = arith.constant 0 : i32
      %broadcast_in_dim3A_441 = vector.broadcast %jit3A_440 : i32 to vector<16xi32>
      %select_n3A_442 = arith.select %and3A_425, %sub3A_439, %broadcast_in_dim3A_441 : vector<16xi1>, vector<16xi32>
      %add3A_443 = arith.constant 0 : i32
      %add3A_444 = vector.broadcast %add3A_443 : i32 to vector<16xi32>
      %add3A_445 = arith.addi %select_n3A_442, %add3A_444 : vector<16xi32>
      %gather3A_446 = tpu.vector_load_idx %arg8[%add3A_445, %add3A_254] : memref<409x128xf32, #tpu.memory_space<vmem>>[vector<16xi32>, vector<16xi32>], vector<16xf32>,
      %add3A_447 = arith.constant 1 : i32
      %add3A_448 = vector.broadcast %add3A_447 : i32 to vector<16xi32>
      %add3A_449 = arith.addi %select_n3A_442, %add3A_448 : vector<16xi32>
      %gather3A_450 = tpu.vector_load_idx %arg8[%add3A_449, %add3A_254] : memref<409x128xf32, #tpu.memory_space<vmem>>[vector<16xi32>, vector<16xi32>], vector<16xf32>,
      %add3A_451 = arith.constant 2 : i32
      %add3A_452 = vector.broadcast %add3A_451 : i32 to vector<16xi32>
      %add3A_453 = arith.addi %select_n3A_442, %add3A_452 : vector<16xi32>
      %gather3A_454 = tpu.vector_load_idx %arg8[%add3A_453, %add3A_254] : memref<409x128xf32, #tpu.memory_space<vmem>>[vector<16xi32>, vector<16xi32>], vector<16xf32>,
      %add3A_455 = arith.constant 3 : i32
      %add3A_456 = vector.broadcast %add3A_455 : i32 to vector<16xi32>
      %add3A_457 = arith.addi %select_n3A_442, %add3A_456 : vector<16xi32>
      %gather3A_458 = tpu.vector_load_idx %arg8[%add3A_457, %add3A_254] : memref<409x128xf32, #tpu.memory_space<vmem>>[vector<16xi32>, vector<16xi32>], vector<16xf32>,
      %add3A_459 = arith.constant 4 : i32
      %add3A_460 = vector.broadcast %add3A_459 : i32 to vector<16xi32>
      %add3A_461 = arith.addi %select_n3A_442, %add3A_460 : vector<16xi32>
      %gather3A_462 = tpu.vector_load_idx %arg8[%add3A_461, %add3A_254] : memref<409x128xf32, #tpu.memory_space<vmem>>[vector<16xi32>, vector<16xi32>], vector<16xf32>,
      %add3A_463 = arith.constant 5 : i32
      %add3A_464 = vector.broadcast %add3A_463 : i32 to vector<16xi32>
      %add3A_465 = arith.addi %select_n3A_442, %add3A_464 : vector<16xi32>
      %gather3A_466 = tpu.vector_load_idx %arg8[%add3A_465, %add3A_254] : memref<409x128xf32, #tpu.memory_space<vmem>>[vector<16xi32>, vector<16xi32>], vector<16xf32>,
      %add3A_467 = arith.constant 6 : i32
      %add3A_468 = vector.broadcast %add3A_467 : i32 to vector<16xi32>
      %add3A_469 = arith.addi %select_n3A_442, %add3A_468 : vector<16xi32>
      %gather3A_470 = tpu.vector_load_idx %arg8[%add3A_469, %add3A_254] : memref<409x128xf32, #tpu.memory_space<vmem>>[vector<16xi32>, vector<16xi32>], vector<16xf32>,
      %add3A_471 = arith.constant 7 : i32
      %add3A_472 = vector.broadcast %add3A_471 : i32 to vector<16xi32>
      %add3A_473 = arith.addi %select_n3A_442, %add3A_472 : vector<16xi32>
      %gather3A_474 = tpu.vector_load_idx %arg8[%add3A_473, %add3A_254] : memref<409x128xf32, #tpu.memory_space<vmem>>[vector<16xi32>, vector<16xi32>], vector<16xf32>,
      %max3A_475 = arith.maximumf %gather3A_446, %gather3A_450 : vector<16xf32>
      %max3A_476 = arith.maximumf %max3A_475, %gather3A_454 : vector<16xf32>
      %max3A_477 = arith.maximumf %max3A_476, %gather3A_458 : vector<16xf32>
      %max3A_478 = arith.maximumf %max3A_477, %gather3A_462 : vector<16xf32>
      %max3A_479 = arith.maximumf %max3A_478, %gather3A_466 : vector<16xf32>
      %max3A_480 = arith.maximumf %max3A_479, %gather3A_470 : vector<16xf32>
      %max3A_481 = arith.maximumf %max3A_480, %gather3A_474 : vector<16xf32>
      %sub3A_482 = arith.subf %gather3A_446, %max3A_481 : vector<16xf32>
      %exp3A_483 = math.exp %sub3A_482 : vector<16xf32>
      %sub3A_484 = arith.subf %gather3A_450, %max3A_481 : vector<16xf32>
      %exp3A_485 = math.exp %sub3A_484 : vector<16xf32>
      %add3A_486 = arith.addf %exp3A_483, %exp3A_485 : vector<16xf32>
      %sub3A_487 = arith.subf %gather3A_454, %max3A_481 : vector<16xf32>
      %exp3A_488 = math.exp %sub3A_487 : vector<16xf32>
      %add3A_489 = arith.addf %add3A_486, %exp3A_488 : vector<16xf32>
      %sub3A_490 = arith.subf %gather3A_458, %max3A_481 : vector<16xf32>
      %exp3A_491 = math.exp %sub3A_490 : vector<16xf32>
      %add3A_492 = arith.addf %add3A_489, %exp3A_491 : vector<16xf32>
      %sub3A_493 = arith.subf %gather3A_462, %max3A_481 : vector<16xf32>
      %exp3A_494 = math.exp %sub3A_493 : vector<16xf32>
      %add3A_495 = arith.addf %add3A_492, %exp3A_494 : vector<16xf32>
      %sub3A_496 = arith.subf %gather3A_466, %max3A_481 : vector<16xf32>
      %exp3A_497 = math.exp %sub3A_496 : vector<16xf32>
      %add3A_498 = arith.addf %add3A_495, %exp3A_497 : vector<16xf32>
      %sub3A_499 = arith.subf %gather3A_470, %max3A_481 : vector<16xf32>
      %exp3A_500 = math.exp %sub3A_499 : vector<16xf32>
      %add3A_501 = arith.addf %add3A_498, %exp3A_500 : vector<16xf32>
      %sub3A_502 = arith.subf %gather3A_474, %max3A_481 : vector<16xf32>
      %exp3A_503 = math.exp %sub3A_502 : vector<16xf32>
      %add3A_504 = arith.addf %add3A_501, %exp3A_503 : vector<16xf32>
      %bitcast3A_505 = vector.bitcast %add3A_504 : vector<16xf32> to vector<16xi32>
      %shift_right_arithmetic3A_506 = arith.constant 23 : i32
      %shift_right_arithmetic3A_507 = vector.broadcast %shift_right_arithmetic3A_506 : i32 to vector<16xi32>
      %shift_right_arithmetic3A_508 = arith.shrsi %bitcast3A_505, %shift_right_arithmetic3A_507 : vector<16xi32>
      %sub3A_509 = arith.constant 127 : i32
      %sub3A_510 = vector.broadcast %sub3A_509 : i32 to vector<16xi32>
      %sub3A_511 = arith.subi %shift_right_arithmetic3A_508, %sub3A_510 : vector<16xi32>
      %and3A_512 = arith.constant 8388607 : i32
      %and3A_513 = vector.broadcast %and3A_512 : i32 to vector<16xi32>
      %and3A_514 = arith.andi %bitcast3A_505, %and3A_513 : vector<16xi32>
      %or3A_515 = arith.constant 1065353216 : i32
      %or3A_516 = vector.broadcast %or3A_515 : i32 to vector<16xi32>
      %or3A_517 = arith.ori %and3A_514, %or3A_516 : vector<16xi32>
      %bitcast3A_518 = vector.bitcast %or3A_517 : vector<16xi32> to vector<16xf32>
      %sub3A_519 = arith.constant 1.000000e+00 : f32
      %sub3A_520 = vector.broadcast %sub3A_519 : f32 to vector<16xf32>
      %sub3A_521 = arith.subf %bitcast3A_518, %sub3A_520 : vector<16xf32>
      %add3A_522 = arith.constant 1.000000e+00 : f32
      %add3A_523 = vector.broadcast %add3A_522 : f32 to vector<16xf32>
      %add3A_524 = arith.addf %bitcast3A_518, %add3A_523 : vector<16xf32>
      %div3A_525 = arith.divf %sub3A_521, %add3A_524 : vector<16xf32>
      %mul3A_526 = arith.mulf %div3A_525, %div3A_525 : vector<16xf32>
      %mul3A_527 = arith.constant 0.0909090936 : f32
      %mul3A_528 = vector.broadcast %mul3A_527 : f32 to vector<16xf32>
      %mul3A_529 = arith.mulf %mul3A_528, %mul3A_526 : vector<16xf32>
      %add3A_530 = arith.constant 0.111111112 : f32
      %add3A_531 = vector.broadcast %add3A_530 : f32 to vector<16xf32>
      %add3A_532 = arith.addf %mul3A_529, %add3A_531 : vector<16xf32>
      %mul3A_533 = arith.mulf %add3A_532, %mul3A_526 : vector<16xf32>
      %add3A_534 = arith.constant 0.142857149 : f32
      %add3A_535 = vector.broadcast %add3A_534 : f32 to vector<16xf32>
      %add3A_536 = arith.addf %mul3A_533, %add3A_535 : vector<16xf32>
      %mul3A_537 = arith.mulf %add3A_536, %mul3A_526 : vector<16xf32>
      %add3A_538 = arith.constant 2.000000e-01 : f32
      %add3A_539 = vector.broadcast %add3A_538 : f32 to vector<16xf32>
      %add3A_540 = arith.addf %mul3A_537, %add3A_539 : vector<16xf32>
      %mul3A_541 = arith.mulf %add3A_540, %mul3A_526 : vector<16xf32>
      %add3A_542 = arith.constant 0.333333343 : f32
      %add3A_543 = vector.broadcast %add3A_542 : f32 to vector<16xf32>
      %add3A_544 = arith.addf %mul3A_541, %add3A_543 : vector<16xf32>
      %mul3A_545 = arith.mulf %add3A_544, %mul3A_526 : vector<16xf32>
      %add3A_546 = arith.constant 1.000000e+00 : f32
      %add3A_547 = vector.broadcast %add3A_546 : f32 to vector<16xf32>
      %add3A_548 = arith.addf %mul3A_545, %add3A_547 : vector<16xf32>
      %convert_element_type3A_549 = arith.sitofp %sub3A_511 : vector<16xi32> to vector<16xf32>
      %mul3A_550 = arith.constant 0.693147182 : f32
      %mul3A_551 = vector.broadcast %mul3A_550 : f32 to vector<16xf32>
      %mul3A_552 = arith.mulf %convert_element_type3A_549, %mul3A_551 : vector<16xf32>
      %mul3A_553 = arith.constant 2.000000e+00 : f32
      %mul3A_554 = vector.broadcast %mul3A_553 : f32 to vector<16xf32>
      %mul3A_555 = arith.mulf %mul3A_554, %div3A_525 : vector<16xf32>
      %mul3A_556 = arith.mulf %mul3A_555, %add3A_548 : vector<16xf32>
      %add3A_557 = arith.addf %mul3A_552, %mul3A_556 : vector<16xf32>
      %add3A_558 = arith.addf %max3A_481, %add3A_557 : vector<16xf32>
      %add3A_559 = arith.addi %select_n3A_442, %and3A_431 : vector<16xi32>
      %gather3A_560 = tpu.vector_load_idx %arg8[%add3A_559, %add3A_254] : memref<409x128xf32, #tpu.memory_space<vmem>>[vector<16xi32>, vector<16xi32>], vector<16xf32>,
      %jit3A_561 = arith.constant 0 : i32
      %broadcast_in_dim3A_562 = vector.broadcast %jit3A_561 : i32 to vector<16xi32>
      %select_n3A_563 = arith.select %and3A_425, %select_n3A, %broadcast_in_dim3A_562 : vector<16xi1>, vector<16xi32>
      %gather3A_564 = tpu.vector_load_idx %arg9[%select_n3A_563] : memref<4681xf32, #tpu.memory_space<vmem>>[vector<16xi32>], vector<16xf32>,
      %sub3A_565 = arith.subf %gather3A_560, %add3A_558 : vector<16xf32>
      %mul3A_566 = arith.mulf %gather3A_564, %sub3A_565 : vector<16xf32>
      %jit3A_567 = arith.constant 0.000000e+00 : f32
      %broadcast_in_dim3A_568 = vector.broadcast %jit3A_567 : f32 to vector<16xf32>
      %select_n3A_569 = arith.select %and3A_425, %mul3A_566, %broadcast_in_dim3A_568 : vector<16xi1>, vector<16xf32>
      %add3A_570 = arith.addf %add3A_407, %select_n3A_569 : vector<16xf32>
      %gt3A_571 = arith.constant 0 : i32
      %gt3A_572 = vector.broadcast %gt3A_571 : i32 to vector<16xi32>
      %gt3A_573 = arith.cmpi sgt, %select_n3A_419, %gt3A_572 : vector<16xi32>
      %sub3A_574 = arith.constant 1 : i32
      %sub3A_575 = vector.broadcast %sub3A_574 : i32 to vector<16xi32>
      %sub3A_576 = arith.subi %select_n3A_419, %sub3A_575 : vector<16xi32>
      %shift_right_arithmetic3A_577 = arith.constant 3 : i32
      %shift_right_arithmetic3A_578 = vector.broadcast %shift_right_arithmetic3A_577 : i32 to vector<16xi32>
      %shift_right_arithmetic3A_579 = arith.shrsi %sub3A_576, %shift_right_arithmetic3A_578 : vector<16xi32>
      %jit3A_580 = arith.constant 0 : i32
      %broadcast_in_dim3A_581 = vector.broadcast %jit3A_580 : i32 to vector<16xi32>
      %select_n3A_582 = arith.select %gt3A_573, %shift_right_arithmetic3A_579, %broadcast_in_dim3A_581 : vector<16xi1>, vector<16xi32>
      %ge3A_583 = vector.broadcast %mul3A_105 : i32 to vector<16xi32>
      %ge3A_584 = arith.cmpi sge, %select_n3A_582, %ge3A_583 : vector<16xi32>
      %and3A_585 = arith.andi %gt3A_573, %ge3A_584 : vector<16xi1>
      %lt3A_586 = vector.broadcast %min3A_109 : i32 to vector<16xi32>
      %lt3A_587 = arith.cmpi slt, %select_n3A_582, %lt3A_586 : vector<16xi32>
      %and3A_588 = arith.andi %and3A_585, %lt3A_587 : vector<16xi1>
      %sub3A_589 = arith.constant 1 : i32
      %sub3A_590 = vector.broadcast %sub3A_589 : i32 to vector<16xi32>
      %sub3A_591 = arith.subi %select_n3A_419, %sub3A_590 : vector<16xi32>
      %and3A_592 = arith.constant 7 : i32
      %and3A_593 = vector.broadcast %and3A_592 : i32 to vector<16xi32>
      %and3A_594 = arith.andi %sub3A_591, %and3A_593 : vector<16xi32>
      %mul3A_595 = arith.constant 8 : i32
      %mul3A_596 = vector.broadcast %mul3A_595 : i32 to vector<16xi32>
      %mul3A_597 = arith.muli %mul3A_596, %select_n3A_582 : vector<16xi32>
      %add3A_598 = arith.constant 1 : i32
      %add3A_599 = vector.broadcast %add3A_598 : i32 to vector<16xi32>
      %add3A_600 = arith.addi %mul3A_597, %add3A_599 : vector<16xi32>
      %sub3A_601 = vector.broadcast %min3A_60 : i32 to vector<16xi32>
      %sub3A_602 = arith.subi %add3A_600, %sub3A_601 : vector<16xi32>
      %jit3A_603 = arith.constant 0 : i32
      %broadcast_in_dim3A_604 = vector.broadcast %jit3A_603 : i32 to vector<16xi32>
      %select_n3A_605 = arith.select %and3A_588, %sub3A_602, %broadcast_in_dim3A_604 : vector<16xi1>, vector<16xi32>
      %add3A_606 = arith.constant 0 : i32
      %add3A_607 = vector.broadcast %add3A_606 : i32 to vector<16xi32>
      %add3A_608 = arith.addi %select_n3A_605, %add3A_607 : vector<16xi32>
      %gather3A_609 = tpu.vector_load_idx %arg8[%add3A_608, %add3A_254] : memref<409x128xf32, #tpu.memory_space<vmem>>[vector<16xi32>, vector<16xi32>], vector<16xf32>,
      %add3A_610 = arith.constant 1 : i32
      %add3A_611 = vector.broadcast %add3A_610 : i32 to vector<16xi32>
      %add3A_612 = arith.addi %select_n3A_605, %add3A_611 : vector<16xi32>
      %gather3A_613 = tpu.vector_load_idx %arg8[%add3A_612, %add3A_254] : memref<409x128xf32, #tpu.memory_space<vmem>>[vector<16xi32>, vector<16xi32>], vector<16xf32>,
      %add3A_614 = arith.constant 2 : i32
      %add3A_615 = vector.broadcast %add3A_614 : i32 to vector<16xi32>
      %add3A_616 = arith.addi %select_n3A_605, %add3A_615 : vector<16xi32>
      %gather3A_617 = tpu.vector_load_idx %arg8[%add3A_616, %add3A_254] : memref<409x128xf32, #tpu.memory_space<vmem>>[vector<16xi32>, vector<16xi32>], vector<16xf32>,
      %add3A_618 = arith.constant 3 : i32
      %add3A_619 = vector.broadcast %add3A_618 : i32 to vector<16xi32>
      %add3A_620 = arith.addi %select_n3A_605, %add3A_619 : vector<16xi32>
      %gather3A_621 = tpu.vector_load_idx %arg8[%add3A_620, %add3A_254] : memref<409x128xf32, #tpu.memory_space<vmem>>[vector<16xi32>, vector<16xi32>], vector<16xf32>,
      %add3A_622 = arith.constant 4 : i32
      %add3A_623 = vector.broadcast %add3A_622 : i32 to vector<16xi32>
      %add3A_624 = arith.addi %select_n3A_605, %add3A_623 : vector<16xi32>
      %gather3A_625 = tpu.vector_load_idx %arg8[%add3A_624, %add3A_254] : memref<409x128xf32, #tpu.memory_space<vmem>>[vector<16xi32>, vector<16xi32>], vector<16xf32>,
      %add3A_626 = arith.constant 5 : i32
      %add3A_627 = vector.broadcast %add3A_626 : i32 to vector<16xi32>
      %add3A_628 = arith.addi %select_n3A_605, %add3A_627 : vector<16xi32>
      %gather3A_629 = tpu.vector_load_idx %arg8[%add3A_628, %add3A_254] : memref<409x128xf32, #tpu.memory_space<vmem>>[vector<16xi32>, vector<16xi32>], vector<16xf32>,
      %add3A_630 = arith.constant 6 : i32
      %add3A_631 = vector.broadcast %add3A_630 : i32 to vector<16xi32>
      %add3A_632 = arith.addi %select_n3A_605, %add3A_631 : vector<16xi32>
      %gather3A_633 = tpu.vector_load_idx %arg8[%add3A_632, %add3A_254] : memref<409x128xf32, #tpu.memory_space<vmem>>[vector<16xi32>, vector<16xi32>], vector<16xf32>,
      %add3A_634 = arith.constant 7 : i32
      %add3A_635 = vector.broadcast %add3A_634 : i32 to vector<16xi32>
      %add3A_636 = arith.addi %select_n3A_605, %add3A_635 : vector<16xi32>
      %gather3A_637 = tpu.vector_load_idx %arg8[%add3A_636, %add3A_254] : memref<409x128xf32, #tpu.memory_space<vmem>>[vector<16xi32>, vector<16xi32>], vector<16xf32>,
      %max3A_638 = arith.maximumf %gather3A_609, %gather3A_613 : vector<16xf32>
      %max3A_639 = arith.maximumf %max3A_638, %gather3A_617 : vector<16xf32>
      %max3A_640 = arith.maximumf %max3A_639, %gather3A_621 : vector<16xf32>
      %max3A_641 = arith.maximumf %max3A_640, %gather3A_625 : vector<16xf32>
      %max3A_642 = arith.maximumf %max3A_641, %gather3A_629 : vector<16xf32>
      %max3A_643 = arith.maximumf %max3A_642, %gather3A_633 : vector<16xf32>
      %max3A_644 = arith.maximumf %max3A_643, %gather3A_637 : vector<16xf32>
      %sub3A_645 = arith.subf %gather3A_609, %max3A_644 : vector<16xf32>
      %exp3A_646 = math.exp %sub3A_645 : vector<16xf32>
      %sub3A_647 = arith.subf %gather3A_613, %max3A_644 : vector<16xf32>
      %exp3A_648 = math.exp %sub3A_647 : vector<16xf32>
      %add3A_649 = arith.addf %exp3A_646, %exp3A_648 : vector<16xf32>
      %sub3A_650 = arith.subf %gather3A_617, %max3A_644 : vector<16xf32>
      %exp3A_651 = math.exp %sub3A_650 : vector<16xf32>
      %add3A_652 = arith.addf %add3A_649, %exp3A_651 : vector<16xf32>
      %sub3A_653 = arith.subf %gather3A_621, %max3A_644 : vector<16xf32>
      %exp3A_654 = math.exp %sub3A_653 : vector<16xf32>
      %add3A_655 = arith.addf %add3A_652, %exp3A_654 : vector<16xf32>
      %sub3A_656 = arith.subf %gather3A_625, %max3A_644 : vector<16xf32>
      %exp3A_657 = math.exp %sub3A_656 : vector<16xf32>
      %add3A_658 = arith.addf %add3A_655, %exp3A_657 : vector<16xf32>
      %sub3A_659 = arith.subf %gather3A_629, %max3A_644 : vector<16xf32>
      %exp3A_660 = math.exp %sub3A_659 : vector<16xf32>
      %add3A_661 = arith.addf %add3A_658, %exp3A_660 : vector<16xf32>
      %sub3A_662 = arith.subf %gather3A_633, %max3A_644 : vector<16xf32>
      %exp3A_663 = math.exp %sub3A_662 : vector<16xf32>
      %add3A_664 = arith.addf %add3A_661, %exp3A_663 : vector<16xf32>
      %sub3A_665 = arith.subf %gather3A_637, %max3A_644 : vector<16xf32>
      %exp3A_666 = math.exp %sub3A_665 : vector<16xf32>
      %add3A_667 = arith.addf %add3A_664, %exp3A_666 : vector<16xf32>
      %bitcast3A_668 = vector.bitcast %add3A_667 : vector<16xf32> to vector<16xi32>
      %shift_right_arithmetic3A_669 = arith.constant 23 : i32
      %shift_right_arithmetic3A_670 = vector.broadcast %shift_right_arithmetic3A_669 : i32 to vector<16xi32>
      %shift_right_arithmetic3A_671 = arith.shrsi %bitcast3A_668, %shift_right_arithmetic3A_670 : vector<16xi32>
      %sub3A_672 = arith.constant 127 : i32
      %sub3A_673 = vector.broadcast %sub3A_672 : i32 to vector<16xi32>
      %sub3A_674 = arith.subi %shift_right_arithmetic3A_671, %sub3A_673 : vector<16xi32>
      %and3A_675 = arith.constant 8388607 : i32
      %and3A_676 = vector.broadcast %and3A_675 : i32 to vector<16xi32>
      %and3A_677 = arith.andi %bitcast3A_668, %and3A_676 : vector<16xi32>
      %or3A_678 = arith.constant 1065353216 : i32
      %or3A_679 = vector.broadcast %or3A_678 : i32 to vector<16xi32>
      %or3A_680 = arith.ori %and3A_677, %or3A_679 : vector<16xi32>
      %bitcast3A_681 = vector.bitcast %or3A_680 : vector<16xi32> to vector<16xf32>
      %sub3A_682 = arith.constant 1.000000e+00 : f32
      %sub3A_683 = vector.broadcast %sub3A_682 : f32 to vector<16xf32>
      %sub3A_684 = arith.subf %bitcast3A_681, %sub3A_683 : vector<16xf32>
      %add3A_685 = arith.constant 1.000000e+00 : f32
      %add3A_686 = vector.broadcast %add3A_685 : f32 to vector<16xf32>
      %add3A_687 = arith.addf %bitcast3A_681, %add3A_686 : vector<16xf32>
      %div3A_688 = arith.divf %sub3A_684, %add3A_687 : vector<16xf32>
      %mul3A_689 = arith.mulf %div3A_688, %div3A_688 : vector<16xf32>
      %mul3A_690 = arith.constant 0.0909090936 : f32
      %mul3A_691 = vector.broadcast %mul3A_690 : f32 to vector<16xf32>
      %mul3A_692 = arith.mulf %mul3A_691, %mul3A_689 : vector<16xf32>
      %add3A_693 = arith.constant 0.111111112 : f32
      %add3A_694 = vector.broadcast %add3A_693 : f32 to vector<16xf32>
      %add3A_695 = arith.addf %mul3A_692, %add3A_694 : vector<16xf32>
      %mul3A_696 = arith.mulf %add3A_695, %mul3A_689 : vector<16xf32>
      %add3A_697 = arith.constant 0.142857149 : f32
      %add3A_698 = vector.broadcast %add3A_697 : f32 to vector<16xf32>
      %add3A_699 = arith.addf %mul3A_696, %add3A_698 : vector<16xf32>
      %mul3A_700 = arith.mulf %add3A_699, %mul3A_689 : vector<16xf32>
      %add3A_701 = arith.constant 2.000000e-01 : f32
      %add3A_702 = vector.broadcast %add3A_701 : f32 to vector<16xf32>
      %add3A_703 = arith.addf %mul3A_700, %add3A_702 : vector<16xf32>
      %mul3A_704 = arith.mulf %add3A_703, %mul3A_689 : vector<16xf32>
      %add3A_705 = arith.constant 0.333333343 : f32
      %add3A_706 = vector.broadcast %add3A_705 : f32 to vector<16xf32>
      %add3A_707 = arith.addf %mul3A_704, %add3A_706 : vector<16xf32>
      %mul3A_708 = arith.mulf %add3A_707, %mul3A_689 : vector<16xf32>
      %add3A_709 = arith.constant 1.000000e+00 : f32
      %add3A_710 = vector.broadcast %add3A_709 : f32 to vector<16xf32>
      %add3A_711 = arith.addf %mul3A_708, %add3A_710 : vector<16xf32>
      %convert_element_type3A_712 = arith.sitofp %sub3A_674 : vector<16xi32> to vector<16xf32>
      %mul3A_713 = arith.constant 0.693147182 : f32
      %mul3A_714 = vector.broadcast %mul3A_713 : f32 to vector<16xf32>
      %mul3A_715 = arith.mulf %convert_element_type3A_712, %mul3A_714 : vector<16xf32>
      %mul3A_716 = arith.constant 2.000000e+00 : f32
      %mul3A_717 = vector.broadcast %mul3A_716 : f32 to vector<16xf32>
      %mul3A_718 = arith.mulf %mul3A_717, %div3A_688 : vector<16xf32>
      %mul3A_719 = arith.mulf %mul3A_718, %add3A_711 : vector<16xf32>
      %add3A_720 = arith.addf %mul3A_715, %mul3A_719 : vector<16xf32>
      %add3A_721 = arith.addf %max3A_644, %add3A_720 : vector<16xf32>
      %add3A_722 = arith.addi %select_n3A_605, %and3A_594 : vector<16xi32>
      %gather3A_723 = tpu.vector_load_idx %arg8[%add3A_722, %add3A_254] : memref<409x128xf32, #tpu.memory_space<vmem>>[vector<16xi32>, vector<16xi32>], vector<16xf32>,
      %jit3A_724 = arith.constant 0 : i32
      %broadcast_in_dim3A_725 = vector.broadcast %jit3A_724 : i32 to vector<16xi32>
      %select_n3A_726 = arith.select %and3A_588, %select_n3A_419, %broadcast_in_dim3A_725 : vector<16xi1>, vector<16xi32>
      %gather3A_727 = tpu.vector_load_idx %arg9[%select_n3A_726] : memref<4681xf32, #tpu.memory_space<vmem>>[vector<16xi32>], vector<16xf32>,
      %sub3A_728 = arith.subf %gather3A_723, %add3A_721 : vector<16xf32>
      %mul3A_729 = arith.mulf %gather3A_727, %sub3A_728 : vector<16xf32>
      %jit3A_730 = arith.constant 0.000000e+00 : f32
      %broadcast_in_dim3A_731 = vector.broadcast %jit3A_730 : f32 to vector<16xf32>
      %select_n3A_732 = arith.select %and3A_588, %mul3A_729, %broadcast_in_dim3A_731 : vector<16xi1>, vector<16xf32>
      %add3A_733 = arith.addf %add3A_570, %select_n3A_732 : vector<16xf32>
      %gt3A_734 = arith.constant 0 : i32
      %gt3A_735 = vector.broadcast %gt3A_734 : i32 to vector<16xi32>
      %gt3A_736 = arith.cmpi sgt, %select_n3A_582, %gt3A_735 : vector<16xi32>
      %sub3A_737 = arith.constant 1 : i32
      %sub3A_738 = vector.broadcast %sub3A_737 : i32 to vector<16xi32>
      %sub3A_739 = arith.subi %select_n3A_582, %sub3A_738 : vector<16xi32>
      %shift_right_arithmetic3A_740 = arith.constant 3 : i32
      %shift_right_arithmetic3A_741 = vector.broadcast %shift_right_arithmetic3A_740 : i32 to vector<16xi32>
      %shift_right_arithmetic3A_742 = arith.shrsi %sub3A_739, %shift_right_arithmetic3A_741 : vector<16xi32>
      %jit3A_743 = arith.constant 0 : i32
      %broadcast_in_dim3A_744 = vector.broadcast %jit3A_743 : i32 to vector<16xi32>
      %select_n3A_745 = arith.select %gt3A_736, %shift_right_arithmetic3A_742, %broadcast_in_dim3A_744 : vector<16xi1>, vector<16xi32>
      %ge3A_746 = vector.broadcast %mul3A_105 : i32 to vector<16xi32>
      %ge3A_747 = arith.cmpi sge, %select_n3A_745, %ge3A_746 : vector<16xi32>
      %and3A_748 = arith.andi %gt3A_736, %ge3A_747 : vector<16xi1>
      %lt3A_749 = vector.broadcast %min3A_109 : i32 to vector<16xi32>
      %lt3A_750 = arith.cmpi slt, %select_n3A_745, %lt3A_749 : vector<16xi32>
      %and3A_751 = arith.andi %and3A_748, %lt3A_750 : vector<16xi1>
      %sub3A_752 = arith.constant 1 : i32
      %sub3A_753 = vector.broadcast %sub3A_752 : i32 to vector<16xi32>
      %sub3A_754 = arith.subi %select_n3A_582, %sub3A_753 : vector<16xi32>
      %and3A_755 = arith.constant 7 : i32
      %and3A_756 = vector.broadcast %and3A_755 : i32 to vector<16xi32>
      %and3A_757 = arith.andi %sub3A_754, %and3A_756 : vector<16xi32>
      %mul3A_758 = arith.constant 8 : i32
      %mul3A_759 = vector.broadcast %mul3A_758 : i32 to vector<16xi32>
      %mul3A_760 = arith.muli %mul3A_759, %select_n3A_745 : vector<16xi32>
      %add3A_761 = arith.constant 1 : i32
      %add3A_762 = vector.broadcast %add3A_761 : i32 to vector<16xi32>
      %add3A_763 = arith.addi %mul3A_760, %add3A_762 : vector<16xi32>
      %sub3A_764 = vector.broadcast %min3A_60 : i32 to vector<16xi32>
      %sub3A_765 = arith.subi %add3A_763, %sub3A_764 : vector<16xi32>
      %jit3A_766 = arith.constant 0 : i32
      %broadcast_in_dim3A_767 = vector.broadcast %jit3A_766 : i32 to vector<16xi32>
      %select_n3A_768 = arith.select %and3A_751, %sub3A_765, %broadcast_in_dim3A_767 : vector<16xi1>, vector<16xi32>
      %add3A_769 = arith.constant 0 : i32
      %add3A_770 = vector.broadcast %add3A_769 : i32 to vector<16xi32>
      %add3A_771 = arith.addi %select_n3A_768, %add3A_770 : vector<16xi32>
      %gather3A_772 = tpu.vector_load_idx %arg8[%add3A_771, %add3A_254] : memref<409x128xf32, #tpu.memory_space<vmem>>[vector<16xi32>, vector<16xi32>], vector<16xf32>,
      %add3A_773 = arith.constant 1 : i32
      %add3A_774 = vector.broadcast %add3A_773 : i32 to vector<16xi32>
      %add3A_775 = arith.addi %select_n3A_768, %add3A_774 : vector<16xi32>
      %gather3A_776 = tpu.vector_load_idx %arg8[%add3A_775, %add3A_254] : memref<409x128xf32, #tpu.memory_space<vmem>>[vector<16xi32>, vector<16xi32>], vector<16xf32>,
      %add3A_777 = arith.constant 2 : i32
      %add3A_778 = vector.broadcast %add3A_777 : i32 to vector<16xi32>
      %add3A_779 = arith.addi %select_n3A_768, %add3A_778 : vector<16xi32>
      %gather3A_780 = tpu.vector_load_idx %arg8[%add3A_779, %add3A_254] : memref<409x128xf32, #tpu.memory_space<vmem>>[vector<16xi32>, vector<16xi32>], vector<16xf32>,
      %add3A_781 = arith.constant 3 : i32
      %add3A_782 = vector.broadcast %add3A_781 : i32 to vector<16xi32>
      %add3A_783 = arith.addi %select_n3A_768, %add3A_782 : vector<16xi32>
      %gather3A_784 = tpu.vector_load_idx %arg8[%add3A_783, %add3A_254] : memref<409x128xf32, #tpu.memory_space<vmem>>[vector<16xi32>, vector<16xi32>], vector<16xf32>,
      %add3A_785 = arith.constant 4 : i32
      %add3A_786 = vector.broadcast %add3A_785 : i32 to vector<16xi32>
      %add3A_787 = arith.addi %select_n3A_768, %add3A_786 : vector<16xi32>
      %gather3A_788 = tpu.vector_load_idx %arg8[%add3A_787, %add3A_254] : memref<409x128xf32, #tpu.memory_space<vmem>>[vector<16xi32>, vector<16xi32>], vector<16xf32>,
      %add3A_789 = arith.constant 5 : i32
      %add3A_790 = vector.broadcast %add3A_789 : i32 to vector<16xi32>
      %add3A_791 = arith.addi %select_n3A_768, %add3A_790 : vector<16xi32>
      %gather3A_792 = tpu.vector_load_idx %arg8[%add3A_791, %add3A_254] : memref<409x128xf32, #tpu.memory_space<vmem>>[vector<16xi32>, vector<16xi32>], vector<16xf32>,
      %add3A_793 = arith.constant 6 : i32
      %add3A_794 = vector.broadcast %add3A_793 : i32 to vector<16xi32>
      %add3A_795 = arith.addi %select_n3A_768, %add3A_794 : vector<16xi32>
      %gather3A_796 = tpu.vector_load_idx %arg8[%add3A_795, %add3A_254] : memref<409x128xf32, #tpu.memory_space<vmem>>[vector<16xi32>, vector<16xi32>], vector<16xf32>,
      %add3A_797 = arith.constant 7 : i32
      %add3A_798 = vector.broadcast %add3A_797 : i32 to vector<16xi32>
      %add3A_799 = arith.addi %select_n3A_768, %add3A_798 : vector<16xi32>
      %gather3A_800 = tpu.vector_load_idx %arg8[%add3A_799, %add3A_254] : memref<409x128xf32, #tpu.memory_space<vmem>>[vector<16xi32>, vector<16xi32>], vector<16xf32>,
      %max3A_801 = arith.maximumf %gather3A_772, %gather3A_776 : vector<16xf32>
      %max3A_802 = arith.maximumf %max3A_801, %gather3A_780 : vector<16xf32>
      %max3A_803 = arith.maximumf %max3A_802, %gather3A_784 : vector<16xf32>
      %max3A_804 = arith.maximumf %max3A_803, %gather3A_788 : vector<16xf32>
      %max3A_805 = arith.maximumf %max3A_804, %gather3A_792 : vector<16xf32>
      %max3A_806 = arith.maximumf %max3A_805, %gather3A_796 : vector<16xf32>
      %max3A_807 = arith.maximumf %max3A_806, %gather3A_800 : vector<16xf32>
      %sub3A_808 = arith.subf %gather3A_772, %max3A_807 : vector<16xf32>
      %exp3A_809 = math.exp %sub3A_808 : vector<16xf32>
      %sub3A_810 = arith.subf %gather3A_776, %max3A_807 : vector<16xf32>
      %exp3A_811 = math.exp %sub3A_810 : vector<16xf32>
      %add3A_812 = arith.addf %exp3A_809, %exp3A_811 : vector<16xf32>
      %sub3A_813 = arith.subf %gather3A_780, %max3A_807 : vector<16xf32>
      %exp3A_814 = math.exp %sub3A_813 : vector<16xf32>
      %add3A_815 = arith.addf %add3A_812, %exp3A_814 : vector<16xf32>
      %sub3A_816 = arith.subf %gather3A_784, %max3A_807 : vector<16xf32>
      %exp3A_817 = math.exp %sub3A_816 : vector<16xf32>
      %add3A_818 = arith.addf %add3A_815, %exp3A_817 : vector<16xf32>
      %sub3A_819 = arith.subf %gather3A_788, %max3A_807 : vector<16xf32>
      %exp3A_820 = math.exp %sub3A_819 : vector<16xf32>
      %add3A_821 = arith.addf %add3A_818, %exp3A_820 : vector<16xf32>
      %sub3A_822 = arith.subf %gather3A_792, %max3A_807 : vector<16xf32>
      %exp3A_823 = math.exp %sub3A_822 : vector<16xf32>
      %add3A_824 = arith.addf %add3A_821, %exp3A_823 : vector<16xf32>
      %sub3A_825 = arith.subf %gather3A_796, %max3A_807 : vector<16xf32>
      %exp3A_826 = math.exp %sub3A_825 : vector<16xf32>
      %add3A_827 = arith.addf %add3A_824, %exp3A_826 : vector<16xf32>
      %sub3A_828 = arith.subf %gather3A_800, %max3A_807 : vector<16xf32>
      %exp3A_829 = math.exp %sub3A_828 : vector<16xf32>
      %add3A_830 = arith.addf %add3A_827, %exp3A_829 : vector<16xf32>
      %bitcast3A_831 = vector.bitcast %add3A_830 : vector<16xf32> to vector<16xi32>
      %shift_right_arithmetic3A_832 = arith.constant 23 : i32
      %shift_right_arithmetic3A_833 = vector.broadcast %shift_right_arithmetic3A_832 : i32 to vector<16xi32>
      %shift_right_arithmetic3A_834 = arith.shrsi %bitcast3A_831, %shift_right_arithmetic3A_833 : vector<16xi32>
      %sub3A_835 = arith.constant 127 : i32
      %sub3A_836 = vector.broadcast %sub3A_835 : i32 to vector<16xi32>
      %sub3A_837 = arith.subi %shift_right_arithmetic3A_834, %sub3A_836 : vector<16xi32>
      %and3A_838 = arith.constant 8388607 : i32
      %and3A_839 = vector.broadcast %and3A_838 : i32 to vector<16xi32>
      %and3A_840 = arith.andi %bitcast3A_831, %and3A_839 : vector<16xi32>
      %or3A_841 = arith.constant 1065353216 : i32
      %or3A_842 = vector.broadcast %or3A_841 : i32 to vector<16xi32>
      %or3A_843 = arith.ori %and3A_840, %or3A_842 : vector<16xi32>
      %bitcast3A_844 = vector.bitcast %or3A_843 : vector<16xi32> to vector<16xf32>
      %sub3A_845 = arith.constant 1.000000e+00 : f32
      %sub3A_846 = vector.broadcast %sub3A_845 : f32 to vector<16xf32>
      %sub3A_847 = arith.subf %bitcast3A_844, %sub3A_846 : vector<16xf32>
      %add3A_848 = arith.constant 1.000000e+00 : f32
      %add3A_849 = vector.broadcast %add3A_848 : f32 to vector<16xf32>
      %add3A_850 = arith.addf %bitcast3A_844, %add3A_849 : vector<16xf32>
      %div3A_851 = arith.divf %sub3A_847, %add3A_850 : vector<16xf32>
      %mul3A_852 = arith.mulf %div3A_851, %div3A_851 : vector<16xf32>
      %mul3A_853 = arith.constant 0.0909090936 : f32
      %mul3A_854 = vector.broadcast %mul3A_853 : f32 to vector<16xf32>
      %mul3A_855 = arith.mulf %mul3A_854, %mul3A_852 : vector<16xf32>
      %add3A_856 = arith.constant 0.111111112 : f32
      %add3A_857 = vector.broadcast %add3A_856 : f32 to vector<16xf32>
      %add3A_858 = arith.addf %mul3A_855, %add3A_857 : vector<16xf32>
      %mul3A_859 = arith.mulf %add3A_858, %mul3A_852 : vector<16xf32>
      %add3A_860 = arith.constant 0.142857149 : f32
      %add3A_861 = vector.broadcast %add3A_860 : f32 to vector<16xf32>
      %add3A_862 = arith.addf %mul3A_859, %add3A_861 : vector<16xf32>
      %mul3A_863 = arith.mulf %add3A_862, %mul3A_852 : vector<16xf32>
      %add3A_864 = arith.constant 2.000000e-01 : f32
      %add3A_865 = vector.broadcast %add3A_864 : f32 to vector<16xf32>
      %add3A_866 = arith.addf %mul3A_863, %add3A_865 : vector<16xf32>
      %mul3A_867 = arith.mulf %add3A_866, %mul3A_852 : vector<16xf32>
      %add3A_868 = arith.constant 0.333333343 : f32
      %add3A_869 = vector.broadcast %add3A_868 : f32 to vector<16xf32>
      %add3A_870 = arith.addf %mul3A_867, %add3A_869 : vector<16xf32>
      %mul3A_871 = arith.mulf %add3A_870, %mul3A_852 : vector<16xf32>
      %add3A_872 = arith.constant 1.000000e+00 : f32
      %add3A_873 = vector.broadcast %add3A_872 : f32 to vector<16xf32>
      %add3A_874 = arith.addf %mul3A_871, %add3A_873 : vector<16xf32>
      %convert_element_type3A_875 = arith.sitofp %sub3A_837 : vector<16xi32> to vector<16xf32>
      %mul3A_876 = arith.constant 0.693147182 : f32
      %mul3A_877 = vector.broadcast %mul3A_876 : f32 to vector<16xf32>
      %mul3A_878 = arith.mulf %convert_element_type3A_875, %mul3A_877 : vector<16xf32>
      %mul3A_879 = arith.constant 2.000000e+00 : f32
      %mul3A_880 = vector.broadcast %mul3A_879 : f32 to vector<16xf32>
      %mul3A_881 = arith.mulf %mul3A_880, %div3A_851 : vector<16xf32>
      %mul3A_882 = arith.mulf %mul3A_881, %add3A_874 : vector<16xf32>
      %add3A_883 = arith.addf %mul3A_878, %mul3A_882 : vector<16xf32>
      %add3A_884 = arith.addf %max3A_807, %add3A_883 : vector<16xf32>
      %add3A_885 = arith.addi %select_n3A_768, %and3A_757 : vector<16xi32>
      %gather3A_886 = tpu.vector_load_idx %arg8[%add3A_885, %add3A_254] : memref<409x128xf32, #tpu.memory_space<vmem>>[vector<16xi32>, vector<16xi32>], vector<16xf32>,
      %jit3A_887 = arith.constant 0 : i32
      %broadcast_in_dim3A_888 = vector.broadcast %jit3A_887 : i32 to vector<16xi32>
      %select_n3A_889 = arith.select %and3A_751, %select_n3A_582, %broadcast_in_dim3A_888 : vector<16xi1>, vector<16xi32>
      %gather3A_890 = tpu.vector_load_idx %arg9[%select_n3A_889] : memref<4681xf32, #tpu.memory_space<vmem>>[vector<16xi32>], vector<16xf32>,
      %sub3A_891 = arith.subf %gather3A_886, %add3A_884 : vector<16xf32>
      %mul3A_892 = arith.mulf %gather3A_890, %sub3A_891 : vector<16xf32>
      %jit3A_893 = arith.constant 0.000000e+00 : f32
      %broadcast_in_dim3A_894 = vector.broadcast %jit3A_893 : f32 to vector<16xf32>
      %select_n3A_895 = arith.select %and3A_751, %mul3A_892, %broadcast_in_dim3A_894 : vector<16xi1>, vector<16xf32>
      %add3A_896 = arith.addf %add3A_733, %select_n3A_895 : vector<16xf32>
      tpu.vector_store_idx %arg10[%add3A_254], %add3A_896 {add = true} : memref<128xf32, #tpu.memory_space<vmem>>[vector<16xi32>], vector<16xf32>,
      %scan3A_897 = arith.constant 0 : i32
      scf.yield %scan3A_897 : i32
    }
    %scan3A_160 = arith.constant 8 : i32
    %add3A_161 = arith.constant 8 : i32
    %add3A_162 = arith.addi %shift_right_arithmetic3A_2, %add3A_161 : i32
    %mul3A_163 = arith.constant 49 : i32
    %mul3A_164 = arith.muli %mul3A_163, %add3A_162 : i32
    %add3A_165 = arith.constant 49 : i32
    %add3A_166 = arith.addi %mul3A_164, %add3A_165 : i32
    %min3A_167 = arith.constant 585 : i32
    %min3A_168 = arith.minsi %add3A_166, %min3A_167 : i32
    %dma_wait3A_169 = arith.constant 0 : i32
    %dma_wait3A_170 = arith.constant 0 : i32
    %dma_wait3A_171 = tpu.memref_slice %arg7[%dma_wait3A_169, %dma_wait3A_170] : memref<409x128xf32, #tpu.memory_space<vmem>> -> memref<408x128xf32, #tpu.memory_space<vmem>>
    %dma_wait3A_172 = tpu.memref_slice %arg2[%min3A_117, %mul3A_4] : memref<4681x1024xf32, #tpu.memory_space<hbm>> -> memref<408x128xf32, #tpu.memory_space<hbm>>
    %dma_wait3A_173 = arith.constant 0 : i32
    %dma_wait3A_174 = arith.constant 0 : i32
    %dma_wait3A_175 = tpu.memref_slice %arg7[%dma_wait3A_173, %dma_wait3A_174] : memref<409x128xf32, #tpu.memory_space<vmem>> -> memref<408x128xf32, #tpu.memory_space<vmem>>
    %dma_wait3A_176 = tpu.memref_slice %arg2[%min3A_117, %mul3A_4] : memref<4681x1024xf32, #tpu.memory_space<hbm>> -> memref<408x128xf32, #tpu.memory_space<hbm>>
    tpu.wait_dma2 semaphore(%arg11 : memref<!tpu.dma_semaphore, #tpu.memory_space<semaphore_mem>>) src(%dma_wait3A_176 : memref<408x128xf32, #tpu.memory_space<hbm>>) dst(%dma_wait3A_175 : memref<408x128xf32, #tpu.memory_space<vmem>>)
    %dma_wait3A_177 = arith.constant 408 : i32
    %dma_wait3A_178 = arith.constant 0 : i32
    %dma_wait3A_179 = tpu.memref_slice %arg7[%dma_wait3A_177, %dma_wait3A_178] : memref<409x128xf32, #tpu.memory_space<vmem>> -> memref<1x128xf32, #tpu.memory_space<vmem>>
    %dma_wait3A_180 = arith.constant 4680 : i32
    %dma_wait3A_181 = tpu.memref_slice %arg2[%dma_wait3A_180, %mul3A_4] : memref<4681x1024xf32, #tpu.memory_space<hbm>> -> memref<1x128xf32, #tpu.memory_space<hbm>>
    %dma_wait3A_182 = arith.constant 408 : i32
    %dma_wait3A_183 = arith.constant 0 : i32
    %dma_wait3A_184 = tpu.memref_slice %arg7[%dma_wait3A_182, %dma_wait3A_183] : memref<409x128xf32, #tpu.memory_space<vmem>> -> memref<1x128xf32, #tpu.memory_space<vmem>>
    %dma_wait3A_185 = arith.constant 4680 : i32
    %dma_wait3A_186 = tpu.memref_slice %arg2[%dma_wait3A_185, %mul3A_4] : memref<4681x1024xf32, #tpu.memory_space<hbm>> -> memref<1x128xf32, #tpu.memory_space<hbm>>
    tpu.wait_dma2 semaphore(%arg11 : memref<!tpu.dma_semaphore, #tpu.memory_space<semaphore_mem>>) src(%dma_wait3A_186 : memref<1x128xf32, #tpu.memory_space<hbm>>) dst(%dma_wait3A_184 : memref<1x128xf32, #tpu.memory_space<vmem>>)
    %scan3A_187 = arith.constant 0 : i32
    %scan3A_188 = arith.constant 0 : i32
    %scan3A_189 = arith.constant 8 : i32
    %scan3A_190 = arith.addi %scan3A_188, %scan3A_189 : i32
    %scan3A_191 = arith.constant 1 : i32
    %scan3A_192 = scf.for %scan3A_249 = %scan3A_188 to %scan3A_190 step %scan3A_191 iter_args(%scan3A_250 = %scan3A_187) -> (i32)  : i32 {
      %mul3A_251 = arith.constant 16 : i32
      %mul3A_252 = arith.muli %scan3A_249, %mul3A_251 : i32
      %add3A_253 = vector.broadcast %mul3A_252 : i32 to vector<16xi32>
      %add3A_254 = arith.addi %add3A_253, %iota3A : vector<16xi32>
      %gather3A = tpu.vector_load_idx %arg6[%add3A_254] : memref<128xi32, #tpu.memory_space<vmem>>[vector<16xi32>], vector<16xi32>,
      %broadcast_in_dim3A_255 = arith.constant 0.000000e+00 : f32
      %broadcast_in_dim3A_256 = vector.broadcast %broadcast_in_dim3A_255 : f32 to vector<16xf32>
      %gt3A = arith.constant 0 : i32
      %gt3A_257 = vector.broadcast %gt3A : i32 to vector<16xi32>
      %gt3A_258 = arith.cmpi sgt, %gather3A, %gt3A_257 : vector<16xi32>
      %sub3A = arith.constant 1 : i32
      %sub3A_259 = vector.broadcast %sub3A : i32 to vector<16xi32>
      %sub3A_260 = arith.subi %gather3A, %sub3A_259 : vector<16xi32>
      %shift_right_arithmetic3A_261 = arith.constant 3 : i32
      %shift_right_arithmetic3A_262 = vector.broadcast %shift_right_arithmetic3A_261 : i32 to vector<16xi32>
      %shift_right_arithmetic3A_263 = arith.shrsi %sub3A_260, %shift_right_arithmetic3A_262 : vector<16xi32>
      %jit3A = arith.constant 0 : i32
      %broadcast_in_dim3A_264 = vector.broadcast %jit3A : i32 to vector<16xi32>
      %select_n3A = arith.select %gt3A_258, %shift_right_arithmetic3A_263, %broadcast_in_dim3A_264 : vector<16xi1>, vector<16xi32>
      %ge3A = vector.broadcast %mul3A_164 : i32 to vector<16xi32>
      %ge3A_265 = arith.cmpi sge, %select_n3A, %ge3A : vector<16xi32>
      %and3A_266 = arith.andi %gt3A_258, %ge3A_265 : vector<16xi1>
      %lt3A = vector.broadcast %min3A_168 : i32 to vector<16xi32>
      %lt3A_267 = arith.cmpi slt, %select_n3A, %lt3A : vector<16xi32>
      %and3A_268 = arith.andi %and3A_266, %lt3A_267 : vector<16xi1>
      %sub3A_269 = arith.constant 1 : i32
      %sub3A_270 = vector.broadcast %sub3A_269 : i32 to vector<16xi32>
      %sub3A_271 = arith.subi %gather3A, %sub3A_270 : vector<16xi32>
      %and3A_272 = arith.constant 7 : i32
      %and3A_273 = vector.broadcast %and3A_272 : i32 to vector<16xi32>
      %and3A_274 = arith.andi %sub3A_271, %and3A_273 : vector<16xi32>
      %mul3A_275 = arith.constant 8 : i32
      %mul3A_276 = vector.broadcast %mul3A_275 : i32 to vector<16xi32>
      %mul3A_277 = arith.muli %mul3A_276, %select_n3A : vector<16xi32>
      %add3A_278 = arith.constant 1 : i32
      %add3A_279 = vector.broadcast %add3A_278 : i32 to vector<16xi32>
      %add3A_280 = arith.addi %mul3A_277, %add3A_279 : vector<16xi32>
      %sub3A_281 = vector.broadcast %min3A_117 : i32 to vector<16xi32>
      %sub3A_282 = arith.subi %add3A_280, %sub3A_281 : vector<16xi32>
      %jit3A_283 = arith.constant 0 : i32
      %broadcast_in_dim3A_284 = vector.broadcast %jit3A_283 : i32 to vector<16xi32>
      %select_n3A_285 = arith.select %and3A_268, %sub3A_282, %broadcast_in_dim3A_284 : vector<16xi1>, vector<16xi32>
      %add3A_286 = arith.constant 0 : i32
      %add3A_287 = vector.broadcast %add3A_286 : i32 to vector<16xi32>
      %add3A_288 = arith.addi %select_n3A_285, %add3A_287 : vector<16xi32>
      %gather3A_289 = tpu.vector_load_idx %arg7[%add3A_288, %add3A_254] : memref<409x128xf32, #tpu.memory_space<vmem>>[vector<16xi32>, vector<16xi32>], vector<16xf32>,
      %add3A_290 = arith.constant 1 : i32
      %add3A_291 = vector.broadcast %add3A_290 : i32 to vector<16xi32>
      %add3A_292 = arith.addi %select_n3A_285, %add3A_291 : vector<16xi32>
      %gather3A_293 = tpu.vector_load_idx %arg7[%add3A_292, %add3A_254] : memref<409x128xf32, #tpu.memory_space<vmem>>[vector<16xi32>, vector<16xi32>], vector<16xf32>,
      %add3A_294 = arith.constant 2 : i32
      %add3A_295 = vector.broadcast %add3A_294 : i32 to vector<16xi32>
      %add3A_296 = arith.addi %select_n3A_285, %add3A_295 : vector<16xi32>
      %gather3A_297 = tpu.vector_load_idx %arg7[%add3A_296, %add3A_254] : memref<409x128xf32, #tpu.memory_space<vmem>>[vector<16xi32>, vector<16xi32>], vector<16xf32>,
      %add3A_298 = arith.constant 3 : i32
      %add3A_299 = vector.broadcast %add3A_298 : i32 to vector<16xi32>
      %add3A_300 = arith.addi %select_n3A_285, %add3A_299 : vector<16xi32>
      %gather3A_301 = tpu.vector_load_idx %arg7[%add3A_300, %add3A_254] : memref<409x128xf32, #tpu.memory_space<vmem>>[vector<16xi32>, vector<16xi32>], vector<16xf32>,
      %add3A_302 = arith.constant 4 : i32
      %add3A_303 = vector.broadcast %add3A_302 : i32 to vector<16xi32>
      %add3A_304 = arith.addi %select_n3A_285, %add3A_303 : vector<16xi32>
      %gather3A_305 = tpu.vector_load_idx %arg7[%add3A_304, %add3A_254] : memref<409x128xf32, #tpu.memory_space<vmem>>[vector<16xi32>, vector<16xi32>], vector<16xf32>,
      %add3A_306 = arith.constant 5 : i32
      %add3A_307 = vector.broadcast %add3A_306 : i32 to vector<16xi32>
      %add3A_308 = arith.addi %select_n3A_285, %add3A_307 : vector<16xi32>
      %gather3A_309 = tpu.vector_load_idx %arg7[%add3A_308, %add3A_254] : memref<409x128xf32, #tpu.memory_space<vmem>>[vector<16xi32>, vector<16xi32>], vector<16xf32>,
      %add3A_310 = arith.constant 6 : i32
      %add3A_311 = vector.broadcast %add3A_310 : i32 to vector<16xi32>
      %add3A_312 = arith.addi %select_n3A_285, %add3A_311 : vector<16xi32>
      %gather3A_313 = tpu.vector_load_idx %arg7[%add3A_312, %add3A_254] : memref<409x128xf32, #tpu.memory_space<vmem>>[vector<16xi32>, vector<16xi32>], vector<16xf32>,
      %add3A_314 = arith.constant 7 : i32
      %add3A_315 = vector.broadcast %add3A_314 : i32 to vector<16xi32>
      %add3A_316 = arith.addi %select_n3A_285, %add3A_315 : vector<16xi32>
      %gather3A_317 = tpu.vector_load_idx %arg7[%add3A_316, %add3A_254] : memref<409x128xf32, #tpu.memory_space<vmem>>[vector<16xi32>, vector<16xi32>], vector<16xf32>,
      %max3A = arith.maximumf %gather3A_289, %gather3A_293 : vector<16xf32>
      %max3A_318 = arith.maximumf %max3A, %gather3A_297 : vector<16xf32>
      %max3A_319 = arith.maximumf %max3A_318, %gather3A_301 : vector<16xf32>
      %max3A_320 = arith.maximumf %max3A_319, %gather3A_305 : vector<16xf32>
      %max3A_321 = arith.maximumf %max3A_320, %gather3A_309 : vector<16xf32>
      %max3A_322 = arith.maximumf %max3A_321, %gather3A_313 : vector<16xf32>
      %max3A_323 = arith.maximumf %max3A_322, %gather3A_317 : vector<16xf32>
      %sub3A_324 = arith.subf %gather3A_289, %max3A_323 : vector<16xf32>
      %exp3A = math.exp %sub3A_324 : vector<16xf32>
      %sub3A_325 = arith.subf %gather3A_293, %max3A_323 : vector<16xf32>
      %exp3A_326 = math.exp %sub3A_325 : vector<16xf32>
      %add3A_327 = arith.addf %exp3A, %exp3A_326 : vector<16xf32>
      %sub3A_328 = arith.subf %gather3A_297, %max3A_323 : vector<16xf32>
      %exp3A_329 = math.exp %sub3A_328 : vector<16xf32>
      %add3A_330 = arith.addf %add3A_327, %exp3A_329 : vector<16xf32>
      %sub3A_331 = arith.subf %gather3A_301, %max3A_323 : vector<16xf32>
      %exp3A_332 = math.exp %sub3A_331 : vector<16xf32>
      %add3A_333 = arith.addf %add3A_330, %exp3A_332 : vector<16xf32>
      %sub3A_334 = arith.subf %gather3A_305, %max3A_323 : vector<16xf32>
      %exp3A_335 = math.exp %sub3A_334 : vector<16xf32>
      %add3A_336 = arith.addf %add3A_333, %exp3A_335 : vector<16xf32>
      %sub3A_337 = arith.subf %gather3A_309, %max3A_323 : vector<16xf32>
      %exp3A_338 = math.exp %sub3A_337 : vector<16xf32>
      %add3A_339 = arith.addf %add3A_336, %exp3A_338 : vector<16xf32>
      %sub3A_340 = arith.subf %gather3A_313, %max3A_323 : vector<16xf32>
      %exp3A_341 = math.exp %sub3A_340 : vector<16xf32>
      %add3A_342 = arith.addf %add3A_339, %exp3A_341 : vector<16xf32>
      %sub3A_343 = arith.subf %gather3A_317, %max3A_323 : vector<16xf32>
      %exp3A_344 = math.exp %sub3A_343 : vector<16xf32>
      %add3A_345 = arith.addf %add3A_342, %exp3A_344 : vector<16xf32>
      %bitcast3A = vector.bitcast %add3A_345 : vector<16xf32> to vector<16xi32>
      %shift_right_arithmetic3A_346 = arith.constant 23 : i32
      %shift_right_arithmetic3A_347 = vector.broadcast %shift_right_arithmetic3A_346 : i32 to vector<16xi32>
      %shift_right_arithmetic3A_348 = arith.shrsi %bitcast3A, %shift_right_arithmetic3A_347 : vector<16xi32>
      %sub3A_349 = arith.constant 127 : i32
      %sub3A_350 = vector.broadcast %sub3A_349 : i32 to vector<16xi32>
      %sub3A_351 = arith.subi %shift_right_arithmetic3A_348, %sub3A_350 : vector<16xi32>
      %and3A_352 = arith.constant 8388607 : i32
      %and3A_353 = vector.broadcast %and3A_352 : i32 to vector<16xi32>
      %and3A_354 = arith.andi %bitcast3A, %and3A_353 : vector<16xi32>
      %or3A = arith.constant 1065353216 : i32
      %or3A_355 = vector.broadcast %or3A : i32 to vector<16xi32>
      %or3A_356 = arith.ori %and3A_354, %or3A_355 : vector<16xi32>
      %bitcast3A_357 = vector.bitcast %or3A_356 : vector<16xi32> to vector<16xf32>
      %sub3A_358 = arith.constant 1.000000e+00 : f32
      %sub3A_359 = vector.broadcast %sub3A_358 : f32 to vector<16xf32>
      %sub3A_360 = arith.subf %bitcast3A_357, %sub3A_359 : vector<16xf32>
      %add3A_361 = arith.constant 1.000000e+00 : f32
      %add3A_362 = vector.broadcast %add3A_361 : f32 to vector<16xf32>
      %add3A_363 = arith.addf %bitcast3A_357, %add3A_362 : vector<16xf32>
      %div3A = arith.divf %sub3A_360, %add3A_363 : vector<16xf32>
      %mul3A_364 = arith.mulf %div3A, %div3A : vector<16xf32>
      %mul3A_365 = arith.constant 0.0909090936 : f32
      %mul3A_366 = vector.broadcast %mul3A_365 : f32 to vector<16xf32>
      %mul3A_367 = arith.mulf %mul3A_366, %mul3A_364 : vector<16xf32>
      %add3A_368 = arith.constant 0.111111112 : f32
      %add3A_369 = vector.broadcast %add3A_368 : f32 to vector<16xf32>
      %add3A_370 = arith.addf %mul3A_367, %add3A_369 : vector<16xf32>
      %mul3A_371 = arith.mulf %add3A_370, %mul3A_364 : vector<16xf32>
      %add3A_372 = arith.constant 0.142857149 : f32
      %add3A_373 = vector.broadcast %add3A_372 : f32 to vector<16xf32>
      %add3A_374 = arith.addf %mul3A_371, %add3A_373 : vector<16xf32>
      %mul3A_375 = arith.mulf %add3A_374, %mul3A_364 : vector<16xf32>
      %add3A_376 = arith.constant 2.000000e-01 : f32
      %add3A_377 = vector.broadcast %add3A_376 : f32 to vector<16xf32>
      %add3A_378 = arith.addf %mul3A_375, %add3A_377 : vector<16xf32>
      %mul3A_379 = arith.mulf %add3A_378, %mul3A_364 : vector<16xf32>
      %add3A_380 = arith.constant 0.333333343 : f32
      %add3A_381 = vector.broadcast %add3A_380 : f32 to vector<16xf32>
      %add3A_382 = arith.addf %mul3A_379, %add3A_381 : vector<16xf32>
      %mul3A_383 = arith.mulf %add3A_382, %mul3A_364 : vector<16xf32>
      %add3A_384 = arith.constant 1.000000e+00 : f32
      %add3A_385 = vector.broadcast %add3A_384 : f32 to vector<16xf32>
      %add3A_386 = arith.addf %mul3A_383, %add3A_385 : vector<16xf32>
      %convert_element_type3A = arith.sitofp %sub3A_351 : vector<16xi32> to vector<16xf32>
      %mul3A_387 = arith.constant 0.693147182 : f32
      %mul3A_388 = vector.broadcast %mul3A_387 : f32 to vector<16xf32>
      %mul3A_389 = arith.mulf %convert_element_type3A, %mul3A_388 : vector<16xf32>
      %mul3A_390 = arith.constant 2.000000e+00 : f32
      %mul3A_391 = vector.broadcast %mul3A_390 : f32 to vector<16xf32>
      %mul3A_392 = arith.mulf %mul3A_391, %div3A : vector<16xf32>
      %mul3A_393 = arith.mulf %mul3A_392, %add3A_386 : vector<16xf32>
      %add3A_394 = arith.addf %mul3A_389, %mul3A_393 : vector<16xf32>
      %add3A_395 = arith.addf %max3A_323, %add3A_394 : vector<16xf32>
      %add3A_396 = arith.addi %select_n3A_285, %and3A_274 : vector<16xi32>
      %gather3A_397 = tpu.vector_load_idx %arg7[%add3A_396, %add3A_254] : memref<409x128xf32, #tpu.memory_space<vmem>>[vector<16xi32>, vector<16xi32>], vector<16xf32>,
      %jit3A_398 = arith.constant 0 : i32
      %broadcast_in_dim3A_399 = vector.broadcast %jit3A_398 : i32 to vector<16xi32>
      %select_n3A_400 = arith.select %and3A_268, %gather3A, %broadcast_in_dim3A_399 : vector<16xi1>, vector<16xi32>
      %gather3A_401 = tpu.vector_load_idx %arg9[%select_n3A_400] : memref<4681xf32, #tpu.memory_space<vmem>>[vector<16xi32>], vector<16xf32>,
      %sub3A_402 = arith.subf %gather3A_397, %add3A_395 : vector<16xf32>
      %mul3A_403 = arith.mulf %gather3A_401, %sub3A_402 : vector<16xf32>
      %jit3A_404 = arith.constant 0.000000e+00 : f32
      %broadcast_in_dim3A_405 = vector.broadcast %jit3A_404 : f32 to vector<16xf32>
      %select_n3A_406 = arith.select %and3A_268, %mul3A_403, %broadcast_in_dim3A_405 : vector<16xi1>, vector<16xf32>
      %add3A_407 = arith.addf %broadcast_in_dim3A_256, %select_n3A_406 : vector<16xf32>
      %gt3A_408 = arith.constant 0 : i32
      %gt3A_409 = vector.broadcast %gt3A_408 : i32 to vector<16xi32>
      %gt3A_410 = arith.cmpi sgt, %select_n3A, %gt3A_409 : vector<16xi32>
      %sub3A_411 = arith.constant 1 : i32
      %sub3A_412 = vector.broadcast %sub3A_411 : i32 to vector<16xi32>
      %sub3A_413 = arith.subi %select_n3A, %sub3A_412 : vector<16xi32>
      %shift_right_arithmetic3A_414 = arith.constant 3 : i32
      %shift_right_arithmetic3A_415 = vector.broadcast %shift_right_arithmetic3A_414 : i32 to vector<16xi32>
      %shift_right_arithmetic3A_416 = arith.shrsi %sub3A_413, %shift_right_arithmetic3A_415 : vector<16xi32>
      %jit3A_417 = arith.constant 0 : i32
      %broadcast_in_dim3A_418 = vector.broadcast %jit3A_417 : i32 to vector<16xi32>
      %select_n3A_419 = arith.select %gt3A_410, %shift_right_arithmetic3A_416, %broadcast_in_dim3A_418 : vector<16xi1>, vector<16xi32>
      %ge3A_420 = vector.broadcast %mul3A_164 : i32 to vector<16xi32>
      %ge3A_421 = arith.cmpi sge, %select_n3A_419, %ge3A_420 : vector<16xi32>
      %and3A_422 = arith.andi %gt3A_410, %ge3A_421 : vector<16xi1>
      %lt3A_423 = vector.broadcast %min3A_168 : i32 to vector<16xi32>
      %lt3A_424 = arith.cmpi slt, %select_n3A_419, %lt3A_423 : vector<16xi32>
      %and3A_425 = arith.andi %and3A_422, %lt3A_424 : vector<16xi1>
      %sub3A_426 = arith.constant 1 : i32
      %sub3A_427 = vector.broadcast %sub3A_426 : i32 to vector<16xi32>
      %sub3A_428 = arith.subi %select_n3A, %sub3A_427 : vector<16xi32>
      %and3A_429 = arith.constant 7 : i32
      %and3A_430 = vector.broadcast %and3A_429 : i32 to vector<16xi32>
      %and3A_431 = arith.andi %sub3A_428, %and3A_430 : vector<16xi32>
      %mul3A_432 = arith.constant 8 : i32
      %mul3A_433 = vector.broadcast %mul3A_432 : i32 to vector<16xi32>
      %mul3A_434 = arith.muli %mul3A_433, %select_n3A_419 : vector<16xi32>
      %add3A_435 = arith.constant 1 : i32
      %add3A_436 = vector.broadcast %add3A_435 : i32 to vector<16xi32>
      %add3A_437 = arith.addi %mul3A_434, %add3A_436 : vector<16xi32>
      %sub3A_438 = vector.broadcast %min3A_117 : i32 to vector<16xi32>
      %sub3A_439 = arith.subi %add3A_437, %sub3A_438 : vector<16xi32>
      %jit3A_440 = arith.constant 0 : i32
      %broadcast_in_dim3A_441 = vector.broadcast %jit3A_440 : i32 to vector<16xi32>
      %select_n3A_442 = arith.select %and3A_425, %sub3A_439, %broadcast_in_dim3A_441 : vector<16xi1>, vector<16xi32>
      %add3A_443 = arith.constant 0 : i32
      %add3A_444 = vector.broadcast %add3A_443 : i32 to vector<16xi32>
      %add3A_445 = arith.addi %select_n3A_442, %add3A_444 : vector<16xi32>
      %gather3A_446 = tpu.vector_load_idx %arg7[%add3A_445, %add3A_254] : memref<409x128xf32, #tpu.memory_space<vmem>>[vector<16xi32>, vector<16xi32>], vector<16xf32>,
      %add3A_447 = arith.constant 1 : i32
      %add3A_448 = vector.broadcast %add3A_447 : i32 to vector<16xi32>
      %add3A_449 = arith.addi %select_n3A_442, %add3A_448 : vector<16xi32>
      %gather3A_450 = tpu.vector_load_idx %arg7[%add3A_449, %add3A_254] : memref<409x128xf32, #tpu.memory_space<vmem>>[vector<16xi32>, vector<16xi32>], vector<16xf32>,
      %add3A_451 = arith.constant 2 : i32
      %add3A_452 = vector.broadcast %add3A_451 : i32 to vector<16xi32>
      %add3A_453 = arith.addi %select_n3A_442, %add3A_452 : vector<16xi32>
      %gather3A_454 = tpu.vector_load_idx %arg7[%add3A_453, %add3A_254] : memref<409x128xf32, #tpu.memory_space<vmem>>[vector<16xi32>, vector<16xi32>], vector<16xf32>,
      %add3A_455 = arith.constant 3 : i32
      %add3A_456 = vector.broadcast %add3A_455 : i32 to vector<16xi32>
      %add3A_457 = arith.addi %select_n3A_442, %add3A_456 : vector<16xi32>
      %gather3A_458 = tpu.vector_load_idx %arg7[%add3A_457, %add3A_254] : memref<409x128xf32, #tpu.memory_space<vmem>>[vector<16xi32>, vector<16xi32>], vector<16xf32>,
      %add3A_459 = arith.constant 4 : i32
      %add3A_460 = vector.broadcast %add3A_459 : i32 to vector<16xi32>
      %add3A_461 = arith.addi %select_n3A_442, %add3A_460 : vector<16xi32>
      %gather3A_462 = tpu.vector_load_idx %arg7[%add3A_461, %add3A_254] : memref<409x128xf32, #tpu.memory_space<vmem>>[vector<16xi32>, vector<16xi32>], vector<16xf32>,
      %add3A_463 = arith.constant 5 : i32
      %add3A_464 = vector.broadcast %add3A_463 : i32 to vector<16xi32>
      %add3A_465 = arith.addi %select_n3A_442, %add3A_464 : vector<16xi32>
      %gather3A_466 = tpu.vector_load_idx %arg7[%add3A_465, %add3A_254] : memref<409x128xf32, #tpu.memory_space<vmem>>[vector<16xi32>, vector<16xi32>], vector<16xf32>,
      %add3A_467 = arith.constant 6 : i32
      %add3A_468 = vector.broadcast %add3A_467 : i32 to vector<16xi32>
      %add3A_469 = arith.addi %select_n3A_442, %add3A_468 : vector<16xi32>
      %gather3A_470 = tpu.vector_load_idx %arg7[%add3A_469, %add3A_254] : memref<409x128xf32, #tpu.memory_space<vmem>>[vector<16xi32>, vector<16xi32>], vector<16xf32>,
      %add3A_471 = arith.constant 7 : i32
      %add3A_472 = vector.broadcast %add3A_471 : i32 to vector<16xi32>
      %add3A_473 = arith.addi %select_n3A_442, %add3A_472 : vector<16xi32>
      %gather3A_474 = tpu.vector_load_idx %arg7[%add3A_473, %add3A_254] : memref<409x128xf32, #tpu.memory_space<vmem>>[vector<16xi32>, vector<16xi32>], vector<16xf32>,
      %max3A_475 = arith.maximumf %gather3A_446, %gather3A_450 : vector<16xf32>
      %max3A_476 = arith.maximumf %max3A_475, %gather3A_454 : vector<16xf32>
      %max3A_477 = arith.maximumf %max3A_476, %gather3A_458 : vector<16xf32>
      %max3A_478 = arith.maximumf %max3A_477, %gather3A_462 : vector<16xf32>
      %max3A_479 = arith.maximumf %max3A_478, %gather3A_466 : vector<16xf32>
      %max3A_480 = arith.maximumf %max3A_479, %gather3A_470 : vector<16xf32>
      %max3A_481 = arith.maximumf %max3A_480, %gather3A_474 : vector<16xf32>
      %sub3A_482 = arith.subf %gather3A_446, %max3A_481 : vector<16xf32>
      %exp3A_483 = math.exp %sub3A_482 : vector<16xf32>
      %sub3A_484 = arith.subf %gather3A_450, %max3A_481 : vector<16xf32>
      %exp3A_485 = math.exp %sub3A_484 : vector<16xf32>
      %add3A_486 = arith.addf %exp3A_483, %exp3A_485 : vector<16xf32>
      %sub3A_487 = arith.subf %gather3A_454, %max3A_481 : vector<16xf32>
      %exp3A_488 = math.exp %sub3A_487 : vector<16xf32>
      %add3A_489 = arith.addf %add3A_486, %exp3A_488 : vector<16xf32>
      %sub3A_490 = arith.subf %gather3A_458, %max3A_481 : vector<16xf32>
      %exp3A_491 = math.exp %sub3A_490 : vector<16xf32>
      %add3A_492 = arith.addf %add3A_489, %exp3A_491 : vector<16xf32>
      %sub3A_493 = arith.subf %gather3A_462, %max3A_481 : vector<16xf32>
      %exp3A_494 = math.exp %sub3A_493 : vector<16xf32>
      %add3A_495 = arith.addf %add3A_492, %exp3A_494 : vector<16xf32>
      %sub3A_496 = arith.subf %gather3A_466, %max3A_481 : vector<16xf32>
      %exp3A_497 = math.exp %sub3A_496 : vector<16xf32>
      %add3A_498 = arith.addf %add3A_495, %exp3A_497 : vector<16xf32>
      %sub3A_499 = arith.subf %gather3A_470, %max3A_481 : vector<16xf32>
      %exp3A_500 = math.exp %sub3A_499 : vector<16xf32>
      %add3A_501 = arith.addf %add3A_498, %exp3A_500 : vector<16xf32>
      %sub3A_502 = arith.subf %gather3A_474, %max3A_481 : vector<16xf32>
      %exp3A_503 = math.exp %sub3A_502 : vector<16xf32>
      %add3A_504 = arith.addf %add3A_501, %exp3A_503 : vector<16xf32>
      %bitcast3A_505 = vector.bitcast %add3A_504 : vector<16xf32> to vector<16xi32>
      %shift_right_arithmetic3A_506 = arith.constant 23 : i32
      %shift_right_arithmetic3A_507 = vector.broadcast %shift_right_arithmetic3A_506 : i32 to vector<16xi32>
      %shift_right_arithmetic3A_508 = arith.shrsi %bitcast3A_505, %shift_right_arithmetic3A_507 : vector<16xi32>
      %sub3A_509 = arith.constant 127 : i32
      %sub3A_510 = vector.broadcast %sub3A_509 : i32 to vector<16xi32>
      %sub3A_511 = arith.subi %shift_right_arithmetic3A_508, %sub3A_510 : vector<16xi32>
      %and3A_512 = arith.constant 8388607 : i32
      %and3A_513 = vector.broadcast %and3A_512 : i32 to vector<16xi32>
      %and3A_514 = arith.andi %bitcast3A_505, %and3A_513 : vector<16xi32>
      %or3A_515 = arith.constant 1065353216 : i32
      %or3A_516 = vector.broadcast %or3A_515 : i32 to vector<16xi32>
      %or3A_517 = arith.ori %and3A_514, %or3A_516 : vector<16xi32>
      %bitcast3A_518 = vector.bitcast %or3A_517 : vector<16xi32> to vector<16xf32>
      %sub3A_519 = arith.constant 1.000000e+00 : f32
      %sub3A_520 = vector.broadcast %sub3A_519 : f32 to vector<16xf32>
      %sub3A_521 = arith.subf %bitcast3A_518, %sub3A_520 : vector<16xf32>
      %add3A_522 = arith.constant 1.000000e+00 : f32
      %add3A_523 = vector.broadcast %add3A_522 : f32 to vector<16xf32>
      %add3A_524 = arith.addf %bitcast3A_518, %add3A_523 : vector<16xf32>
      %div3A_525 = arith.divf %sub3A_521, %add3A_524 : vector<16xf32>
      %mul3A_526 = arith.mulf %div3A_525, %div3A_525 : vector<16xf32>
      %mul3A_527 = arith.constant 0.0909090936 : f32
      %mul3A_528 = vector.broadcast %mul3A_527 : f32 to vector<16xf32>
      %mul3A_529 = arith.mulf %mul3A_528, %mul3A_526 : vector<16xf32>
      %add3A_530 = arith.constant 0.111111112 : f32
      %add3A_531 = vector.broadcast %add3A_530 : f32 to vector<16xf32>
      %add3A_532 = arith.addf %mul3A_529, %add3A_531 : vector<16xf32>
      %mul3A_533 = arith.mulf %add3A_532, %mul3A_526 : vector<16xf32>
      %add3A_534 = arith.constant 0.142857149 : f32
      %add3A_535 = vector.broadcast %add3A_534 : f32 to vector<16xf32>
      %add3A_536 = arith.addf %mul3A_533, %add3A_535 : vector<16xf32>
      %mul3A_537 = arith.mulf %add3A_536, %mul3A_526 : vector<16xf32>
      %add3A_538 = arith.constant 2.000000e-01 : f32
      %add3A_539 = vector.broadcast %add3A_538 : f32 to vector<16xf32>
      %add3A_540 = arith.addf %mul3A_537, %add3A_539 : vector<16xf32>
      %mul3A_541 = arith.mulf %add3A_540, %mul3A_526 : vector<16xf32>
      %add3A_542 = arith.constant 0.333333343 : f32
      %add3A_543 = vector.broadcast %add3A_542 : f32 to vector<16xf32>
      %add3A_544 = arith.addf %mul3A_541, %add3A_543 : vector<16xf32>
      %mul3A_545 = arith.mulf %add3A_544, %mul3A_526 : vector<16xf32>
      %add3A_546 = arith.constant 1.000000e+00 : f32
      %add3A_547 = vector.broadcast %add3A_546 : f32 to vector<16xf32>
      %add3A_548 = arith.addf %mul3A_545, %add3A_547 : vector<16xf32>
      %convert_element_type3A_549 = arith.sitofp %sub3A_511 : vector<16xi32> to vector<16xf32>
      %mul3A_550 = arith.constant 0.693147182 : f32
      %mul3A_551 = vector.broadcast %mul3A_550 : f32 to vector<16xf32>
      %mul3A_552 = arith.mulf %convert_element_type3A_549, %mul3A_551 : vector<16xf32>
      %mul3A_553 = arith.constant 2.000000e+00 : f32
      %mul3A_554 = vector.broadcast %mul3A_553 : f32 to vector<16xf32>
      %mul3A_555 = arith.mulf %mul3A_554, %div3A_525 : vector<16xf32>
      %mul3A_556 = arith.mulf %mul3A_555, %add3A_548 : vector<16xf32>
      %add3A_557 = arith.addf %mul3A_552, %mul3A_556 : vector<16xf32>
      %add3A_558 = arith.addf %max3A_481, %add3A_557 : vector<16xf32>
      %add3A_559 = arith.addi %select_n3A_442, %and3A_431 : vector<16xi32>
      %gather3A_560 = tpu.vector_load_idx %arg7[%add3A_559, %add3A_254] : memref<409x128xf32, #tpu.memory_space<vmem>>[vector<16xi32>, vector<16xi32>], vector<16xf32>,
      %jit3A_561 = arith.constant 0 : i32
      %broadcast_in_dim3A_562 = vector.broadcast %jit3A_561 : i32 to vector<16xi32>
      %select_n3A_563 = arith.select %and3A_425, %select_n3A, %broadcast_in_dim3A_562 : vector<16xi1>, vector<16xi32>
      %gather3A_564 = tpu.vector_load_idx %arg9[%select_n3A_563] : memref<4681xf32, #tpu.memory_space<vmem>>[vector<16xi32>], vector<16xf32>,
      %sub3A_565 = arith.subf %gather3A_560, %add3A_558 : vector<16xf32>
      %mul3A_566 = arith.mulf %gather3A_564, %sub3A_565 : vector<16xf32>
      %jit3A_567 = arith.constant 0.000000e+00 : f32
      %broadcast_in_dim3A_568 = vector.broadcast %jit3A_567 : f32 to vector<16xf32>
      %select_n3A_569 = arith.select %and3A_425, %mul3A_566, %broadcast_in_dim3A_568 : vector<16xi1>, vector<16xf32>
      %add3A_570 = arith.addf %add3A_407, %select_n3A_569 : vector<16xf32>
      %gt3A_571 = arith.constant 0 : i32
      %gt3A_572 = vector.broadcast %gt3A_571 : i32 to vector<16xi32>
      %gt3A_573 = arith.cmpi sgt, %select_n3A_419, %gt3A_572 : vector<16xi32>
      %sub3A_574 = arith.constant 1 : i32
      %sub3A_575 = vector.broadcast %sub3A_574 : i32 to vector<16xi32>
      %sub3A_576 = arith.subi %select_n3A_419, %sub3A_575 : vector<16xi32>
      %shift_right_arithmetic3A_577 = arith.constant 3 : i32
      %shift_right_arithmetic3A_578 = vector.broadcast %shift_right_arithmetic3A_577 : i32 to vector<16xi32>
      %shift_right_arithmetic3A_579 = arith.shrsi %sub3A_576, %shift_right_arithmetic3A_578 : vector<16xi32>
      %jit3A_580 = arith.constant 0 : i32
      %broadcast_in_dim3A_581 = vector.broadcast %jit3A_580 : i32 to vector<16xi32>
      %select_n3A_582 = arith.select %gt3A_573, %shift_right_arithmetic3A_579, %broadcast_in_dim3A_581 : vector<16xi1>, vector<16xi32>
      %ge3A_583 = vector.broadcast %mul3A_164 : i32 to vector<16xi32>
      %ge3A_584 = arith.cmpi sge, %select_n3A_582, %ge3A_583 : vector<16xi32>
      %and3A_585 = arith.andi %gt3A_573, %ge3A_584 : vector<16xi1>
      %lt3A_586 = vector.broadcast %min3A_168 : i32 to vector<16xi32>
      %lt3A_587 = arith.cmpi slt, %select_n3A_582, %lt3A_586 : vector<16xi32>
      %and3A_588 = arith.andi %and3A_585, %lt3A_587 : vector<16xi1>
      %sub3A_589 = arith.constant 1 : i32
      %sub3A_590 = vector.broadcast %sub3A_589 : i32 to vector<16xi32>
      %sub3A_591 = arith.subi %select_n3A_419, %sub3A_590 : vector<16xi32>
      %and3A_592 = arith.constant 7 : i32
      %and3A_593 = vector.broadcast %and3A_592 : i32 to vector<16xi32>
      %and3A_594 = arith.andi %sub3A_591, %and3A_593 : vector<16xi32>
      %mul3A_595 = arith.constant 8 : i32
      %mul3A_596 = vector.broadcast %mul3A_595 : i32 to vector<16xi32>
      %mul3A_597 = arith.muli %mul3A_596, %select_n3A_582 : vector<16xi32>
      %add3A_598 = arith.constant 1 : i32
      %add3A_599 = vector.broadcast %add3A_598 : i32 to vector<16xi32>
      %add3A_600 = arith.addi %mul3A_597, %add3A_599 : vector<16xi32>
      %sub3A_601 = vector.broadcast %min3A_117 : i32 to vector<16xi32>
      %sub3A_602 = arith.subi %add3A_600, %sub3A_601 : vector<16xi32>
      %jit3A_603 = arith.constant 0 : i32
      %broadcast_in_dim3A_604 = vector.broadcast %jit3A_603 : i32 to vector<16xi32>
      %select_n3A_605 = arith.select %and3A_588, %sub3A_602, %broadcast_in_dim3A_604 : vector<16xi1>, vector<16xi32>
      %add3A_606 = arith.constant 0 : i32
      %add3A_607 = vector.broadcast %add3A_606 : i32 to vector<16xi32>
      %add3A_608 = arith.addi %select_n3A_605, %add3A_607 : vector<16xi32>
      %gather3A_609 = tpu.vector_load_idx %arg7[%add3A_608, %add3A_254] : memref<409x128xf32, #tpu.memory_space<vmem>>[vector<16xi32>, vector<16xi32>], vector<16xf32>,
      %add3A_610 = arith.constant 1 : i32
      %add3A_611 = vector.broadcast %add3A_610 : i32 to vector<16xi32>
      %add3A_612 = arith.addi %select_n3A_605, %add3A_611 : vector<16xi32>
      %gather3A_613 = tpu.vector_load_idx %arg7[%add3A_612, %add3A_254] : memref<409x128xf32, #tpu.memory_space<vmem>>[vector<16xi32>, vector<16xi32>], vector<16xf32>,
      %add3A_614 = arith.constant 2 : i32
      %add3A_615 = vector.broadcast %add3A_614 : i32 to vector<16xi32>
      %add3A_616 = arith.addi %select_n3A_605, %add3A_615 : vector<16xi32>
      %gather3A_617 = tpu.vector_load_idx %arg7[%add3A_616, %add3A_254] : memref<409x128xf32, #tpu.memory_space<vmem>>[vector<16xi32>, vector<16xi32>], vector<16xf32>,
      %add3A_618 = arith.constant 3 : i32
      %add3A_619 = vector.broadcast %add3A_618 : i32 to vector<16xi32>
      %add3A_620 = arith.addi %select_n3A_605, %add3A_619 : vector<16xi32>
      %gather3A_621 = tpu.vector_load_idx %arg7[%add3A_620, %add3A_254] : memref<409x128xf32, #tpu.memory_space<vmem>>[vector<16xi32>, vector<16xi32>], vector<16xf32>,
      %add3A_622 = arith.constant 4 : i32
      %add3A_623 = vector.broadcast %add3A_622 : i32 to vector<16xi32>
      %add3A_624 = arith.addi %select_n3A_605, %add3A_623 : vector<16xi32>
      %gather3A_625 = tpu.vector_load_idx %arg7[%add3A_624, %add3A_254] : memref<409x128xf32, #tpu.memory_space<vmem>>[vector<16xi32>, vector<16xi32>], vector<16xf32>,
      %add3A_626 = arith.constant 5 : i32
      %add3A_627 = vector.broadcast %add3A_626 : i32 to vector<16xi32>
      %add3A_628 = arith.addi %select_n3A_605, %add3A_627 : vector<16xi32>
      %gather3A_629 = tpu.vector_load_idx %arg7[%add3A_628, %add3A_254] : memref<409x128xf32, #tpu.memory_space<vmem>>[vector<16xi32>, vector<16xi32>], vector<16xf32>,
      %add3A_630 = arith.constant 6 : i32
      %add3A_631 = vector.broadcast %add3A_630 : i32 to vector<16xi32>
      %add3A_632 = arith.addi %select_n3A_605, %add3A_631 : vector<16xi32>
      %gather3A_633 = tpu.vector_load_idx %arg7[%add3A_632, %add3A_254] : memref<409x128xf32, #tpu.memory_space<vmem>>[vector<16xi32>, vector<16xi32>], vector<16xf32>,
      %add3A_634 = arith.constant 7 : i32
      %add3A_635 = vector.broadcast %add3A_634 : i32 to vector<16xi32>
      %add3A_636 = arith.addi %select_n3A_605, %add3A_635 : vector<16xi32>
      %gather3A_637 = tpu.vector_load_idx %arg7[%add3A_636, %add3A_254] : memref<409x128xf32, #tpu.memory_space<vmem>>[vector<16xi32>, vector<16xi32>], vector<16xf32>,
      %max3A_638 = arith.maximumf %gather3A_609, %gather3A_613 : vector<16xf32>
      %max3A_639 = arith.maximumf %max3A_638, %gather3A_617 : vector<16xf32>
      %max3A_640 = arith.maximumf %max3A_639, %gather3A_621 : vector<16xf32>
      %max3A_641 = arith.maximumf %max3A_640, %gather3A_625 : vector<16xf32>
      %max3A_642 = arith.maximumf %max3A_641, %gather3A_629 : vector<16xf32>
      %max3A_643 = arith.maximumf %max3A_642, %gather3A_633 : vector<16xf32>
      %max3A_644 = arith.maximumf %max3A_643, %gather3A_637 : vector<16xf32>
      %sub3A_645 = arith.subf %gather3A_609, %max3A_644 : vector<16xf32>
      %exp3A_646 = math.exp %sub3A_645 : vector<16xf32>
      %sub3A_647 = arith.subf %gather3A_613, %max3A_644 : vector<16xf32>
      %exp3A_648 = math.exp %sub3A_647 : vector<16xf32>
      %add3A_649 = arith.addf %exp3A_646, %exp3A_648 : vector<16xf32>
      %sub3A_650 = arith.subf %gather3A_617, %max3A_644 : vector<16xf32>
      %exp3A_651 = math.exp %sub3A_650 : vector<16xf32>
      %add3A_652 = arith.addf %add3A_649, %exp3A_651 : vector<16xf32>
      %sub3A_653 = arith.subf %gather3A_621, %max3A_644 : vector<16xf32>
      %exp3A_654 = math.exp %sub3A_653 : vector<16xf32>
      %add3A_655 = arith.addf %add3A_652, %exp3A_654 : vector<16xf32>
      %sub3A_656 = arith.subf %gather3A_625, %max3A_644 : vector<16xf32>
      %exp3A_657 = math.exp %sub3A_656 : vector<16xf32>
      %add3A_658 = arith.addf %add3A_655, %exp3A_657 : vector<16xf32>
      %sub3A_659 = arith.subf %gather3A_629, %max3A_644 : vector<16xf32>
      %exp3A_660 = math.exp %sub3A_659 : vector<16xf32>
      %add3A_661 = arith.addf %add3A_658, %exp3A_660 : vector<16xf32>
      %sub3A_662 = arith.subf %gather3A_633, %max3A_644 : vector<16xf32>
      %exp3A_663 = math.exp %sub3A_662 : vector<16xf32>
      %add3A_664 = arith.addf %add3A_661, %exp3A_663 : vector<16xf32>
      %sub3A_665 = arith.subf %gather3A_637, %max3A_644 : vector<16xf32>
      %exp3A_666 = math.exp %sub3A_665 : vector<16xf32>
      %add3A_667 = arith.addf %add3A_664, %exp3A_666 : vector<16xf32>
      %bitcast3A_668 = vector.bitcast %add3A_667 : vector<16xf32> to vector<16xi32>
      %shift_right_arithmetic3A_669 = arith.constant 23 : i32
      %shift_right_arithmetic3A_670 = vector.broadcast %shift_right_arithmetic3A_669 : i32 to vector<16xi32>
      %shift_right_arithmetic3A_671 = arith.shrsi %bitcast3A_668, %shift_right_arithmetic3A_670 : vector<16xi32>
      %sub3A_672 = arith.constant 127 : i32
      %sub3A_673 = vector.broadcast %sub3A_672 : i32 to vector<16xi32>
      %sub3A_674 = arith.subi %shift_right_arithmetic3A_671, %sub3A_673 : vector<16xi32>
      %and3A_675 = arith.constant 8388607 : i32
      %and3A_676 = vector.broadcast %and3A_675 : i32 to vector<16xi32>
      %and3A_677 = arith.andi %bitcast3A_668, %and3A_676 : vector<16xi32>
      %or3A_678 = arith.constant 1065353216 : i32
      %or3A_679 = vector.broadcast %or3A_678 : i32 to vector<16xi32>
      %or3A_680 = arith.ori %and3A_677, %or3A_679 : vector<16xi32>
      %bitcast3A_681 = vector.bitcast %or3A_680 : vector<16xi32> to vector<16xf32>
      %sub3A_682 = arith.constant 1.000000e+00 : f32
      %sub3A_683 = vector.broadcast %sub3A_682 : f32 to vector<16xf32>
      %sub3A_684 = arith.subf %bitcast3A_681, %sub3A_683 : vector<16xf32>
      %add3A_685 = arith.constant 1.000000e+00 : f32
      %add3A_686 = vector.broadcast %add3A_685 : f32 to vector<16xf32>
      %add3A_687 = arith.addf %bitcast3A_681, %add3A_686 : vector<16xf32>
      %div3A_688 = arith.divf %sub3A_684, %add3A_687 : vector<16xf32>
      %mul3A_689 = arith.mulf %div3A_688, %div3A_688 : vector<16xf32>
      %mul3A_690 = arith.constant 0.0909090936 : f32
      %mul3A_691 = vector.broadcast %mul3A_690 : f32 to vector<16xf32>
      %mul3A_692 = arith.mulf %mul3A_691, %mul3A_689 : vector<16xf32>
      %add3A_693 = arith.constant 0.111111112 : f32
      %add3A_694 = vector.broadcast %add3A_693 : f32 to vector<16xf32>
      %add3A_695 = arith.addf %mul3A_692, %add3A_694 : vector<16xf32>
      %mul3A_696 = arith.mulf %add3A_695, %mul3A_689 : vector<16xf32>
      %add3A_697 = arith.constant 0.142857149 : f32
      %add3A_698 = vector.broadcast %add3A_697 : f32 to vector<16xf32>
      %add3A_699 = arith.addf %mul3A_696, %add3A_698 : vector<16xf32>
      %mul3A_700 = arith.mulf %add3A_699, %mul3A_689 : vector<16xf32>
      %add3A_701 = arith.constant 2.000000e-01 : f32
      %add3A_702 = vector.broadcast %add3A_701 : f32 to vector<16xf32>
      %add3A_703 = arith.addf %mul3A_700, %add3A_702 : vector<16xf32>
      %mul3A_704 = arith.mulf %add3A_703, %mul3A_689 : vector<16xf32>
      %add3A_705 = arith.constant 0.333333343 : f32
      %add3A_706 = vector.broadcast %add3A_705 : f32 to vector<16xf32>
      %add3A_707 = arith.addf %mul3A_704, %add3A_706 : vector<16xf32>
      %mul3A_708 = arith.mulf %add3A_707, %mul3A_689 : vector<16xf32>
      %add3A_709 = arith.constant 1.000000e+00 : f32
      %add3A_710 = vector.broadcast %add3A_709 : f32 to vector<16xf32>
      %add3A_711 = arith.addf %mul3A_708, %add3A_710 : vector<16xf32>
      %convert_element_type3A_712 = arith.sitofp %sub3A_674 : vector<16xi32> to vector<16xf32>
      %mul3A_713 = arith.constant 0.693147182 : f32
      %mul3A_714 = vector.broadcast %mul3A_713 : f32 to vector<16xf32>
      %mul3A_715 = arith.mulf %convert_element_type3A_712, %mul3A_714 : vector<16xf32>
      %mul3A_716 = arith.constant 2.000000e+00 : f32
      %mul3A_717 = vector.broadcast %mul3A_716 : f32 to vector<16xf32>
      %mul3A_718 = arith.mulf %mul3A_717, %div3A_688 : vector<16xf32>
      %mul3A_719 = arith.mulf %mul3A_718, %add3A_711 : vector<16xf32>
      %add3A_720 = arith.addf %mul3A_715, %mul3A_719 : vector<16xf32>
      %add3A_721 = arith.addf %max3A_644, %add3A_720 : vector<16xf32>
      %add3A_722 = arith.addi %select_n3A_605, %and3A_594 : vector<16xi32>
      %gather3A_723 = tpu.vector_load_idx %arg7[%add3A_722, %add3A_254] : memref<409x128xf32, #tpu.memory_space<vmem>>[vector<16xi32>, vector<16xi32>], vector<16xf32>,
      %jit3A_724 = arith.constant 0 : i32
      %broadcast_in_dim3A_725 = vector.broadcast %jit3A_724 : i32 to vector<16xi32>
      %select_n3A_726 = arith.select %and3A_588, %select_n3A_419, %broadcast_in_dim3A_725 : vector<16xi1>, vector<16xi32>
      %gather3A_727 = tpu.vector_load_idx %arg9[%select_n3A_726] : memref<4681xf32, #tpu.memory_space<vmem>>[vector<16xi32>], vector<16xf32>,
      %sub3A_728 = arith.subf %gather3A_723, %add3A_721 : vector<16xf32>
      %mul3A_729 = arith.mulf %gather3A_727, %sub3A_728 : vector<16xf32>
      %jit3A_730 = arith.constant 0.000000e+00 : f32
      %broadcast_in_dim3A_731 = vector.broadcast %jit3A_730 : f32 to vector<16xf32>
      %select_n3A_732 = arith.select %and3A_588, %mul3A_729, %broadcast_in_dim3A_731 : vector<16xi1>, vector<16xf32>
      %add3A_733 = arith.addf %add3A_570, %select_n3A_732 : vector<16xf32>
      %gt3A_734 = arith.constant 0 : i32
      %gt3A_735 = vector.broadcast %gt3A_734 : i32 to vector<16xi32>
      %gt3A_736 = arith.cmpi sgt, %select_n3A_582, %gt3A_735 : vector<16xi32>
      %sub3A_737 = arith.constant 1 : i32
      %sub3A_738 = vector.broadcast %sub3A_737 : i32 to vector<16xi32>
      %sub3A_739 = arith.subi %select_n3A_582, %sub3A_738 : vector<16xi32>
      %shift_right_arithmetic3A_740 = arith.constant 3 : i32
      %shift_right_arithmetic3A_741 = vector.broadcast %shift_right_arithmetic3A_740 : i32 to vector<16xi32>
      %shift_right_arithmetic3A_742 = arith.shrsi %sub3A_739, %shift_right_arithmetic3A_741 : vector<16xi32>
      %jit3A_743 = arith.constant 0 : i32
      %broadcast_in_dim3A_744 = vector.broadcast %jit3A_743 : i32 to vector<16xi32>
      %select_n3A_745 = arith.select %gt3A_736, %shift_right_arithmetic3A_742, %broadcast_in_dim3A_744 : vector<16xi1>, vector<16xi32>
      %ge3A_746 = vector.broadcast %mul3A_164 : i32 to vector<16xi32>
      %ge3A_747 = arith.cmpi sge, %select_n3A_745, %ge3A_746 : vector<16xi32>
      %and3A_748 = arith.andi %gt3A_736, %ge3A_747 : vector<16xi1>
      %lt3A_749 = vector.broadcast %min3A_168 : i32 to vector<16xi32>
      %lt3A_750 = arith.cmpi slt, %select_n3A_745, %lt3A_749 : vector<16xi32>
      %and3A_751 = arith.andi %and3A_748, %lt3A_750 : vector<16xi1>
      %sub3A_752 = arith.constant 1 : i32
      %sub3A_753 = vector.broadcast %sub3A_752 : i32 to vector<16xi32>
      %sub3A_754 = arith.subi %select_n3A_582, %sub3A_753 : vector<16xi32>
      %and3A_755 = arith.constant 7 : i32
      %and3A_756 = vector.broadcast %and3A_755 : i32 to vector<16xi32>
      %and3A_757 = arith.andi %sub3A_754, %and3A_756 : vector<16xi32>
      %mul3A_758 = arith.constant 8 : i32
      %mul3A_759 = vector.broadcast %mul3A_758 : i32 to vector<16xi32>
      %mul3A_760 = arith.muli %mul3A_759, %select_n3A_745 : vector<16xi32>
      %add3A_761 = arith.constant 1 : i32
      %add3A_762 = vector.broadcast %add3A_761 : i32 to vector<16xi32>
      %add3A_763 = arith.addi %mul3A_760, %add3A_762 : vector<16xi32>
      %sub3A_764 = vector.broadcast %min3A_117 : i32 to vector<16xi32>
      %sub3A_765 = arith.subi %add3A_763, %sub3A_764 : vector<16xi32>
      %jit3A_766 = arith.constant 0 : i32
      %broadcast_in_dim3A_767 = vector.broadcast %jit3A_766 : i32 to vector<16xi32>
      %select_n3A_768 = arith.select %and3A_751, %sub3A_765, %broadcast_in_dim3A_767 : vector<16xi1>, vector<16xi32>
      %add3A_769 = arith.constant 0 : i32
      %add3A_770 = vector.broadcast %add3A_769 : i32 to vector<16xi32>
      %add3A_771 = arith.addi %select_n3A_768, %add3A_770 : vector<16xi32>
      %gather3A_772 = tpu.vector_load_idx %arg7[%add3A_771, %add3A_254] : memref<409x128xf32, #tpu.memory_space<vmem>>[vector<16xi32>, vector<16xi32>], vector<16xf32>,
      %add3A_773 = arith.constant 1 : i32
      %add3A_774 = vector.broadcast %add3A_773 : i32 to vector<16xi32>
      %add3A_775 = arith.addi %select_n3A_768, %add3A_774 : vector<16xi32>
      %gather3A_776 = tpu.vector_load_idx %arg7[%add3A_775, %add3A_254] : memref<409x128xf32, #tpu.memory_space<vmem>>[vector<16xi32>, vector<16xi32>], vector<16xf32>,
      %add3A_777 = arith.constant 2 : i32
      %add3A_778 = vector.broadcast %add3A_777 : i32 to vector<16xi32>
      %add3A_779 = arith.addi %select_n3A_768, %add3A_778 : vector<16xi32>
      %gather3A_780 = tpu.vector_load_idx %arg7[%add3A_779, %add3A_254] : memref<409x128xf32, #tpu.memory_space<vmem>>[vector<16xi32>, vector<16xi32>], vector<16xf32>,
      %add3A_781 = arith.constant 3 : i32
      %add3A_782 = vector.broadcast %add3A_781 : i32 to vector<16xi32>
      %add3A_783 = arith.addi %select_n3A_768, %add3A_782 : vector<16xi32>
      %gather3A_784 = tpu.vector_load_idx %arg7[%add3A_783, %add3A_254] : memref<409x128xf32, #tpu.memory_space<vmem>>[vector<16xi32>, vector<16xi32>], vector<16xf32>,
      %add3A_785 = arith.constant 4 : i32
      %add3A_786 = vector.broadcast %add3A_785 : i32 to vector<16xi32>
      %add3A_787 = arith.addi %select_n3A_768, %add3A_786 : vector<16xi32>
      %gather3A_788 = tpu.vector_load_idx %arg7[%add3A_787, %add3A_254] : memref<409x128xf32, #tpu.memory_space<vmem>>[vector<16xi32>, vector<16xi32>], vector<16xf32>,
      %add3A_789 = arith.constant 5 : i32
      %add3A_790 = vector.broadcast %add3A_789 : i32 to vector<16xi32>
      %add3A_791 = arith.addi %select_n3A_768, %add3A_790 : vector<16xi32>
      %gather3A_792 = tpu.vector_load_idx %arg7[%add3A_791, %add3A_254] : memref<409x128xf32, #tpu.memory_space<vmem>>[vector<16xi32>, vector<16xi32>], vector<16xf32>,
      %add3A_793 = arith.constant 6 : i32
      %add3A_794 = vector.broadcast %add3A_793 : i32 to vector<16xi32>
      %add3A_795 = arith.addi %select_n3A_768, %add3A_794 : vector<16xi32>
      %gather3A_796 = tpu.vector_load_idx %arg7[%add3A_795, %add3A_254] : memref<409x128xf32, #tpu.memory_space<vmem>>[vector<16xi32>, vector<16xi32>], vector<16xf32>,
      %add3A_797 = arith.constant 7 : i32
      %add3A_798 = vector.broadcast %add3A_797 : i32 to vector<16xi32>
      %add3A_799 = arith.addi %select_n3A_768, %add3A_798 : vector<16xi32>
      %gather3A_800 = tpu.vector_load_idx %arg7[%add3A_799, %add3A_254] : memref<409x128xf32, #tpu.memory_space<vmem>>[vector<16xi32>, vector<16xi32>], vector<16xf32>,
      %max3A_801 = arith.maximumf %gather3A_772, %gather3A_776 : vector<16xf32>
      %max3A_802 = arith.maximumf %max3A_801, %gather3A_780 : vector<16xf32>
      %max3A_803 = arith.maximumf %max3A_802, %gather3A_784 : vector<16xf32>
      %max3A_804 = arith.maximumf %max3A_803, %gather3A_788 : vector<16xf32>
      %max3A_805 = arith.maximumf %max3A_804, %gather3A_792 : vector<16xf32>
      %max3A_806 = arith.maximumf %max3A_805, %gather3A_796 : vector<16xf32>
      %max3A_807 = arith.maximumf %max3A_806, %gather3A_800 : vector<16xf32>
      %sub3A_808 = arith.subf %gather3A_772, %max3A_807 : vector<16xf32>
      %exp3A_809 = math.exp %sub3A_808 : vector<16xf32>
      %sub3A_810 = arith.subf %gather3A_776, %max3A_807 : vector<16xf32>
      %exp3A_811 = math.exp %sub3A_810 : vector<16xf32>
      %add3A_812 = arith.addf %exp3A_809, %exp3A_811 : vector<16xf32>
      %sub3A_813 = arith.subf %gather3A_780, %max3A_807 : vector<16xf32>
      %exp3A_814 = math.exp %sub3A_813 : vector<16xf32>
      %add3A_815 = arith.addf %add3A_812, %exp3A_814 : vector<16xf32>
      %sub3A_816 = arith.subf %gather3A_784, %max3A_807 : vector<16xf32>
      %exp3A_817 = math.exp %sub3A_816 : vector<16xf32>
      %add3A_818 = arith.addf %add3A_815, %exp3A_817 : vector<16xf32>
      %sub3A_819 = arith.subf %gather3A_788, %max3A_807 : vector<16xf32>
      %exp3A_820 = math.exp %sub3A_819 : vector<16xf32>
      %add3A_821 = arith.addf %add3A_818, %exp3A_820 : vector<16xf32>
      %sub3A_822 = arith.subf %gather3A_792, %max3A_807 : vector<16xf32>
      %exp3A_823 = math.exp %sub3A_822 : vector<16xf32>
      %add3A_824 = arith.addf %add3A_821, %exp3A_823 : vector<16xf32>
      %sub3A_825 = arith.subf %gather3A_796, %max3A_807 : vector<16xf32>
      %exp3A_826 = math.exp %sub3A_825 : vector<16xf32>
      %add3A_827 = arith.addf %add3A_824, %exp3A_826 : vector<16xf32>
      %sub3A_828 = arith.subf %gather3A_800, %max3A_807 : vector<16xf32>
      %exp3A_829 = math.exp %sub3A_828 : vector<16xf32>
      %add3A_830 = arith.addf %add3A_827, %exp3A_829 : vector<16xf32>
      %bitcast3A_831 = vector.bitcast %add3A_830 : vector<16xf32> to vector<16xi32>
      %shift_right_arithmetic3A_832 = arith.constant 23 : i32
      %shift_right_arithmetic3A_833 = vector.broadcast %shift_right_arithmetic3A_832 : i32 to vector<16xi32>
      %shift_right_arithmetic3A_834 = arith.shrsi %bitcast3A_831, %shift_right_arithmetic3A_833 : vector<16xi32>
      %sub3A_835 = arith.constant 127 : i32
      %sub3A_836 = vector.broadcast %sub3A_835 : i32 to vector<16xi32>
      %sub3A_837 = arith.subi %shift_right_arithmetic3A_834, %sub3A_836 : vector<16xi32>
      %and3A_838 = arith.constant 8388607 : i32
      %and3A_839 = vector.broadcast %and3A_838 : i32 to vector<16xi32>
      %and3A_840 = arith.andi %bitcast3A_831, %and3A_839 : vector<16xi32>
      %or3A_841 = arith.constant 1065353216 : i32
      %or3A_842 = vector.broadcast %or3A_841 : i32 to vector<16xi32>
      %or3A_843 = arith.ori %and3A_840, %or3A_842 : vector<16xi32>
      %bitcast3A_844 = vector.bitcast %or3A_843 : vector<16xi32> to vector<16xf32>
      %sub3A_845 = arith.constant 1.000000e+00 : f32
      %sub3A_846 = vector.broadcast %sub3A_845 : f32 to vector<16xf32>
      %sub3A_847 = arith.subf %bitcast3A_844, %sub3A_846 : vector<16xf32>
      %add3A_848 = arith.constant 1.000000e+00 : f32
      %add3A_849 = vector.broadcast %add3A_848 : f32 to vector<16xf32>
      %add3A_850 = arith.addf %bitcast3A_844, %add3A_849 : vector<16xf32>
      %div3A_851 = arith.divf %sub3A_847, %add3A_850 : vector<16xf32>
      %mul3A_852 = arith.mulf %div3A_851, %div3A_851 : vector<16xf32>
      %mul3A_853 = arith.constant 0.0909090936 : f32
      %mul3A_854 = vector.broadcast %mul3A_853 : f32 to vector<16xf32>
      %mul3A_855 = arith.mulf %mul3A_854, %mul3A_852 : vector<16xf32>
      %add3A_856 = arith.constant 0.111111112 : f32
      %add3A_857 = vector.broadcast %add3A_856 : f32 to vector<16xf32>
      %add3A_858 = arith.addf %mul3A_855, %add3A_857 : vector<16xf32>
      %mul3A_859 = arith.mulf %add3A_858, %mul3A_852 : vector<16xf32>
      %add3A_860 = arith.constant 0.142857149 : f32
      %add3A_861 = vector.broadcast %add3A_860 : f32 to vector<16xf32>
      %add3A_862 = arith.addf %mul3A_859, %add3A_861 : vector<16xf32>
      %mul3A_863 = arith.mulf %add3A_862, %mul3A_852 : vector<16xf32>
      %add3A_864 = arith.constant 2.000000e-01 : f32
      %add3A_865 = vector.broadcast %add3A_864 : f32 to vector<16xf32>
      %add3A_866 = arith.addf %mul3A_863, %add3A_865 : vector<16xf32>
      %mul3A_867 = arith.mulf %add3A_866, %mul3A_852 : vector<16xf32>
      %add3A_868 = arith.constant 0.333333343 : f32
      %add3A_869 = vector.broadcast %add3A_868 : f32 to vector<16xf32>
      %add3A_870 = arith.addf %mul3A_867, %add3A_869 : vector<16xf32>
      %mul3A_871 = arith.mulf %add3A_870, %mul3A_852 : vector<16xf32>
      %add3A_872 = arith.constant 1.000000e+00 : f32
      %add3A_873 = vector.broadcast %add3A_872 : f32 to vector<16xf32>
      %add3A_874 = arith.addf %mul3A_871, %add3A_873 : vector<16xf32>
      %convert_element_type3A_875 = arith.sitofp %sub3A_837 : vector<16xi32> to vector<16xf32>
      %mul3A_876 = arith.constant 0.693147182 : f32
      %mul3A_877 = vector.broadcast %mul3A_876 : f32 to vector<16xf32>
      %mul3A_878 = arith.mulf %convert_element_type3A_875, %mul3A_877 : vector<16xf32>
      %mul3A_879 = arith.constant 2.000000e+00 : f32
      %mul3A_880 = vector.broadcast %mul3A_879 : f32 to vector<16xf32>
      %mul3A_881 = arith.mulf %mul3A_880, %div3A_851 : vector<16xf32>
      %mul3A_882 = arith.mulf %mul3A_881, %add3A_874 : vector<16xf32>
      %add3A_883 = arith.addf %mul3A_878, %mul3A_882 : vector<16xf32>
      %add3A_884 = arith.addf %max3A_807, %add3A_883 : vector<16xf32>
      %add3A_885 = arith.addi %select_n3A_768, %and3A_757 : vector<16xi32>
      %gather3A_886 = tpu.vector_load_idx %arg7[%add3A_885, %add3A_254] : memref<409x128xf32, #tpu.memory_space<vmem>>[vector<16xi32>, vector<16xi32>], vector<16xf32>,
      %jit3A_887 = arith.constant 0 : i32
      %broadcast_in_dim3A_888 = vector.broadcast %jit3A_887 : i32 to vector<16xi32>
      %select_n3A_889 = arith.select %and3A_751, %select_n3A_582, %broadcast_in_dim3A_888 : vector<16xi1>, vector<16xi32>
      %gather3A_890 = tpu.vector_load_idx %arg9[%select_n3A_889] : memref<4681xf32, #tpu.memory_space<vmem>>[vector<16xi32>], vector<16xf32>,
      %sub3A_891 = arith.subf %gather3A_886, %add3A_884 : vector<16xf32>
      %mul3A_892 = arith.mulf %gather3A_890, %sub3A_891 : vector<16xf32>
      %jit3A_893 = arith.constant 0.000000e+00 : f32
      %broadcast_in_dim3A_894 = vector.broadcast %jit3A_893 : f32 to vector<16xf32>
      %select_n3A_895 = arith.select %and3A_751, %mul3A_892, %broadcast_in_dim3A_894 : vector<16xi1>, vector<16xf32>
      %add3A_896 = arith.addf %add3A_733, %select_n3A_895 : vector<16xf32>
      tpu.vector_store_idx %arg10[%add3A_254], %add3A_896 {add = true} : memref<128xf32, #tpu.memory_space<vmem>>[vector<16xi32>], vector<16xf32>,
      %scan3A_897 = arith.constant 0 : i32
      scf.yield %scan3A_897 : i32
    }
    %scan3A_193 = arith.constant 8 : i32
    %get3A = arith.constant 0 : index
    %get3A_194 = tpu.vector_load %arg10[%get3A] {strides = array<i32>} : memref<128xf32, #tpu.memory_space<vmem>>, vector<16xf32>,
    %mul3A_195 = arith.constant -9.765625E-4 : f32
    %mul3A_196 = vector.broadcast %mul3A_195 : f32 to vector<16xf32>
    %mul3A_197 = arith.mulf %get3A_194, %mul3A_196 : vector<16xf32>
    %swap3A_198 = arith.constant 0 : index
    %swap3A_199 = tpu.vector_load %arg10[%swap3A_198] {strides = array<i32>} : memref<128xf32, #tpu.memory_space<vmem>>, vector<16xf32>,
    tpu.vector_store %arg10[%swap3A_198], %mul3A_197 {strides = array<i32>} : memref<128xf32, #tpu.memory_space<vmem>>, vector<16xf32>,
    %get3A_200 = arith.constant 16 : index
    %get3A_201 = tpu.vector_load %arg10[%get3A_200] {strides = array<i32>} : memref<128xf32, #tpu.memory_space<vmem>>, vector<16xf32>,
    %mul3A_202 = arith.constant -9.765625E-4 : f32
    %mul3A_203 = vector.broadcast %mul3A_202 : f32 to vector<16xf32>
    %mul3A_204 = arith.mulf %get3A_201, %mul3A_203 : vector<16xf32>
    %swap3A_205 = arith.constant 16 : index
    %swap3A_206 = tpu.vector_load %arg10[%swap3A_205] {strides = array<i32>} : memref<128xf32, #tpu.memory_space<vmem>>, vector<16xf32>,
    tpu.vector_store %arg10[%swap3A_205], %mul3A_204 {strides = array<i32>} : memref<128xf32, #tpu.memory_space<vmem>>, vector<16xf32>,
    %get3A_207 = arith.constant 32 : index
    %get3A_208 = tpu.vector_load %arg10[%get3A_207] {strides = array<i32>} : memref<128xf32, #tpu.memory_space<vmem>>, vector<16xf32>,
    %mul3A_209 = arith.constant -9.765625E-4 : f32
    %mul3A_210 = vector.broadcast %mul3A_209 : f32 to vector<16xf32>
    %mul3A_211 = arith.mulf %get3A_208, %mul3A_210 : vector<16xf32>
    %swap3A_212 = arith.constant 32 : index
    %swap3A_213 = tpu.vector_load %arg10[%swap3A_212] {strides = array<i32>} : memref<128xf32, #tpu.memory_space<vmem>>, vector<16xf32>,
    tpu.vector_store %arg10[%swap3A_212], %mul3A_211 {strides = array<i32>} : memref<128xf32, #tpu.memory_space<vmem>>, vector<16xf32>,
    %get3A_214 = arith.constant 48 : index
    %get3A_215 = tpu.vector_load %arg10[%get3A_214] {strides = array<i32>} : memref<128xf32, #tpu.memory_space<vmem>>, vector<16xf32>,
    %mul3A_216 = arith.constant -9.765625E-4 : f32
    %mul3A_217 = vector.broadcast %mul3A_216 : f32 to vector<16xf32>
    %mul3A_218 = arith.mulf %get3A_215, %mul3A_217 : vector<16xf32>
    %swap3A_219 = arith.constant 48 : index
    %swap3A_220 = tpu.vector_load %arg10[%swap3A_219] {strides = array<i32>} : memref<128xf32, #tpu.memory_space<vmem>>, vector<16xf32>,
    tpu.vector_store %arg10[%swap3A_219], %mul3A_218 {strides = array<i32>} : memref<128xf32, #tpu.memory_space<vmem>>, vector<16xf32>,
    %get3A_221 = arith.constant 64 : index
    %get3A_222 = tpu.vector_load %arg10[%get3A_221] {strides = array<i32>} : memref<128xf32, #tpu.memory_space<vmem>>, vector<16xf32>,
    %mul3A_223 = arith.constant -9.765625E-4 : f32
    %mul3A_224 = vector.broadcast %mul3A_223 : f32 to vector<16xf32>
    %mul3A_225 = arith.mulf %get3A_222, %mul3A_224 : vector<16xf32>
    %swap3A_226 = arith.constant 64 : index
    %swap3A_227 = tpu.vector_load %arg10[%swap3A_226] {strides = array<i32>} : memref<128xf32, #tpu.memory_space<vmem>>, vector<16xf32>,
    tpu.vector_store %arg10[%swap3A_226], %mul3A_225 {strides = array<i32>} : memref<128xf32, #tpu.memory_space<vmem>>, vector<16xf32>,
    %get3A_228 = arith.constant 80 : index
    %get3A_229 = tpu.vector_load %arg10[%get3A_228] {strides = array<i32>} : memref<128xf32, #tpu.memory_space<vmem>>, vector<16xf32>,
    %mul3A_230 = arith.constant -9.765625E-4 : f32
    %mul3A_231 = vector.broadcast %mul3A_230 : f32 to vector<16xf32>
    %mul3A_232 = arith.mulf %get3A_229, %mul3A_231 : vector<16xf32>
    %swap3A_233 = arith.constant 80 : index
    %swap3A_234 = tpu.vector_load %arg10[%swap3A_233] {strides = array<i32>} : memref<128xf32, #tpu.memory_space<vmem>>, vector<16xf32>,
    tpu.vector_store %arg10[%swap3A_233], %mul3A_232 {strides = array<i32>} : memref<128xf32, #tpu.memory_space<vmem>>, vector<16xf32>,
    %get3A_235 = arith.constant 96 : index
    %get3A_236 = tpu.vector_load %arg10[%get3A_235] {strides = array<i32>} : memref<128xf32, #tpu.memory_space<vmem>>, vector<16xf32>,
    %mul3A_237 = arith.constant -9.765625E-4 : f32
    %mul3A_238 = vector.broadcast %mul3A_237 : f32 to vector<16xf32>
    %mul3A_239 = arith.mulf %get3A_236, %mul3A_238 : vector<16xf32>
    %swap3A_240 = arith.constant 96 : index
    %swap3A_241 = tpu.vector_load %arg10[%swap3A_240] {strides = array<i32>} : memref<128xf32, #tpu.memory_space<vmem>>, vector<16xf32>,
    tpu.vector_store %arg10[%swap3A_240], %mul3A_239 {strides = array<i32>} : memref<128xf32, #tpu.memory_space<vmem>>, vector<16xf32>,
    %get3A_242 = arith.constant 112 : index
    %get3A_243 = tpu.vector_load %arg10[%get3A_242] {strides = array<i32>} : memref<128xf32, #tpu.memory_space<vmem>>, vector<16xf32>,
    %mul3A_244 = arith.constant -9.765625E-4 : f32
    %mul3A_245 = vector.broadcast %mul3A_244 : f32 to vector<16xf32>
    %mul3A_246 = arith.mulf %get3A_243, %mul3A_245 : vector<16xf32>
    %swap3A_247 = arith.constant 112 : index
    %swap3A_248 = tpu.vector_load %arg10[%swap3A_247] {strides = array<i32>} : memref<128xf32, #tpu.memory_space<vmem>>, vector<16xf32>,
    tpu.vector_store %arg10[%swap3A_247], %mul3A_246 {strides = array<i32>} : memref<128xf32, #tpu.memory_space<vmem>>, vector<16xf32>,
    "tpu.region"() ({
      %run_scoped3A = tpu.sem_alloc : memref<!tpu.dma_semaphore, #tpu.memory_space<semaphore_mem>>
      %dma_start3A_249 = arith.constant 0 : i32
      %dma_start3A_250 = tpu.memref_slice %arg5[%add3A, %dma_start3A_249] : memref<32x128xf32, #tpu.memory_space<hbm>> -> memref<1x128xf32, #tpu.memory_space<hbm>>
      %dma_start3A_251 = tpu.memref_squeeze %dma_start3A_250 : memref<1x128xf32, #tpu.memory_space<hbm>> -> memref<128xf32, #tpu.memory_space<hbm>>
      %dma_start3A_252 = arith.constant 0 : i32
      %dma_start3A_253 = tpu.memref_slice %arg5[%add3A, %dma_start3A_252] : memref<32x128xf32, #tpu.memory_space<hbm>> -> memref<1x128xf32, #tpu.memory_space<hbm>>
      %dma_start3A_254 = tpu.memref_squeeze %dma_start3A_253 : memref<1x128xf32, #tpu.memory_space<hbm>> -> memref<128xf32, #tpu.memory_space<hbm>>
      tpu.enqueue_dma source(%arg10 : memref<128xf32, #tpu.memory_space<vmem>>) target(%dma_start3A_254 : memref<128xf32, #tpu.memory_space<hbm>>) target_semaphore(%run_scoped3A : memref<!tpu.dma_semaphore, #tpu.memory_space<semaphore_mem>>)
      %dma_wait3A_255 = arith.constant 0 : i32
      %dma_wait3A_256 = tpu.memref_slice %arg5[%add3A, %dma_wait3A_255] : memref<32x128xf32, #tpu.memory_space<hbm>> -> memref<1x128xf32, #tpu.memory_space<hbm>>
      %dma_wait3A_257 = tpu.memref_squeeze %dma_wait3A_256 : memref<1x128xf32, #tpu.memory_space<hbm>> -> memref<128xf32, #tpu.memory_space<hbm>>
      %dma_wait3A_258 = arith.constant 0 : i32
      %dma_wait3A_259 = tpu.memref_slice %arg5[%add3A, %dma_wait3A_258] : memref<32x128xf32, #tpu.memory_space<hbm>> -> memref<1x128xf32, #tpu.memory_space<hbm>>
      %dma_wait3A_260 = tpu.memref_squeeze %dma_wait3A_259 : memref<1x128xf32, #tpu.memory_space<hbm>> -> memref<128xf32, #tpu.memory_space<hbm>>
      tpu.wait_dma2 semaphore(%run_scoped3A : memref<!tpu.dma_semaphore, #tpu.memory_space<semaphore_mem>>) src(%arg10 : memref<128xf32, #tpu.memory_space<vmem>>) dst(%dma_wait3A_260 : memref<128xf32, #tpu.memory_space<hbm>>)
      tpu.yield
    }) : () -> ()
    return
  }
}

</mosaic_0001>

<sc_bundles>
// kernel: kernel.3.cloned.1.call-start
scs
__scs_entry_jumppad:
0x0: {  	(pc) =	sbr.rel $0x88, $3  }
0x1: {  	(tag) =	ssettag $0x0;
	lr =	simm.s32 $0x1  }
0x2: {  	[smem:$0x3F9E] =	sst lr;
	_ =	strace $0xD0000000  }
0x3: {  	_ = 	snop  }
0x4: {  	_ = 	snop  }
0x5: {  	_ = 	snop  }
0x6: {  	_ = 	snop  }
0x7: {  	_ = 	snop  }
__scs_overlays_trampoline_lowered:
0x8: {  	[smem:$0x3FAD] =	sst s0  }
0x9: {  	[smem:$0x3FAE] =	sst s1  }
0xa: {  	[smem:$0x3FAF] =	sst s2  }
0xb: {  	[smem:$0x3FB0] =	sst s3  }
0xc: {  	[smem:$0x3FB1] =	sst s4  }
0xd: {  	[smem:$0x3FB2] =	sst s5  }
0xe: {  	[smem:$0x3FB3] =	sst s6  }
0xf: {  	[smem:$0x3FB4] =	sst s7  }
0x10: {  	[smem:$0x3FB5] =	sst s8  }
0x11: {  	[smem:$0x3FB6] =	sst s9;
	s0 =	simm.s32 @!p0 $0x0  }
0x12: {  	s1 =	sld [smem:$0x3F9C];
	s0 =	simm.s32 @p0 $0x1  }
0x13: {  	[smem:$0x3FB7] =	sst s0;
	s0 =	simm.s32 @!p1 $0x0  }
0x14: {  	s2 =	sld [smem:$0x3F9B];
	s0 =	simm.s32 @p1 $0x1  }
0x15: {  	[smem:$0x3FB8] =	sst s0;
	s0 =	simm.s32 @!p2 $0x0  }
0x16: {  	s3 =	sld [smem:$0x3FDB];
	s0 =	simm.s32 @p2 $0x1  }
0x17: {  	s4 =	simm.s32 $0x1BF5;
	[smem:$0x3FBA] =	sst s0  }
0x18: {  	s0 =	sld [smem:$0x3F9D];
	_ =	swait.ge [sflag:s4], $0x0  }
0x19: {  	s7 =	sld [smem:$0x3F9E]  }
0x1a: {  	s8 =	sadd.s32 $0xFFFFE003, lr  }
0x1b: {  	s9 =	sadd.s32 $0xFFFFFEF7, lr;
	s5 =	simm.s32 $0xFFFFFFFF;
	p2 =	slt.u32 s8, $0xFFFFF086  }
0x1c: {  	p1 =	slt.u32 s9, $0xF7A;
	s5 =	simm.s32 @!p2 $0x0  }
0x1d: {  	s5 =	simm.s32 @p1 $0x1;
	p0 =	seq.s32 s7, s2  }
0x1e: {  	s7 =	smul.u32 @!p0 $0xF7A, s2;
	p2 =	seq.s32 @!p0 s5, $0x0  }
0x1f: {  	s9 =	smul.u32 $0xF7A, s1;
	s8 =	simm.s32 @!p0 $0x1BF5;
	p2 =	por !p2, p0  }
0x20: {  	[sflag:s8] =	ssyncset.s32 @!p0 $0xFFFFF086;
	s6 =	sadd.s32 @!p0 s3, s7;
	s7 =	simm.s32 @!p0 $0x108  }
0x21: {  	s3 =	sadd.s32 s3, s9;
	s6 =	sadd.s32 @!p0 $0x88, s6;
	s7 =	simm.s32 @p2 $0x1082  }
0x22: {  	[simem:s7], [sflag:s8] =	dma.local @!p0 [hbm:s6], $0xF7A  }
0x23: {  	s9 =	sor.u32 $0xD0000000, s2;
	s6 =	simm.s32 $0x108;
	_ =	swait.ge @!p0 [sflag:s8], $0x0  }
0x24: {  	s3 =	sadd.s32 $0x88, s3;
	s6 =	simm.s32 @!p1 $0x1082;
	[sflag:s4] =	ssyncset.s32 $0xFFFFF086  }
0x25: {  	[simem:s6], [sflag:s4] =	dma.local [hbm:s3], $0xF7A  }
0x26: {  	[smem:$0x3F9E] =	sst s1;
	(tag) =	ssettag s2;
	_ =	strace s9  }
0x27: {  	s1 =	sld [smem:$0x3FAE]  }
0x28: {  	s2 =	sld [smem:$0x3FAF]  }
0x29: {  	s4 =	sld [smem:$0x3FB1]  }
0x2a: {  	p0 =	seq.s32 s5, $0x0;
	s5 =	sld [smem:$0x3FB2]  }
0x2b: {  	s6 =	sld [smem:$0x3FB3]  }
0x2c: {  	s7 =	sld [smem:$0x3FB4]  }
0x2d: {  	s3 =	simm.s32 $0x108;
	s8 =	sld [smem:$0x3FB5]  }
0x2e: {  	s3 =	simm.s32 @!p0 $0x1082;
	s9 =	sld [smem:$0x3FB6]  }
0x2f: {  	lr =	sadd.s32 s0, s3;
	s0 =	sld [smem:$0x3FAD]  }
0x30: {  	s3 =	sld [smem:$0x3FB0]  }
0x31: {  	[smem:$0x3FB9] =	sst s10  }
0x32: {  	s10 =	sld [smem:$0x3FB7];
	_ =	sdelay $0x3  }
0x33: {  	p0 =	seq.s32 s10, $0x1;
	s10 =	sld [smem:$0x3FB9];
	_ =	sdelay $0x3  }
0x34: {  	[smem:$0x3FB9] =	sst s10  }
0x35: {  	s10 =	sld [smem:$0x3FB8];
	_ =	sdelay $0x3  }
0x36: {  	p1 =	seq.s32 s10, $0x1;
	s10 =	sld [smem:$0x3FB9];
	_ =	sdelay $0x3  }
0x37: {  	[smem:$0x3FB9] =	sst s10  }
0x38: {  	s10 =	sld [smem:$0x3FBA]  }
0x39: {  	_ = 	snop;
	(pc) =	sbr.ind lr, $3  }
0x3a: {  	_ = 	snop  }
0x3b: {  	_ = 	snop  }
0x3c: {  	p2 =	seq.s32 s10, $0x1;
	s10 =	sld [smem:$0x3FB9]  }
0x3d: {  	_ =	shalt  }
0x3e: {  	_ =	shalt  }
0x3f: {  	_ =	shalt  }
0x40: {  	_ =	shalt  }
0x41: {  	_ =	shalt  }
0x42: {  	_ =	shalt  }
0x43: {  	_ =	shalt  }
0x44: {  	_ =	shalt  }
0x45: {  	_ =	shalt  }
0x46: {  	_ =	shalt  }
0x47: {  	_ =	shalt  }
0x48: {  	_ =	shalt  }
0x49: {  	_ =	shalt  }
0x4a: {  	_ =	shalt  }
0x4b: {  	_ =	shalt  }
0x4c: {  	_ =	shalt  }
0x4d: {  	_ =	shalt  }
0x4e: {  	_ =	shalt  }
0x4f: {  	_ =	shalt  }
0x50: {  	_ =	shalt  }
0x51: {  	_ =	shalt  }
0x52: {  	_ =	shalt  }
0x53: {  	_ =	shalt  }
0x54: {  	_ =	shalt  }
0x55: {  	_ =	shalt  }
0x56: {  	_ =	shalt  }
0x57: {  	_ =	shalt  }
0x58: {  	_ =	shalt  }
0x59: {  	_ =	shalt  }
0x5a: {  	_ =	shalt  }
0x5b: {  	_ =	shalt  }
0x5c: {  	_ =	shalt  }
0x5d: {  	_ =	shalt  }
0x5e: {  	_ =	shalt  }
0x5f: {  	_ =	shalt  }
0x60: {  	_ =	shalt  }
0x61: {  	_ =	shalt  }
0x62: {  	_ =	shalt  }
0x63: {  	_ =	shalt  }
0x64: {  	_ =	shalt  }
0x65: {  	_ =	shalt  }
0x66: {  	_ =	shalt  }
0x67: {  	_ =	shalt  }
0x68: {  	_ =	shalt  }
0x69: {  	_ =	shalt  }
0x6a: {  	_ =	shalt  }
0x6b: {  	_ =	shalt  }
0x6c: {  	_ =	shalt  }
0x6d: {  	_ =	shalt  }
0x6e: {  	_ =	shalt  }
0x6f: {  	_ =	shalt  }
0x70: {  	_ =	shalt  }
0x71: {  	_ =	shalt  }
0x72: {  	_ =	shalt  }
0x73: {  	_ =	shalt  }
0x74: {  	_ =	shalt  }
0x75: {  	_ =	shalt  }
0x76: {  	_ =	shalt  }
0x77: {  	_ =	shalt  }
0x78: {  	_ =	shalt  }
0x79: {  	_ =	shalt  }
0x7a: {  	_ =	shalt  }
0x7b: {  	_ =	shalt  }
0x7c: {  	_ =	shalt  }
0x7d: {  	_ =	shalt  }
0x7e: {  	_ =	shalt  }
0x7f: {  	_ =	shalt  }
0x80: {  	_ =	shalt  }
0x81: {  	_ =	shalt  }
0x82: {  	_ =	shalt  }
0x83: {  	_ =	shalt  }
0x84: {  	_ =	shalt  }
0x85: {  	_ =	shalt  }
0x86: {  	_ =	shalt  }
0x87: {  	_ =	shalt  }
.Lfunc_end0:
.L_simem_size_0:
called_computation_lowered:
.L_overlay_start_0:
0x88: {  	s2 =	sld [smem:$0x3FD9]  }
0x89: {  	s3 =	sld [smem:$0x3FFE];
	_ =	sdelay $0x1  }
0x8a: {  	s1 =	srdreg.scid  }
0x8b: {  	s0 =	sand.u32 $0x1, s1  }
0x8c: {  	s17 =	sshll.u32 s0, $0xA;
	s2 =	sadd.s32 s3, s2  }
0x8d: {  	s2 =	sadd.s32 s2, s17  }
0x8e: {  	[smem:$0x3FC5] =	sst s2  }
0x8f: {  	_ = 	snop  }
0x90: {  	s2 =	sld [smem:$0x3FC9]  }
0x91: {  	s18 =	sld [smem:$0x3FC8]  }
0x92: {  	s4 =	sld [smem:$0x3FC7];
	(tm) =	ssettm $0x1  }
0x93: {  	s5 =	sld [smem:$0x3FFB];
	_ =	sdelay $0x3  }
0x94: {  	_ =	strace s5  }
0x95: {  	s5 =	sld [smem:$0x3FFC];
	_ =	sdelay $0x3  }
0x96: {  	_ =	strace s5  }
0x97: {  	s5 =	sld [smem:$0x3FFD];
	_ =	sdelay $0x3  }
0x98: {  	_ =	strace s5  }
0x99: {  	_ =	strace $0x8FFFFFFF  }
0x9a: {  	s19 =	sld [smem:$0x3FDB];
	_ =	sdelay $0x1  }
0x9b: {  	s6 =	simm.s32 $_scs_section_size  }
0x9c: {  	s7 =	simm.s32 $_size__tile_overlayer_lowered;
	s8 =	simm.s32 $_tile_overlayer_lowered  }
0x9d: {  	s22 =	simm.s32 $0x1BFF;
	s21 =	sshll.u32 s8, $0x1;
	s5 =	sadd.s32 s6, s19  }
0x9e: {  	s9 =	simm.s32 $0x0;
	s20 =	sshll.u32 s7, $0x1;
	s7 =	sadd.s32 s21, s5  }
0x9f: {  	[timem:s9], [sflag:s22] =	dma.local [hbm:s7], s20  }
0xa0: {  	_ =	swait.ge [sflag:s22], s20  }
0xa1: {  	s6 =	ssub.s32 $0x0, s20;
	[sflag:s22] =	ssyncset.done $0x0  }
0xa2: {  	[sflag:s22] =	ssyncadd.s32 s6;
	_ =	sdelay $0x1  }
0xa3: {  	s23 =	simm.s32 $0x1B8B  }
0xa4: {  	_ =	swait.ge [sflag:s23], $0x1  }
0xa5: {  	[sflag:s23] =	ssyncset.done $0x0  }
0xa6: {  	s25 =	simm.s32 $0x1B8E;
	s24 =	sld [smem:$0x3FFE];
	[sflag:s23] =	ssyncadd.s32 $0xFFFFFFFF  }
0xa7: {  	s26 =	simm.s32 $execute0_lowered;
	[smem:$0x3FD2] =	sst s25  }
0xa8: {  	s7 =	sshll.u32 s26, $0x1;
	_ =	strace $0x80000046;
	[dreg:$0x1] =	wrdreg $0xFFFFFFFF  }
0xa9: {  	s28 =	simm.s32 $_size_execute0_lowered;
	s5 =	sadd.s32 s5, s7;
	[dreg:$0x0] =	wrdreg $0x0  }
0xaa: {  	s7 =	sshll.u32 s28, $0x1;
	[dreg:$0x2] =	wrdreg s5  }
0xab: {  	[dreg:$0x3] =	wrdreg s7  }
0xac: {  	[dreg:$0x4] =	wrdreg $0xC0  }
0xad: {  	_ =	task [dreg:s9], $0x5FFFF  }
0xae: {  	[dreg:$0x1] =	wrdreg $0xFFFFFFFF  }
0xaf: {  	[dreg:$0x0] =	wrdreg $0x60  }
0xb0: {  	[dreg:$0x2] =	wrdreg s2  }
0xb1: {  	[dreg:$0x3] =	wrdreg s18  }
0xb2: {  	[dreg:$0x4] =	wrdreg s4  }
0xb3: {  	[dreg:$0x5] =	wrdreg s24  }
0xb4: {  	[dreg:$0x6] =	wrdreg $0x9  }
0xb5: {  	_ =	task.clear_ibuf [dreg:s9], $0x7FFFF;
	_ =	strace $0x90000046  }
0xb6: {  	s29 =	simm.s32 $0x9;
	_ =	strace $0x80000048  }
0xb7: {  	_ =	swait.ge [sflag:s29], $0x1  }
0xb8: {  	[sflag:s29] =	ssyncadd.s32 $0xFFFFFFFF  }
0xb9: {  	_ =	strace $0x90000048  }
0xba: {  	_ =	sfence  }
0xbb: {  	s30 =	sld [smem:$0x0];
	_ =	sdelay $0x2  }
0xbc: {  	s31 =	sshll.u32 s1, $0xD;
	s1 =	sshrl.u32 s1, $0x2  }
0xbd: {  	s3 =	sand.u32 $0x4000, s31;
	s1 =	sadd.s32 s1, s30  }
0xbe: {  	s0 =	sor.u32 s3, s0;
	s1 =	sshll.u32 s1, $0x11  }
0xbf: {  	s0 =	sor.u32 s1, s0  }
0xc0: {  	s0 =	sadd.s32 $0x8F2B, s0  }
0xc1: {  	[sflag:s0] =	ssyncadd.remote.s32 $0x1  }
0xc2: {  	_ =	sfence.sel $0xFFFF  }
0xc3: {  	[dreg:$0x0] =	wrdreg $0xFFFFFFFF;
	(pc) =	sbr.abs _section_cstart, $3  }
0xc4: {  	[dreg:$0x1] =	wrdreg $0xFFFFFFFF  }
0xc5: {  	_ =	task.clear_ibuf [dreg:s9], $0x2FFFF;
	_ =	strace $0x9FFFFFFF  }
0xc6: {  	(tm) =	ssettm $0x7FFFFFFF  }
0xc7: {  	_ =	shalt  }
tec
execute0_lowered:
.L_overlay_start_1:
0x0: {  	(tag) =	ssettag $0x1  }
0x1: {  	s8 =	rddreg [dreg:$0x0]  }
0x2: {  	s6 =	rddreg [dreg:$0x1]  }
0x3: {  	s2 =	rddreg [dreg:$0x2]  }
0x4: {  	s0 =	srdreg.scid;
	s11 =	rddreg [dreg:$0x3]  }
0x5: {  	s3 =	simm.s32 $0x0;
	s22 =	simm.s32 $0x0;
	s4 =	sand.u32 $0x1, s0  }
0x6: {  	s0 =	stileid.u32;
	[smem:$0x7FF] =	sst s3;
	s1 =	sshll.u32 s4, $0x4  }
0x7: {  	s12 =	sand.u32 $0x7, s0;
	s4 =	ssub.s32 $0x2, s4;
	s9 =	sor.u32 s0, s1  }
0x8: {  	s25 =	sshll.u32 s0, $0x7;
	s21 =	sshll.u32 s0, $0x4;
	s5 =	sshrl.u32 s9, $0x3  }
0x9: {  	s1 =	rddreg [dreg:$0x4];
	s13 =	sshrl.u32 s4, $0x1;
	s10 =	smul.u32 $0x188, s5  }
0xa: {  	_ =	strace $0x80000047;
	s14 =	smul.u32 $0x31, s5;
	s15 =	sor.u32 $0x4, s5  }
0xb: {  	s26 =	sshll.u32 s12, $0x4;
	s17 =	sor.u32 $0x8, s5;
	s16 =	smul.u32 $0x188, s15  }
0xc: {  	s29 =	sand.u32 $0x70, s21;
	s21 =	simm.s32 $0x2;
	s18 =	smul.u32 $0x188, s17  }
0xd: {  	s13 =	ssub.s32 s4, s13;
	s9 =	sshll.u32 s9, $0x4;
	s15 =	smul.u32 $0x31, s15  }
0xe: {  	s6 =	sadd.s32 s6, s26;
	s9 =	sand.u32 $0x180, s9;
	s17 =	smul.u32 $0x31, s17  }
0xf: {  	s7 =	sor.u32 s12, s10;
	s19 =	sadd.s32 $0x31, s14;
	v2 =	vmov s10;
	s10 =	sadd.s32 s11, s29  }
0x10: {  	v0 =	vmov s14;
	s11 =	simm.s32 $0x400;
	s14 =	simm.s32 $0xCC80;
	s7 =	sshll.u32 s7, $0x7  }
0x11: {  	s28 =	sor.u32 s12, s16;
	s18 =	smin.u32 s18, $0x10B0;
	s20 =	sadd.s32 $0x31, s15  }
0x12: {  	s30 =	smin.u32 s17, $0x218;
	s9 =	sadd.s32 s9, s10;
	s10 =	smax.u32 s13, $0x1  }
0x13: {  	v9 =	vimm.f32 $0.0e+00;
	v4 =	vmov s16;
	v3 =	vmov s15;
	s13 =	simm.s32 $0x80;
	s15 =	simm.s32 $0x3;
	s16 =	simm.s32 $0x1A080  }
0x14: {  	v10 =	vlaneseq.u32;
	v1 =	vmov s19;
	v6 =	vmov s17;
	s17 =	simm.s32 $0xD080;
	s19 =	simm.s32 $0x1;
	s7 =	sand.u32 $0x1FFFFF80, s7  }
0x15: {  	v11 =	vor.u32 $0x100, v10;
	v12 =	vor.u32 $0x200, v10;
	s12 =	sor.u32 s12, s18;
	s31 =	sadd.s32 $0x31, s30;
	v8 =	vmov s18;
	s18 =	simm.s32 $0x19C80  }
0x16: {  	v2 =	vsub.s32 $0x1, v2;
	v5 =	vsub.s32 $0x1, v4;
	v4 =	vmov s20;
	s20 =	simm.s32 $0x1B300;
	s4 =	sadd.s32 s8, s7;
	s7 =	sor.u32 $0x92400, s25  }
0x17: {  	v13 =	vor.u32 $0x300, v10;
	v2 =	vbroadcast v2, $0x0;
	s12 =	sshll.u32 s12, $0x7;
	v8 =	vsub.s32 $0x1, v8;
	s5 =	sadd.s32 s8, s7;
	s7 =	sshll.u32 s28, $0x7  }
0x18: {  	v5 =	vbroadcast v5, $0x0;
	v7 =	vmov s31;
	v8 =	vbroadcast v8, $0x0;
	s7 =	sadd.s32 s8, s7;
	s8 =	sadd.s32 s8, s12;
	s12 =	simm.s32 $0x2000  }
.LBB2_1:
0x19: {  	[tilespmem:s13], [sflag:$0x1] =	stream.strided.gather [hbm4b:s4+s11], $0xCC00, s12, s11, $0x38;
	[tilespmem:$0x1B380] =	vst v63  }
0x1a: {  	_ = 	snop  }
0x1b: {  	[tilespmem:s14], [sflag:$0x1] =	stream.strided.gather [hbm4b:s5+s11], $0x0, s12, s11, $0x38;
	[tilespmem:$0x1B380] =	vst v63  }
0x1c: {  	_ = 	snop  }
0x1d: {  	[tilespmem:s14], [sflag:$0x1] =	stream.linear.gather [hbm4b:s5+s3], $0x80, $0x38;
	[tilespmem:$0x1B380] =	vst v63  }
0x1e: {  	_ = 	snop  }
0x1f: {  	[tilespmem:s3], [sflag:$0x3] =	stream.linear.gather [hbm4b:s6+s3], $0x80, $0x38;
	[tilespmem:$0x1B380] =	vst v63  }
0x20: {  	_ =	swait.ge [sflag:s15], $0x80  }
0x21: {  	[sflag:s15] =	ssyncset.done $0x0  }
0x22: {  	[sflag:s15] =	ssyncadd.s32 $0xFFFFFF80  }
0x23: {  	[tilespmem:s16], [sflag:$0x3] =	stream.linear.gather [hbm4b:s2+s3], $0x1280, $0x38;
	[tilespmem:$0x1B380] =	vst v63  }
0x24: {  	_ =	swait.ge [sflag:s15], $0x1280  }
0x25: {  	[sflag:s15] =	ssyncset.done $0x0  }
0x26: {  	[sflag:s15] =	ssyncadd.s32 $0xFFFFED80  }
0x27: {  	[tilespmem:$0x1B300] =	vst v9  }
0x28: {  	[tilespmem:$0x1B310] =	vst v9  }
0x29: {  	[tilespmem:$0x1B320] =	vst v9  }
0x2a: {  	[tilespmem:$0x1B330] =	vst v9  }
0x2b: {  	[tilespmem:$0x1B340] =	vst v9  }
0x2c: {  	[tilespmem:$0x1B350] =	vst v9  }
0x2d: {  	[tilespmem:$0x1B360] =	vst v9  }
0x2e: {  	[tilespmem:$0x1B370] =	vst v9  }
0x2f: {  	[tilespmem:s17], [sflag:$0x2] =	stream.strided.gather [hbm4b:s7+s11], $0xCC00, s12, s11, $0x38;
	[tilespmem:$0x1B380] =	vst v63  }
0x30: {  	_ = 	snop  }
0x31: {  	[tilespmem:s18], [sflag:$0x2] =	stream.strided.gather [hbm4b:s5+s11], $0x0, s12, s11, $0x38;
	[tilespmem:$0x1B380] =	vst v63  }
0x32: {  	_ = 	snop  }
0x33: {  	[tilespmem:s18], [sflag:$0x2] =	stream.linear.gather [hbm4b:s5+s3], $0x80, $0x38;
	[tilespmem:$0x1B380] =	vst v63  }
0x34: {  	_ =	swait.ge [sflag:s19], $0xCC00  }
0x35: {  	[sflag:s19] =	ssyncset.done $0x0  }
0x36: {  	[sflag:s19] =	ssyncadd.s32 $0xFFFF3400  }
0x37: {  	_ =	swait.ge [sflag:s19], $0x80  }
0x38: {  	[sflag:s19] =	ssyncset.done $0x0  }
0x39: {  	s23 =	simm.s32 $0x0;
	[sflag:s19] =	ssyncadd.s32 $0xFFFFFF80  }
.LBB2_2:
0x3a: {  	v14 =	vor.u32 s23, v10;
	_ =	sdelay $0x4  }
0x3b: {  	v16 =	vld.idx.msk [tilespmem:v14+s3+$0x0], $0xffff;
	_ =	sdelay $0x4  }
0x3c: {  	v17 =	vadd.s32 $0xFFFFFFFF, v16  }
0x3d: {  	vm0 =	vgt.s32 v16, $0x0;
	v15 =	vshra.s32 v17, $0x3  }
0x3e: {  	v15 =	vnsel vm0, $0x0, v15  }
0x3f: {  	vm1 =	vge.s32 v15, v0;
	vm2 =	vlt.s32 v15, v1  }
0x40: {  	v18 =	vshll.u32 v15, $0x3;
	vm1 =	vmand vm1, vm2  }
0x41: {  	v18 =	vadd.s32 v18, v2;
	vm0 =	vmand vm0, vm1  }
0x42: {  	v18 =	vnsel vm0, $0x0, v18  }
0x43: {  	v19 =	vshll.u32 v18, $0x7  }
0x44: {  	v20 =	vor.u32 v14, v19;
	v21 =	vadd.s32 v14, v19  }
0x45: {  	v31 =	vor.u32 s23, v11;
	v22 =	vadd.s32 $0x80, v21  }
0x46: {  	v23 =	vor.u32 v19, v31  }
0x47: {  	v30 =	vor.u32 s23, v12;
	v24 =	vadd.s32 $0x180, v21  }
0x48: {  	v25 =	vor.u32 v19, v30  }
0x49: {  	v29 =	vor.u32 s23, v13;
	v62 =	vadd.s32 $0x280, v21;
	v26 =	vld.idx.msk [tilespmem:v20+s13+$0x0], $0xffff  }
0x4a: {  	v19 =	vor.u32 v19, v29;
	v22 =	vld.idx.msk [tilespmem:v22+s13+$0x0], $0xffff  }
0x4b: {  	v21 =	vadd.s32 $0x380, v21;
	v23 =	vld.idx.msk [tilespmem:v23+s13+$0x0], $0xffff  }
0x4c: {  	v24 =	vld.idx.msk [tilespmem:v24+s13+$0x0], $0xffff  }
0x4d: {  	v25 =	vld.idx.msk [tilespmem:v25+s13+$0x0], $0xffff  }
0x4e: {  	v27 =	vld.idx.msk [tilespmem:v62+s13+$0x0], $0xffff  }
0x4f: {  	v28 =	vld.idx.msk [tilespmem:v19+s13+$0x0], $0xffff;
	v63 =	vmax.f32 v26, v22  }
0x50: {  	v32 =	vld.idx.msk [tilespmem:v21+s13+$0x0], $0xffff;
	v19 =	vmax.f32 v63, v23  }
0x51: {  	v19 =	vmax.f32 v19, v24  }
0x52: {  	v19 =	vmax.f32 v19, v25  }
0x53: {  	v19 =	vmax.f32 v19, v27  }
0x54: {  	v19 =	vmax.f32 v19, v28  }
0x55: {  	v20 =	vmax.f32 v19, v32  }
0x56: {  	v19 =	vsub.f32 v26, v20  }
0x57: {  	v34 =	vsub.f32 v22, v20  }
0x58: {  	v19 =	vmul.f32 $1.442695020e+00, v19  }
0x59: {  	v21 =	vmul.f32 $1.442695020e+00, v34  }
0x5a: {  	vm10 =	vgt.s32 v15, $0x0;
	v35 =	vsub.f32 v23, v20;
	(erf) = vpow2.f32 v19  }
0x5b: {  	v36 =	vsub.f32 v24, v20;
	(erf) = vpow2.f32 v21;
	v21 =	vadd.s32 $0xFFFFFFFF, v15  }
0x5c: {  	v40 =	vsub.f32 v25, v20;
	v37 =	vmul.f32 $1.442695020e+00, v35;
	v39 =	vshra.s32 v21, $0x3  }
0x5d: {  	v41 =	vsub.f32 v27, v20;
	v38 =	vmul.f32 $1.442695020e+00, v36;
	v19 =	vnsel vm10, $0x0, v39  }
0x5e: {  	(erf) = vpow2.f32 v37;
	vm11 =	vge.s32 v19, v0;
	vm3 =	vlt.s32 v19, v1  }
0x5f: {  	v25 =	vmul.f32 $1.442695020e+00, v40;
	v42 =	vshll.u32 v19, $0x3;
	vm2 =	vmand vm11, vm3  }
0x60: {  	(erf) = vpow2.f32 v38;
	v43 =	vadd.s32 v42, v2;
	vm1 =	vmand vm10, vm2  }
0x61: {  	v44 =	vsub.f32 v28, v20;
	v22 =	vnsel vm1, $0x0, v43  }
0x62: {  	v23 =	vmul.f32 $1.442695020e+00, v41;
	(erf) = vpow2.f32 v25;
	v45 =	vshll.u32 v22, $0x7  }
0x63: {  	v32 =	vsub.f32 v32, v20;
	v47 =	vor.u32 v14, v45;
	v48 =	vadd.s32 v14, v45  }
0x64: {  	v24 =	vmul.f32 $1.442695020e+00, v44;
	v46 =	vpop (erf);
	(erf) = vpow2.f32 v23;
	v33 =	vadd.s32 $0x80, v48  }
0x65: {  	v51 =	vmul.f32 $1.442695020e+00, v32;
	v50 =	vor.u32 v45, v31;
	v49 =	vpop (erf)  }
0x66: {  	(erf) = vpow2.f32 v24;
	v52 =	vadd.s32 $0x180, v48;
	v26 =	vadd.f32 v49, v46  }
0x67: {  	v35 =	vor.u32 v45, v30;
	v34 =	vpop (erf)  }
0x68: {  	v54 =	vadd.s32 $0x280, v48;
	(erf) = vpow2.f32 v51;
	v26 =	vadd.f32 v26, v34;
	v53 =	vld.idx.msk [tilespmem:v47+s13+$0x0], $0xffff  }
0x69: {  	v25 =	vor.u32 v45, v29;
	v55 =	vpop (erf);
	v33 =	vld.idx.msk [tilespmem:v33+s13+$0x0], $0xffff  }
0x6a: {  	v27 =	vadd.s32 $0x380, v48;
	v28 =	vld.idx.msk [tilespmem:v50+s13+$0x0], $0xffff;
	v26 =	vadd.f32 v26, v55  }
0x6b: {  	v56 =	vpop (erf);
	v36 =	vld.idx.msk [tilespmem:v52+s13+$0x0], $0xffff  }
0x6c: {  	v57 =	vld.idx.msk [tilespmem:v35+s13+$0x0], $0xffff;
	v26 =	vadd.f32 v26, v56  }
0x6d: {  	v59 =	vld.idx.msk [tilespmem:v54+s13+$0x0], $0xffff;
	v58 =	vpop (erf)  }
0x6e: {  	v61 =	vld.idx.msk [tilespmem:v25+s13+$0x0], $0xffff;
	v60 =	vadd.f32 v26, v58;
	v62 =	vmax.f32 v53, v33  }
0x6f: {  	v37 =	vld.idx.msk [tilespmem:v27+s13+$0x0], $0xffff;
	v63 =	vpop (erf);
	v25 =	vmax.f32 v62, v28  }
0x70: {  	v23 =	vadd.f32 v60, v63;
	v25 =	vmax.f32 v25, v36  }
0x71: {  	v32 =	vpop (erf);
	v25 =	vmax.f32 v25, v57  }
0x72: {  	v27 =	vadd.f32 v23, v32;
	v38 =	vmax.f32 v25, v59  }
0x73: {  	v23 =	vmax.f32 v38, v61  }
0x74: {  	v39 =	vand.u32 $0x7FFFFF, v27;
	v23 =	vmax.f32 v23, v37  }
0x75: {  	v32 =	vor.u32 $0x3F800000, v39;
	v24 =	vsub.f32 v53, v23  }
0x76: {  	v25 =	vadd.f32 $1.000000000e+00, v32;
	v33 =	vsub.f32 v33, v23  }
0x77: {  	vm12 =	vgt.s32 v19, $0x0;
	v28 =	vsub.f32 v28, v23;
	v24 =	vmul.f32 $1.442695020e+00, v24  }
0x78: {  	v42 =	vsub.f32 v36, v23;
	(erf) = vrcp.f32 v25;
	v40 =	vmul.f32 $1.442695020e+00, v33  }
0x79: {  	v44 =	vsub.f32 v57, v23;
	v25 =	vadd.s32 $0xFFFFFFFF, v19;
	(erf) = vpow2.f32 v24  }
0x7a: {  	v41 =	vmul.f32 $1.442695020e+00, v28;
	v45 =	vshra.s32 v25, $0x3;
	(erf) = vpow2.f32 v40  }
0x7b: {  	v46 =	vsub.f32 v59, v23;
	v43 =	vmul.f32 $1.442695020e+00, v42;
	v24 =	vnsel vm12, $0x0, v45  }
0x7c: {  	vm13 =	vge.s32 v24, v0;
	vm4 =	vlt.s32 v24, v1;
	(erf) = vpow2.f32 v41  }
0x7d: {  	v28 =	vmul.f32 $1.442695020e+00, v44;
	v48 =	vshll.u32 v24, $0x3;
	vm3 =	vmand vm13, vm4  }
0x7e: {  	v50 =	vadd.s32 v48, v2;
	(erf) = vpow2.f32 v43;
	vm2 =	vmand vm12, vm3  }
0x7f: {  	v49 =	vsub.f32 v61, v23;
	v26 =	vnsel vm2, $0x0, v50  }
0x80: {  	v47 =	vmul.f32 $1.442695020e+00, v46;
	(erf) = vpow2.f32 v28;
	v53 =	vshll.u32 v26, $0x7  }
0x81: {  	v37 =	vsub.f32 v37, v23;
	v38 =	vor.u32 v14, v53;
	v39 =	vadd.s32 v14, v53;
	v36 =	vpop (erf)  }
0x82: {  	v52 =	vmul.f32 $1.442695020e+00, v49;
	(erf) = vpow2.f32 v47;
	v55 =	vadd.s32 $0x80, v39;
	v51 =	vpop (erf)  }
0x83: {  	v56 =	vmul.f32 $1.442695020e+00, v37;
	v57 =	vor.u32 v53, v31;
	v54 =	vpop (erf)  }
0x84: {  	v41 =	vadd.s32 $0x180, v39;
	(erf) = vpow2.f32 v52;
	v28 =	vadd.f32 v54, v51  }
0x85: {  	v58 =	vor.u32 v53, v30;
	v40 =	vpop (erf)  }
0x86: {  	v42 =	vadd.s32 $0x280, v39;
	(erf) = vpow2.f32 v56;
	v38 =	vld.idx.msk [tilespmem:v38+s13+$0x0], $0xffff;
	v28 =	vadd.f32 v28, v40  }
0x87: {  	v34 =	vor.u32 v53, v29;
	v59 =	vpop (erf);
	v35 =	vld.idx.msk [tilespmem:v55+s13+$0x0], $0xffff  }
0x88: {  	v39 =	vadd.s32 $0x380, v39;
	v37 =	vld.idx.msk [tilespmem:v57+s13+$0x0], $0xffff;
	v28 =	vadd.f32 v28, v59  }
0x89: {  	v61 =	vld.idx.msk [tilespmem:v41+s13+$0x0], $0xffff;
	v60 =	vpop (erf)  }
0x8a: {  	v43 =	vld.idx.msk [tilespmem:v58+s13+$0x0], $0xffff;
	v28 =	vadd.f32 v28, v60  }
0x8b: {  	v63 =	vld.idx.msk [tilespmem:v42+s13+$0x0], $0xffff;
	v62 =	vpop (erf)  }
0x8c: {  	v48 =	vld.idx.msk [tilespmem:v34+s13+$0x0], $0xffff;
	v49 =	vmax.f32 v38, v35;
	v28 =	vadd.f32 v28, v62  }
0x8d: {  	v39 =	vld.idx.msk [tilespmem:v39+s13+$0x0], $0xffff;
	v47 =	vpop (erf);
	v50 =	vmax.f32 v49, v37  }
0x8e: {  	v33 =	vmax.f32 v50, v61;
	v28 =	vadd.f32 v28, v47  }
0x8f: {  	v51 =	vpop (erf);
	v52 =	vmax.f32 v33, v43  }
0x90: {  	v34 =	vadd.f32 v28, v51;
	v28 =	vmax.f32 v52, v63  }
0x91: {  	v28 =	vmax.f32 v28, v48  }
0x92: {  	v53 =	vand.u32 $0x7FFFFF, v34;
	v28 =	vmax.f32 v28, v39  }
0x93: {  	v44 =	vor.u32 $0x3F800000, v53;
	v38 =	vsub.f32 v38, v28  }
0x94: {  	v35 =	vsub.f32 v35, v28;
	v33 =	vadd.f32 $1.000000000e+00, v44  }
0x95: {  	vm14 =	vgt.s32 v24, $0x0;
	v37 =	vsub.f32 v37, v28;
	v38 =	vmul.f32 $1.442695020e+00, v38  }
0x96: {  	v57 =	vsub.f32 v61, v28;
	v35 =	vmul.f32 $1.442695020e+00, v35;
	(erf) = vrcp.f32 v33  }
0x97: {  	v59 =	vsub.f32 v43, v28;
	v33 =	vadd.s32 $0xFFFFFFFF, v24;
	(erf) = vpow2.f32 v38  }
0x98: {  	v55 =	vmul.f32 $1.442695020e+00, v37;
	v54 =	vshra.s32 v33, $0x3;
	(erf) = vpow2.f32 v35  }
0x99: {  	v60 =	vsub.f32 v63, v28;
	v58 =	vmul.f32 $1.442695020e+00, v57;
	v56 =	vnsel vm14, $0x0, v54  }
0x9a: {  	vm15 =	vge.s32 v56, v0;
	vm5 =	vlt.s32 v56, v1;
	(erf) = vpow2.f32 v55  }
0x9b: {  	v38 =	vmul.f32 $1.442695020e+00, v59;
	v37 =	vshll.u32 v56, $0x3;
	vm4 =	vmand vm15, vm5  }
0x9c: {  	(erf) = vpow2.f32 v58;
	v61 =	vadd.s32 v37, v2;
	vm3 =	vmand vm14, vm4  }
0x9d: {  	v63 =	vsub.f32 v48, v28;
	v35 =	vnsel vm3, $0x0, v61  }
0x9e: {  	v62 =	vmul.f32 $1.442695020e+00, v60;
	(erf) = vpow2.f32 v38;
	v48 =	vshll.u32 v35, $0x7  }
0x9f: {  	v39 =	vsub.f32 v39, v28;
	v50 =	vor.u32 v14, v48;
	v51 =	vadd.s32 v14, v48;
	v40 =	vpop (erf)  }
0xa0: {  	v38 =	vmul.f32 $1.442695020e+00, v63;
	(erf) = vpow2.f32 v62;
	v46 =	vadd.s32 $0x80, v51;
	v49 =	vpop (erf)  }
0xa1: {  	v52 =	vmul.f32 $1.442695020e+00, v39;
	v31 =	vor.u32 v48, v31;
	v45 =	vpop (erf)  }
0xa2: {  	v53 =	vadd.s32 $0x180, v51;
	(erf) = vpow2.f32 v38;
	v42 =	vadd.f32 v45, v49  }
0xa3: {  	v30 =	vor.u32 v48, v30;
	v54 =	vpop (erf)  }
0xa4: {  	v55 =	vadd.s32 $0x280, v51;
	(erf) = vpow2.f32 v52;
	v37 =	vld.idx.msk [tilespmem:v50+s13+$0x0], $0xffff;
	v42 =	vadd.f32 v42, v54  }
0xa5: {  	v29 =	vor.u32 v48, v29;
	v56 =	vpop (erf);
	v46 =	vld.idx.msk [tilespmem:v46+s13+$0x0], $0xffff  }
0xa6: {  	v58 =	vadd.s32 $0x380, v51;
	v31 =	vld.idx.msk [tilespmem:v31+s13+$0x0], $0xffff;
	v57 =	vadd.f32 v42, v56  }
0xa7: {  	v59 =	vpop (erf);
	v39 =	vld.idx.msk [tilespmem:v53+s13+$0x0], $0xffff  }
0xa8: {  	v60 =	vld.idx.msk [tilespmem:v30+s13+$0x0], $0xffff;
	v41 =	vadd.f32 v57, v59  }
0xa9: {  	v38 =	vld.idx.msk [tilespmem:v55+s13+$0x0], $0xffff;
	v61 =	vpop (erf)  }
0xaa: {  	v62 =	vld.idx.msk [tilespmem:v29+s13+$0x0], $0xffff;
	v63 =	vmax.f32 v37, v46;
	v30 =	vadd.f32 v41, v61  }
0xab: {  	v42 =	vld.idx.msk [tilespmem:v58+s13+$0x0], $0xffff;
	v48 =	vpop (erf);
	v29 =	vmax.f32 v63, v31  }
0xac: {  	v29 =	vmax.f32 v29, v39;
	v30 =	vadd.f32 v30, v48  }
0xad: {  	v49 =	vpop (erf);
	v29 =	vmax.f32 v29, v60  }
0xae: {  	v29 =	vmax.f32 v29, v38;
	v30 =	vadd.f32 v30, v49  }
0xaf: {  	v29 =	vmax.f32 v29, v62  }
0xb0: {  	v29 =	vmax.f32 v29, v42;
	v45 =	vand.u32 $0x7FFFFF, v30  }
0xb1: {  	v37 =	vsub.f32 v37, v29;
	v45 =	vor.u32 $0x3F800000, v45  }
0xb2: {  	v46 =	vsub.f32 v46, v29;
	v47 =	vadd.f32 $1.000000000e+00, v45  }
0xb3: {  	v37 =	vmul.f32 $1.442695020e+00, v37  }
0xb4: {  	v31 =	vsub.f32 v31, v29;
	v46 =	vmul.f32 $1.442695020e+00, v46;
	(erf) = vrcp.f32 v47  }
0xb5: {  	(erf) = vpow2.f32 v37  }
0xb6: {  	v50 =	vsub.f32 v39, v29;
	v31 =	vmul.f32 $1.442695020e+00, v31;
	(erf) = vpow2.f32 v46;
	_ =	sdelay $0x1  }
0xb7: {  	v52 =	vsub.f32 v60, v29;
	v51 =	vmul.f32 $1.442695020e+00, v50;
	(erf) = vpow2.f32 v31;
	_ =	sdelay $0x1  }
0xb8: {  	v54 =	vsub.f32 v38, v29;
	v53 =	vmul.f32 $1.442695020e+00, v52;
	(erf) = vpow2.f32 v51;
	_ =	sdelay $0x1  }
0xb9: {  	v56 =	vsub.f32 v62, v29;
	v55 =	vmul.f32 $1.442695020e+00, v54;
	(erf) = vpow2.f32 v53  }
0xba: {  	v57 =	vpop (erf)  }
0xbb: {  	v60 =	vsub.f32 v42, v29;
	v59 =	vmul.f32 $1.442695020e+00, v56;
	(erf) = vpow2.f32 v55;
	v58 =	vpop (erf)  }
0xbc: {  	v61 =	vpop (erf)  }
0xbd: {  	v62 =	vmul.f32 $1.442695020e+00, v60;
	(erf) = vpow2.f32 v59;
	v39 =	vadd.f32 v61, v58  }
0xbe: {  	v63 =	vpop (erf)  }
0xbf: {  	(erf) = vpow2.f32 v62;
	v37 =	vadd.f32 v39, v63  }
0xc0: {  	v41 =	vpop (erf)  }
0xc1: {  	v31 =	vadd.f32 v37, v41  }
0xc2: {  	v42 =	vpop (erf)  }
0xc3: {  	v31 =	vadd.f32 v31, v42  }
0xc4: {  	v43 =	vpop (erf)  }
0xc5: {  	v31 =	vadd.f32 v31, v43  }
0xc6: {  	v46 =	vpop (erf)  }
0xc7: {  	v31 =	vadd.f32 v31, v46  }
0xc8: {  	v47 =	vpop (erf)  }
0xc9: {  	v31 =	vadd.f32 v31, v47;
	_ =	sdelay $0x1  }
0xca: {  	v51 =	vand.u32 $0x7FFFFF, v31  }
0xcb: {  	v32 =	vadd.f32 $-1.000000000e+00, v32;
	v52 =	vor.u32 $0x3F800000, v51  }
0xcc: {  	v49 =	vadd.f32 $-1.000000000e+00, v44;
	v41 =	vadd.f32 $1.000000000e+00, v52  }
0xcd: {  	v32 =	vmul.f32 v36, v32  }
0xce: {  	v17 =	vand.u32 $0x7, v17;
	v36 =	vmul.f32 v40, v49;
	(erf) = vrcp.f32 v41  }
0xcf: {  	v17 =	vadd.s32 v17, v18  }
0xd0: {  	v17 =	vshll.u32 v17, $0x7;
	v53 =	vmul.f32 v36, v36  }
0xd1: {  	v16 =	vnsel vm0, $0x0, v16;
	v17 =	vadd.s32 v14, v17  }
0xd2: {  	v21 =	vand.u32 $0x7, v21;
	v15 =	vnsel vm1, $0x0, v15;
	v54 =	vmul.f32 $9.090909360e-02, v53  }
0xd3: {  	v21 =	vadd.s32 v21, v22;
	v48 =	vmul.f32 v32, v32;
	v55 =	vadd.f32 $-1.000000000e+00, v45  }
0xd4: {  	v21 =	vshll.u32 v21, $0x7;
	v27 =	vshra.s32 v27, $0x17;
	v41 =	vadd.f32 $1.111111120e-01, v54  }
0xd5: {  	v27 =	vadd.s32 $0xFFFFFF81, v27;
	v50 =	vmul.f32 $9.090909360e-02, v48;
	v38 =	vmul.f32 v57, v55  }
0xd6: {  	v27 =	vcvt.s32.f32 v27;
	v40 =	vadd.f32 $-1.000000000e+00, v52;
	v41 =	vmul.f32 v41, v53  }
0xd7: {  	v21 =	vadd.s32 v14, v21;
	v39 =	vadd.f32 $1.111111120e-01, v50;
	v43 =	vmul.f32 v38, v38;
	v56 =	vpop (erf)  }
0xd8: {  	v27 =	vmul.f32 $6.931471820e-01, v27;
	v41 =	vadd.f32 $1.428571490e-01, v41;
	v40 =	vmul.f32 v56, v40  }
0xd9: {  	v25 =	vand.u32 $0x7, v25;
	v39 =	vmul.f32 v39, v48;
	v57 =	vmul.f32 $9.090909360e-02, v43  }
0xda: {  	v25 =	vadd.s32 v25, v26;
	v41 =	vmul.f32 v41, v53;
	v58 =	vmul.f32 v40, v40  }
0xdb: {  	v19 =	vnsel vm2, $0x0, v19;
	v25 =	vshll.u32 v25, $0x7;
	v39 =	vadd.f32 $1.428571490e-01, v39  }
0xdc: {  	v44 =	vadd.f32 $1.111111120e-01, v57;
	v41 =	vadd.f32 $2.000000030e-01, v41;
	v59 =	vmul.f32 $9.090909360e-02, v58  }
0xdd: {  	v25 =	vadd.s32 v14, v25;
	v34 =	vshra.s32 v34, $0x17;
	v39 =	vmul.f32 v39, v48  }
0xde: {  	v44 =	vmul.f32 v44, v43;
	v41 =	vmul.f32 v41, v53;
	v45 =	vadd.f32 $1.111111120e-01, v59  }
0xdf: {  	v34 =	vadd.s32 $0xFFFFFF81, v34;
	v30 =	vshra.s32 v30, $0x17;
	v39 =	vadd.f32 $2.000000030e-01, v39  }
0xe0: {  	v61 =	vadd.f32 $1.428571490e-01, v44;
	v41 =	vadd.f32 $3.333333430e-01, v41;
	v62 =	vmul.f32 v45, v58  }
0xe1: {  	v34 =	vcvt.s32.f32 v34;
	v30 =	vadd.s32 $0xFFFFFF81, v30;
	v39 =	vmul.f32 v39, v48  }
0xe2: {  	v60 =	vmul.f32 v41, v53;
	v41 =	vmul.f32 v61, v43;
	v42 =	vadd.f32 $1.428571490e-01, v62  }
0xe3: {  	v34 =	vmul.f32 $6.931471820e-01, v34;
	v30 =	vcvt.s32.f32 v30;
	v39 =	vadd.f32 $3.333333430e-01, v39  }
0xe4: {  	v24 =	vnsel vm3, $0x0, v24;
	v41 =	vadd.f32 $2.000000030e-01, v41;
	v44 =	vmul.f32 v42, v58  }
0xe5: {  	v32 =	vadd.f32 v32, v32;
	v30 =	vmul.f32 $6.931471820e-01, v30;
	v37 =	vmul.f32 v39, v48  }
0xe6: {  	v50 =	vand.u32 $0x7, v33;
	v45 =	vmul.f32 v41, v43;
	v46 =	vadd.f32 $2.000000030e-01, v44  }
0xe7: {  	v36 =	vadd.f32 v36, v36;
	v26 =	vadd.s32 v50, v35;
	v37 =	vadd.f32 $1.000000000e+00, v37  }
0xe8: {  	v26 =	vshll.u32 v26, $0x7;
	v48 =	vadd.f32 $3.333333430e-01, v45;
	v18 =	vmul.f32 v46, v58  }
0xe9: {  	v26 =	vadd.s32 v14, v26;
	v32 =	vmul.f32 v37, v32;
	v37 =	vadd.f32 $1.000000000e+00, v60  }
0xea: {  	v17 =	vld.idx.msk [tilespmem:v17+s13+$0x0], $0xffff;
	v31 =	vshra.s32 v31, $0x17;
	v49 =	vmul.f32 v48, v43;
	v18 =	vadd.f32 $3.333333430e-01, v18  }
0xeb: {  	v16 =	vld.idx.msk [tilespmem:v16+s16+$0x0], $0xffff;
	v51 =	vadd.f32 v38, v38;
	v27 =	vadd.f32 v32, v27;
	v63 =	vmul.f32 v37, v36  }
0xec: {  	v21 =	vld.idx.msk [tilespmem:v21+s13+$0x0], $0xffff;
	v31 =	vadd.s32 $0xFFFFFF81, v31;
	v22 =	vadd.f32 $1.000000000e+00, v49;
	v18 =	vmul.f32 v18, v58  }
0xed: {  	v31 =	vcvt.s32.f32 v31;
	v20 =	vadd.f32 v27, v20;
	v47 =	vadd.f32 v63, v34  }
0xee: {  	v15 =	vld.idx.msk [tilespmem:v15+s16+$0x0], $0xffff;
	v52 =	vadd.f32 v40, v40;
	v22 =	vmul.f32 v22, v51;
	v18 =	vadd.f32 $1.000000000e+00, v18  }
0xef: {  	v54 =	vld.idx.msk [tilespmem:v25+s13+$0x0], $0xffff;
	v17 =	vsub.f32 v17, v20;
	v53 =	vadd.f32 v47, v23  }
0xf0: {  	v19 =	vld.idx.msk [tilespmem:v19+s16+$0x0], $0xffff;
	v55 =	vmul.f32 $6.931471820e-01, v31;
	v22 =	vadd.f32 v22, v30;
	v18 =	vmul.f32 v18, v52  }
0xf1: {  	v57 =	vld.idx.msk [tilespmem:v26+s13+$0x0], $0xffff;
	v16 =	vmul.f32 v17, v16;
	v56 =	vsub.f32 v21, v53  }
0xf2: {  	v58 =	vadd.f32 v22, v28;
	v18 =	vadd.f32 v18, v55  }
0xf3: {  	v16 =	vadd.f32 $0.0e+00, v16;
	v59 =	vld.idx.msk [tilespmem:v24+s16+$0x0], $0xffff  }
0xf4: {  	v15 =	vmul.f32 v56, v15;
	v60 =	vsub.f32 v54, v58;
	v18 =	vadd.f32 v18, v29  }
0xf5: {  	v16 =	vnsel vm0, $0x0, v16  }
0xf6: {  	v15 =	vnsel vm1, $0x0, v15;
	v17 =	vmul.f32 v60, v19;
	v18 =	vsub.f32 v57, v18  }
0xf7: {  	v15 =	vadd.f32 v15, v16  }
0xf8: {  	p0 =	sne.s32 s23, $0x70;
	v61 =	vnsel vm2, $0x0, v17;
	v62 =	vmul.f32 v18, v59  }
.Ltmp0:
0xf9: {  	v15 =	vadd.f32 v61, v15;
	(pc) =	sbr.rel @p0 .LBB2_2-.Ltmp0, $3  }
0xfa: {  	v63 =	vnsel vm3, $0x0, v62  }
0xfb: {  	v15 =	vadd.f32 v63, v15;
	_ =	sdelay $0x1  }
0xfc: {  	s23 =	sadd.s32 $0x10, s23;
	[tilespmem:v14+s20+$0x0] =	vst.idx.add.f32.msk $0xffff, v15  }
0xfd: {  	[tilespmem:s13], [sflag:$0x1] =	stream.strided.gather [hbm4b:s8+s11], $0xCC00, s12, s11, $0x38;
	[tilespmem:$0x1B380] =	vst v63  }
0xfe: {  	_ = 	snop  }
0xff: {  	[tilespmem:s14], [sflag:$0x1] =	stream.strided.gather [hbm4b:s5+s11], $0x0, s12, s11, $0x38;
	[tilespmem:$0x1B380] =	vst v63  }
0x100: {  	s23 =	simm.s32 $0x0  }
0x101: {  	[tilespmem:s14], [sflag:$0x1] =	stream.linear.gather [hbm4b:s5+s23], $0x80, $0x38;
	[tilespmem:$0x1B380] =	vst v63  }
0x102: {  	_ =	swait.ge [sflag:s21], $0xCC00  }
0x103: {  	[sflag:s21] =	ssyncset.done $0x0  }
0x104: {  	[sflag:s21] =	ssyncadd.s32 $0xFFFF3400  }
0x105: {  	_ =	swait.ge [sflag:s21], $0x80  }
0x106: {  	[sflag:s21] =	ssyncset.done $0x0  }
0x107: {  	[sflag:s21] =	ssyncadd.s32 $0xFFFFFF80  }
.LBB2_4:
0x108: {  	v14 =	vor.u32 s23, v10;
	_ =	sdelay $0x4  }
0x109: {  	v16 =	vld.idx.msk [tilespmem:v14+s3+$0x0], $0xffff;
	_ =	sdelay $0x4  }
0x10a: {  	v17 =	vadd.s32 $0xFFFFFFFF, v16  }
0x10b: {  	vm0 =	vgt.s32 v16, $0x0;
	v15 =	vshra.s32 v17, $0x3  }
0x10c: {  	v15 =	vnsel vm0, $0x0, v15  }
0x10d: {  	vm1 =	vge.s32 v15, v3;
	vm2 =	vlt.s32 v15, v4  }
0x10e: {  	v18 =	vshll.u32 v15, $0x3;
	vm1 =	vmand vm1, vm2  }
0x10f: {  	v18 =	vadd.s32 v18, v5;
	vm0 =	vmand vm0, vm1  }
0x110: {  	v18 =	vnsel vm0, $0x0, v18  }
0x111: {  	v19 =	vshll.u32 v18, $0x7  }
0x112: {  	v20 =	vor.u32 v14, v19;
	v21 =	vadd.s32 v14, v19  }
0x113: {  	v31 =	vor.u32 s23, v11;
	v22 =	vadd.s32 $0x80, v21  }
0x114: {  	v23 =	vor.u32 v19, v31  }
0x115: {  	v30 =	vor.u32 s23, v12;
	v24 =	vadd.s32 $0x180, v21  }
0x116: {  	v25 =	vor.u32 v19, v30  }
0x117: {  	v29 =	vor.u32 s23, v13;
	v62 =	vadd.s32 $0x280, v21;
	v26 =	vld.idx.msk [tilespmem:v20+s17+$0x0], $0xffff  }
0x118: {  	v19 =	vor.u32 v19, v29;
	v22 =	vld.idx.msk [tilespmem:v22+s17+$0x0], $0xffff  }
0x119: {  	v21 =	vadd.s32 $0x380, v21;
	v23 =	vld.idx.msk [tilespmem:v23+s17+$0x0], $0xffff  }
0x11a: {  	v24 =	vld.idx.msk [tilespmem:v24+s17+$0x0], $0xffff  }
0x11b: {  	v25 =	vld.idx.msk [tilespmem:v25+s17+$0x0], $0xffff  }
0x11c: {  	v27 =	vld.idx.msk [tilespmem:v62+s17+$0x0], $0xffff  }
0x11d: {  	v28 =	vld.idx.msk [tilespmem:v19+s17+$0x0], $0xffff;
	v63 =	vmax.f32 v26, v22  }
0x11e: {  	v32 =	vld.idx.msk [tilespmem:v21+s17+$0x0], $0xffff;
	v19 =	vmax.f32 v63, v23  }
0x11f: {  	v19 =	vmax.f32 v19, v24  }
0x120: {  	v19 =	vmax.f32 v19, v25  }
0x121: {  	v19 =	vmax.f32 v19, v27  }
0x122: {  	v19 =	vmax.f32 v19, v28  }
0x123: {  	v20 =	vmax.f32 v19, v32  }
0x124: {  	v19 =	vsub.f32 v26, v20  }
0x125: {  	v34 =	vsub.f32 v22, v20  }
0x126: {  	v19 =	vmul.f32 $1.442695020e+00, v19  }
0x127: {  	v21 =	vmul.f32 $1.442695020e+00, v34  }
0x128: {  	vm10 =	vgt.s32 v15, $0x0;
	v35 =	vsub.f32 v23, v20;
	(erf) = vpow2.f32 v19  }
0x129: {  	v36 =	vsub.f32 v24, v20;
	(erf) = vpow2.f32 v21;
	v21 =	vadd.s32 $0xFFFFFFFF, v15  }
0x12a: {  	v40 =	vsub.f32 v25, v20;
	v37 =	vmul.f32 $1.442695020e+00, v35;
	v39 =	vshra.s32 v21, $0x3  }
0x12b: {  	v41 =	vsub.f32 v27, v20;
	v38 =	vmul.f32 $1.442695020e+00, v36;
	v19 =	vnsel vm10, $0x0, v39  }
0x12c: {  	(erf) = vpow2.f32 v37;
	vm11 =	vge.s32 v19, v3;
	vm3 =	vlt.s32 v19, v4  }
0x12d: {  	v25 =	vmul.f32 $1.442695020e+00, v40;
	v42 =	vshll.u32 v19, $0x3;
	vm2 =	vmand vm11, vm3  }
0x12e: {  	(erf) = vpow2.f32 v38;
	v43 =	vadd.s32 v42, v5;
	vm1 =	vmand vm10, vm2  }
0x12f: {  	v44 =	vsub.f32 v28, v20;
	v22 =	vnsel vm1, $0x0, v43  }
0x130: {  	v23 =	vmul.f32 $1.442695020e+00, v41;
	(erf) = vpow2.f32 v25;
	v45 =	vshll.u32 v22, $0x7  }
0x131: {  	v32 =	vsub.f32 v32, v20;
	v47 =	vor.u32 v14, v45;
	v48 =	vadd.s32 v14, v45  }
0x132: {  	v24 =	vmul.f32 $1.442695020e+00, v44;
	v46 =	vpop (erf);
	(erf) = vpow2.f32 v23;
	v33 =	vadd.s32 $0x80, v48  }
0x133: {  	v51 =	vmul.f32 $1.442695020e+00, v32;
	v50 =	vor.u32 v45, v31;
	v49 =	vpop (erf)  }
0x134: {  	(erf) = vpow2.f32 v24;
	v52 =	vadd.s32 $0x180, v48;
	v26 =	vadd.f32 v49, v46  }
0x135: {  	v35 =	vor.u32 v45, v30;
	v34 =	vpop (erf)  }
0x136: {  	v54 =	vadd.s32 $0x280, v48;
	(erf) = vpow2.f32 v51;
	v26 =	vadd.f32 v26, v34;
	v53 =	vld.idx.msk [tilespmem:v47+s17+$0x0], $0xffff  }
0x137: {  	v25 =	vor.u32 v45, v29;
	v55 =	vpop (erf);
	v33 =	vld.idx.msk [tilespmem:v33+s17+$0x0], $0xffff  }
0x138: {  	v27 =	vadd.s32 $0x380, v48;
	v28 =	vld.idx.msk [tilespmem:v50+s17+$0x0], $0xffff;
	v26 =	vadd.f32 v26, v55  }
0x139: {  	v56 =	vpop (erf);
	v36 =	vld.idx.msk [tilespmem:v52+s17+$0x0], $0xffff  }
0x13a: {  	v57 =	vld.idx.msk [tilespmem:v35+s17+$0x0], $0xffff;
	v26 =	vadd.f32 v26, v56  }
0x13b: {  	v59 =	vld.idx.msk [tilespmem:v54+s17+$0x0], $0xffff;
	v58 =	vpop (erf)  }
0x13c: {  	v61 =	vld.idx.msk [tilespmem:v25+s17+$0x0], $0xffff;
	v60 =	vadd.f32 v26, v58;
	v62 =	vmax.f32 v53, v33  }
0x13d: {  	v37 =	vld.idx.msk [tilespmem:v27+s17+$0x0], $0xffff;
	v63 =	vpop (erf);
	v25 =	vmax.f32 v62, v28  }
0x13e: {  	v23 =	vadd.f32 v60, v63;
	v25 =	vmax.f32 v25, v36  }
0x13f: {  	v32 =	vpop (erf);
	v25 =	vmax.f32 v25, v57  }
0x140: {  	v27 =	vadd.f32 v23, v32;
	v38 =	vmax.f32 v25, v59  }
0x141: {  	v23 =	vmax.f32 v38, v61  }
0x142: {  	v39 =	vand.u32 $0x7FFFFF, v27;
	v23 =	vmax.f32 v23, v37  }
0x143: {  	v32 =	vor.u32 $0x3F800000, v39;
	v24 =	vsub.f32 v53, v23  }
0x144: {  	v25 =	vadd.f32 $1.000000000e+00, v32;
	v33 =	vsub.f32 v33, v23  }
0x145: {  	vm12 =	vgt.s32 v19, $0x0;
	v28 =	vsub.f32 v28, v23;
	v24 =	vmul.f32 $1.442695020e+00, v24  }
0x146: {  	v42 =	vsub.f32 v36, v23;
	(erf) = vrcp.f32 v25;
	v40 =	vmul.f32 $1.442695020e+00, v33  }
0x147: {  	v44 =	vsub.f32 v57, v23;
	v25 =	vadd.s32 $0xFFFFFFFF, v19;
	(erf) = vpow2.f32 v24  }
0x148: {  	v41 =	vmul.f32 $1.442695020e+00, v28;
	v45 =	vshra.s32 v25, $0x3;
	(erf) = vpow2.f32 v40  }
0x149: {  	v46 =	vsub.f32 v59, v23;
	v43 =	vmul.f32 $1.442695020e+00, v42;
	v24 =	vnsel vm12, $0x0, v45  }
0x14a: {  	vm13 =	vge.s32 v24, v3;
	vm4 =	vlt.s32 v24, v4;
	(erf) = vpow2.f32 v41  }
0x14b: {  	v28 =	vmul.f32 $1.442695020e+00, v44;
	v48 =	vshll.u32 v24, $0x3;
	vm3 =	vmand vm13, vm4  }
0x14c: {  	v50 =	vadd.s32 v48, v5;
	(erf) = vpow2.f32 v43;
	vm2 =	vmand vm12, vm3  }
0x14d: {  	v49 =	vsub.f32 v61, v23;
	v26 =	vnsel vm2, $0x0, v50  }
0x14e: {  	v47 =	vmul.f32 $1.442695020e+00, v46;
	(erf) = vpow2.f32 v28;
	v53 =	vshll.u32 v26, $0x7  }
0x14f: {  	v37 =	vsub.f32 v37, v23;
	v38 =	vor.u32 v14, v53;
	v39 =	vadd.s32 v14, v53;
	v36 =	vpop (erf)  }
0x150: {  	v52 =	vmul.f32 $1.442695020e+00, v49;
	(erf) = vpow2.f32 v47;
	v55 =	vadd.s32 $0x80, v39;
	v51 =	vpop (erf)  }
0x151: {  	v56 =	vmul.f32 $1.442695020e+00, v37;
	v57 =	vor.u32 v53, v31;
	v54 =	vpop (erf)  }
0x152: {  	v41 =	vadd.s32 $0x180, v39;
	(erf) = vpow2.f32 v52;
	v28 =	vadd.f32 v54, v51  }
0x153: {  	v58 =	vor.u32 v53, v30;
	v40 =	vpop (erf)  }
0x154: {  	v42 =	vadd.s32 $0x280, v39;
	(erf) = vpow2.f32 v56;
	v38 =	vld.idx.msk [tilespmem:v38+s17+$0x0], $0xffff;
	v28 =	vadd.f32 v28, v40  }
0x155: {  	v34 =	vor.u32 v53, v29;
	v59 =	vpop (erf);
	v35 =	vld.idx.msk [tilespmem:v55+s17+$0x0], $0xffff  }
0x156: {  	v39 =	vadd.s32 $0x380, v39;
	v37 =	vld.idx.msk [tilespmem:v57+s17+$0x0], $0xffff;
	v28 =	vadd.f32 v28, v59  }
0x157: {  	v61 =	vld.idx.msk [tilespmem:v41+s17+$0x0], $0xffff;
	v60 =	vpop (erf)  }
0x158: {  	v43 =	vld.idx.msk [tilespmem:v58+s17+$0x0], $0xffff;
	v28 =	vadd.f32 v28, v60  }
0x159: {  	v63 =	vld.idx.msk [tilespmem:v42+s17+$0x0], $0xffff;
	v62 =	vpop (erf)  }
0x15a: {  	v48 =	vld.idx.msk [tilespmem:v34+s17+$0x0], $0xffff;
	v49 =	vmax.f32 v38, v35;
	v28 =	vadd.f32 v28, v62  }
0x15b: {  	v39 =	vld.idx.msk [tilespmem:v39+s17+$0x0], $0xffff;
	v47 =	vpop (erf);
	v50 =	vmax.f32 v49, v37  }
0x15c: {  	v33 =	vmax.f32 v50, v61;
	v28 =	vadd.f32 v28, v47  }
0x15d: {  	v51 =	vpop (erf);
	v52 =	vmax.f32 v33, v43  }
0x15e: {  	v34 =	vadd.f32 v28, v51;
	v28 =	vmax.f32 v52, v63  }
0x15f: {  	v28 =	vmax.f32 v28, v48  }
0x160: {  	v53 =	vand.u32 $0x7FFFFF, v34;
	v28 =	vmax.f32 v28, v39  }
0x161: {  	v44 =	vor.u32 $0x3F800000, v53;
	v38 =	vsub.f32 v38, v28  }
0x162: {  	v35 =	vsub.f32 v35, v28;
	v33 =	vadd.f32 $1.000000000e+00, v44  }
0x163: {  	vm14 =	vgt.s32 v24, $0x0;
	v37 =	vsub.f32 v37, v28;
	v38 =	vmul.f32 $1.442695020e+00, v38  }
0x164: {  	v57 =	vsub.f32 v61, v28;
	v35 =	vmul.f32 $1.442695020e+00, v35;
	(erf) = vrcp.f32 v33  }
0x165: {  	v59 =	vsub.f32 v43, v28;
	v33 =	vadd.s32 $0xFFFFFFFF, v24;
	(erf) = vpow2.f32 v38  }
0x166: {  	v55 =	vmul.f32 $1.442695020e+00, v37;
	v54 =	vshra.s32 v33, $0x3;
	(erf) = vpow2.f32 v35  }
0x167: {  	v60 =	vsub.f32 v63, v28;
	v58 =	vmul.f32 $1.442695020e+00, v57;
	v56 =	vnsel vm14, $0x0, v54  }
0x168: {  	vm15 =	vge.s32 v56, v3;
	vm5 =	vlt.s32 v56, v4;
	(erf) = vpow2.f32 v55  }
0x169: {  	v38 =	vmul.f32 $1.442695020e+00, v59;
	v37 =	vshll.u32 v56, $0x3;
	vm4 =	vmand vm15, vm5  }
0x16a: {  	(erf) = vpow2.f32 v58;
	v61 =	vadd.s32 v37, v5;
	vm3 =	vmand vm14, vm4  }
0x16b: {  	v63 =	vsub.f32 v48, v28;
	v35 =	vnsel vm3, $0x0, v61  }
0x16c: {  	v62 =	vmul.f32 $1.442695020e+00, v60;
	(erf) = vpow2.f32 v38;
	v48 =	vshll.u32 v35, $0x7  }
0x16d: {  	v39 =	vsub.f32 v39, v28;
	v50 =	vor.u32 v14, v48;
	v51 =	vadd.s32 v14, v48;
	v40 =	vpop (erf)  }
0x16e: {  	v38 =	vmul.f32 $1.442695020e+00, v63;
	(erf) = vpow2.f32 v62;
	v46 =	vadd.s32 $0x80, v51;
	v49 =	vpop (erf)  }
0x16f: {  	v52 =	vmul.f32 $1.442695020e+00, v39;
	v31 =	vor.u32 v48, v31;
	v45 =	vpop (erf)  }
0x170: {  	v53 =	vadd.s32 $0x180, v51;
	(erf) = vpow2.f32 v38;
	v42 =	vadd.f32 v45, v49  }
0x171: {  	v30 =	vor.u32 v48, v30;
	v54 =	vpop (erf)  }
0x172: {  	v55 =	vadd.s32 $0x280, v51;
	(erf) = vpow2.f32 v52;
	v37 =	vld.idx.msk [tilespmem:v50+s17+$0x0], $0xffff;
	v42 =	vadd.f32 v42, v54  }
0x173: {  	v29 =	vor.u32 v48, v29;
	v56 =	vpop (erf);
	v46 =	vld.idx.msk [tilespmem:v46+s17+$0x0], $0xffff  }
0x174: {  	v58 =	vadd.s32 $0x380, v51;
	v31 =	vld.idx.msk [tilespmem:v31+s17+$0x0], $0xffff;
	v57 =	vadd.f32 v42, v56  }
0x175: {  	v59 =	vpop (erf);
	v39 =	vld.idx.msk [tilespmem:v53+s17+$0x0], $0xffff  }
0x176: {  	v60 =	vld.idx.msk [tilespmem:v30+s17+$0x0], $0xffff;
	v41 =	vadd.f32 v57, v59  }
0x177: {  	v38 =	vld.idx.msk [tilespmem:v55+s17+$0x0], $0xffff;
	v61 =	vpop (erf)  }
0x178: {  	v62 =	vld.idx.msk [tilespmem:v29+s17+$0x0], $0xffff;
	v63 =	vmax.f32 v37, v46;
	v30 =	vadd.f32 v41, v61  }
0x179: {  	v42 =	vld.idx.msk [tilespmem:v58+s17+$0x0], $0xffff;
	v48 =	vpop (erf);
	v29 =	vmax.f32 v63, v31  }
0x17a: {  	v29 =	vmax.f32 v29, v39;
	v30 =	vadd.f32 v30, v48  }
0x17b: {  	v49 =	vpop (erf);
	v29 =	vmax.f32 v29, v60  }
0x17c: {  	v29 =	vmax.f32 v29, v38;
	v30 =	vadd.f32 v30, v49  }
0x17d: {  	v29 =	vmax.f32 v29, v62  }
0x17e: {  	v29 =	vmax.f32 v29, v42;
	v45 =	vand.u32 $0x7FFFFF, v30  }
0x17f: {  	v37 =	vsub.f32 v37, v29;
	v45 =	vor.u32 $0x3F800000, v45  }
0x180: {  	v46 =	vsub.f32 v46, v29;
	v47 =	vadd.f32 $1.000000000e+00, v45  }
0x181: {  	v37 =	vmul.f32 $1.442695020e+00, v37  }
0x182: {  	v31 =	vsub.f32 v31, v29;
	v46 =	vmul.f32 $1.442695020e+00, v46;
	(erf) = vrcp.f32 v47  }
0x183: {  	(erf) = vpow2.f32 v37  }
0x184: {  	v50 =	vsub.f32 v39, v29;
	v31 =	vmul.f32 $1.442695020e+00, v31;
	(erf) = vpow2.f32 v46;
	_ =	sdelay $0x1  }
0x185: {  	v52 =	vsub.f32 v60, v29;
	v51 =	vmul.f32 $1.442695020e+00, v50;
	(erf) = vpow2.f32 v31;
	_ =	sdelay $0x1  }
0x186: {  	v54 =	vsub.f32 v38, v29;
	v53 =	vmul.f32 $1.442695020e+00, v52;
	(erf) = vpow2.f32 v51;
	_ =	sdelay $0x1  }
0x187: {  	v56 =	vsub.f32 v62, v29;
	v55 =	vmul.f32 $1.442695020e+00, v54;
	(erf) = vpow2.f32 v53  }
0x188: {  	v57 =	vpop (erf)  }
0x189: {  	v60 =	vsub.f32 v42, v29;
	v59 =	vmul.f32 $1.442695020e+00, v56;
	(erf) = vpow2.f32 v55;
	v58 =	vpop (erf)  }
0x18a: {  	v61 =	vpop (erf)  }
0x18b: {  	v62 =	vmul.f32 $1.442695020e+00, v60;
	(erf) = vpow2.f32 v59;
	v39 =	vadd.f32 v61, v58  }
0x18c: {  	v63 =	vpop (erf)  }
0x18d: {  	(erf) = vpow2.f32 v62;
	v37 =	vadd.f32 v39, v63  }
0x18e: {  	v41 =	vpop (erf)  }
0x18f: {  	v31 =	vadd.f32 v37, v41  }
0x190: {  	v42 =	vpop (erf)  }
0x191: {  	v31 =	vadd.f32 v31, v42  }
0x192: {  	v43 =	vpop (erf)  }
0x193: {  	v31 =	vadd.f32 v31, v43  }
0x194: {  	v46 =	vpop (erf)  }
0x195: {  	v31 =	vadd.f32 v31, v46  }
0x196: {  	v47 =	vpop (erf)  }
0x197: {  	v31 =	vadd.f32 v31, v47;
	_ =	sdelay $0x1  }
0x198: {  	v51 =	vand.u32 $0x7FFFFF, v31  }
0x199: {  	v32 =	vadd.f32 $-1.000000000e+00, v32;
	v52 =	vor.u32 $0x3F800000, v51  }
0x19a: {  	v49 =	vadd.f32 $-1.000000000e+00, v44;
	v41 =	vadd.f32 $1.000000000e+00, v52  }
0x19b: {  	v32 =	vmul.f32 v36, v32  }
0x19c: {  	v17 =	vand.u32 $0x7, v17;
	v36 =	vmul.f32 v40, v49;
	(erf) = vrcp.f32 v41  }
0x19d: {  	v17 =	vadd.s32 v17, v18  }
0x19e: {  	v17 =	vshll.u32 v17, $0x7;
	v53 =	vmul.f32 v36, v36  }
0x19f: {  	v16 =	vnsel vm0, $0x0, v16;
	v17 =	vadd.s32 v14, v17  }
0x1a0: {  	v21 =	vand.u32 $0x7, v21;
	v15 =	vnsel vm1, $0x0, v15;
	v54 =	vmul.f32 $9.090909360e-02, v53  }
0x1a1: {  	v21 =	vadd.s32 v21, v22;
	v48 =	vmul.f32 v32, v32;
	v55 =	vadd.f32 $-1.000000000e+00, v45  }
0x1a2: {  	v21 =	vshll.u32 v21, $0x7;
	v27 =	vshra.s32 v27, $0x17;
	v41 =	vadd.f32 $1.111111120e-01, v54  }
0x1a3: {  	v27 =	vadd.s32 $0xFFFFFF81, v27;
	v50 =	vmul.f32 $9.090909360e-02, v48;
	v38 =	vmul.f32 v57, v55  }
0x1a4: {  	v27 =	vcvt.s32.f32 v27;
	v40 =	vadd.f32 $-1.000000000e+00, v52;
	v41 =	vmul.f32 v41, v53  }
0x1a5: {  	v21 =	vadd.s32 v14, v21;
	v39 =	vadd.f32 $1.111111120e-01, v50;
	v43 =	vmul.f32 v38, v38;
	v56 =	vpop (erf)  }
0x1a6: {  	v27 =	vmul.f32 $6.931471820e-01, v27;
	v41 =	vadd.f32 $1.428571490e-01, v41;
	v40 =	vmul.f32 v56, v40  }
0x1a7: {  	v25 =	vand.u32 $0x7, v25;
	v39 =	vmul.f32 v39, v48;
	v57 =	vmul.f32 $9.090909360e-02, v43  }
0x1a8: {  	v25 =	vadd.s32 v25, v26;
	v41 =	vmul.f32 v41, v53;
	v58 =	vmul.f32 v40, v40  }
0x1a9: {  	v19 =	vnsel vm2, $0x0, v19;
	v25 =	vshll.u32 v25, $0x7;
	v39 =	vadd.f32 $1.428571490e-01, v39  }
0x1aa: {  	v44 =	vadd.f32 $1.111111120e-01, v57;
	v41 =	vadd.f32 $2.000000030e-01, v41;
	v59 =	vmul.f32 $9.090909360e-02, v58  }
0x1ab: {  	v25 =	vadd.s32 v14, v25;
	v34 =	vshra.s32 v34, $0x17;
	v39 =	vmul.f32 v39, v48  }
0x1ac: {  	v44 =	vmul.f32 v44, v43;
	v41 =	vmul.f32 v41, v53;
	v45 =	vadd.f32 $1.111111120e-01, v59  }
0x1ad: {  	v34 =	vadd.s32 $0xFFFFFF81, v34;
	v30 =	vshra.s32 v30, $0x17;
	v39 =	vadd.f32 $2.000000030e-01, v39  }
0x1ae: {  	v61 =	vadd.f32 $1.428571490e-01, v44;
	v41 =	vadd.f32 $3.333333430e-01, v41;
	v62 =	vmul.f32 v45, v58  }
0x1af: {  	v34 =	vcvt.s32.f32 v34;
	v30 =	vadd.s32 $0xFFFFFF81, v30;
	v39 =	vmul.f32 v39, v48  }
0x1b0: {  	v60 =	vmul.f32 v41, v53;
	v41 =	vmul.f32 v61, v43;
	v42 =	vadd.f32 $1.428571490e-01, v62  }
0x1b1: {  	v34 =	vmul.f32 $6.931471820e-01, v34;
	v30 =	vcvt.s32.f32 v30;
	v39 =	vadd.f32 $3.333333430e-01, v39  }
0x1b2: {  	v24 =	vnsel vm3, $0x0, v24;
	v41 =	vadd.f32 $2.000000030e-01, v41;
	v44 =	vmul.f32 v42, v58  }
0x1b3: {  	v32 =	vadd.f32 v32, v32;
	v30 =	vmul.f32 $6.931471820e-01, v30;
	v37 =	vmul.f32 v39, v48  }
0x1b4: {  	v50 =	vand.u32 $0x7, v33;
	v45 =	vmul.f32 v41, v43;
	v46 =	vadd.f32 $2.000000030e-01, v44  }
0x1b5: {  	v36 =	vadd.f32 v36, v36;
	v26 =	vadd.s32 v50, v35;
	v37 =	vadd.f32 $1.000000000e+00, v37  }
0x1b6: {  	v26 =	vshll.u32 v26, $0x7;
	v48 =	vadd.f32 $3.333333430e-01, v45;
	v18 =	vmul.f32 v46, v58  }
0x1b7: {  	v26 =	vadd.s32 v14, v26;
	v32 =	vmul.f32 v37, v32;
	v37 =	vadd.f32 $1.000000000e+00, v60  }
0x1b8: {  	v17 =	vld.idx.msk [tilespmem:v17+s17+$0x0], $0xffff;
	v31 =	vshra.s32 v31, $0x17;
	v49 =	vmul.f32 v48, v43;
	v18 =	vadd.f32 $3.333333430e-01, v18  }
0x1b9: {  	v16 =	vld.idx.msk [tilespmem:v16+s16+$0x0], $0xffff;
	v51 =	vadd.f32 v38, v38;
	v27 =	vadd.f32 v32, v27;
	v63 =	vmul.f32 v37, v36  }
0x1ba: {  	v21 =	vld.idx.msk [tilespmem:v21+s17+$0x0], $0xffff;
	v31 =	vadd.s32 $0xFFFFFF81, v31;
	v22 =	vadd.f32 $1.000000000e+00, v49;
	v18 =	vmul.f32 v18, v58  }
0x1bb: {  	v31 =	vcvt.s32.f32 v31;
	v20 =	vadd.f32 v27, v20;
	v47 =	vadd.f32 v63, v34  }
0x1bc: {  	v15 =	vld.idx.msk [tilespmem:v15+s16+$0x0], $0xffff;
	v52 =	vadd.f32 v40, v40;
	v22 =	vmul.f32 v22, v51;
	v18 =	vadd.f32 $1.000000000e+00, v18  }
0x1bd: {  	v54 =	vld.idx.msk [tilespmem:v25+s17+$0x0], $0xffff;
	v17 =	vsub.f32 v17, v20;
	v53 =	vadd.f32 v47, v23  }
0x1be: {  	v19 =	vld.idx.msk [tilespmem:v19+s16+$0x0], $0xffff;
	v55 =	vmul.f32 $6.931471820e-01, v31;
	v22 =	vadd.f32 v22, v30;
	v18 =	vmul.f32 v18, v52  }
0x1bf: {  	v57 =	vld.idx.msk [tilespmem:v26+s17+$0x0], $0xffff;
	v16 =	vmul.f32 v17, v16;
	v56 =	vsub.f32 v21, v53  }
0x1c0: {  	v58 =	vadd.f32 v22, v28;
	v18 =	vadd.f32 v18, v55  }
0x1c1: {  	v16 =	vadd.f32 $0.0e+00, v16;
	v59 =	vld.idx.msk [tilespmem:v24+s16+$0x0], $0xffff  }
0x1c2: {  	v15 =	vmul.f32 v56, v15;
	v60 =	vsub.f32 v54, v58;
	v18 =	vadd.f32 v18, v29  }
0x1c3: {  	v16 =	vnsel vm0, $0x0, v16  }
0x1c4: {  	v15 =	vnsel vm1, $0x0, v15;
	v17 =	vmul.f32 v60, v19;
	v18 =	vsub.f32 v57, v18  }
0x1c5: {  	v15 =	vadd.f32 v15, v16  }
0x1c6: {  	p0 =	sne.s32 s23, $0x70;
	v61 =	vnsel vm2, $0x0, v17;
	v62 =	vmul.f32 v18, v59  }
.Ltmp1:
0x1c7: {  	v15 =	vadd.f32 v61, v15;
	(pc) =	sbr.rel @p0 .LBB2_4-.Ltmp1, $3  }
0x1c8: {  	v63 =	vnsel vm3, $0x0, v62  }
0x1c9: {  	v15 =	vadd.f32 v63, v15;
	_ =	sdelay $0x1  }
0x1ca: {  	s23 =	sadd.s32 $0x10, s23;
	[tilespmem:v14+s20+$0x0] =	vst.idx.add.f32.msk $0xffff, v15  }
0x1cb: {  	_ =	swait.ge [sflag:s19], $0xCC00  }
0x1cc: {  	[sflag:s19] =	ssyncset.done $0x0  }
0x1cd: {  	[sflag:s19] =	ssyncadd.s32 $0xFFFF3400  }
0x1ce: {  	_ =	swait.ge [sflag:s19], $0x80  }
0x1cf: {  	[sflag:s19] =	ssyncset.done $0x0  }
0x1d0: {  	s23 =	simm.s32 $0x0;
	[sflag:s19] =	ssyncadd.s32 $0xFFFFFF80  }
.LBB2_6:
0x1d1: {  	v14 =	vor.u32 s23, v10;
	_ =	sdelay $0x4  }
0x1d2: {  	v16 =	vld.idx.msk [tilespmem:v14+s3+$0x0], $0xffff;
	_ =	sdelay $0x4  }
0x1d3: {  	v17 =	vadd.s32 $0xFFFFFFFF, v16  }
0x1d4: {  	vm0 =	vgt.s32 v16, $0x0;
	v15 =	vshra.s32 v17, $0x3  }
0x1d5: {  	v15 =	vnsel vm0, $0x0, v15  }
0x1d6: {  	vm1 =	vge.s32 v15, v6;
	vm2 =	vlt.s32 v15, v7  }
0x1d7: {  	v18 =	vshll.u32 v15, $0x3;
	vm1 =	vmand vm1, vm2  }
0x1d8: {  	v18 =	vadd.s32 v18, v8;
	vm0 =	vmand vm0, vm1  }
0x1d9: {  	v18 =	vnsel vm0, $0x0, v18  }
0x1da: {  	v19 =	vshll.u32 v18, $0x7  }
0x1db: {  	v20 =	vor.u32 v14, v19;
	v21 =	vadd.s32 v14, v19  }
0x1dc: {  	v31 =	vor.u32 s23, v11;
	v22 =	vadd.s32 $0x80, v21  }
0x1dd: {  	v23 =	vor.u32 v19, v31  }
0x1de: {  	v30 =	vor.u32 s23, v12;
	v24 =	vadd.s32 $0x180, v21  }
0x1df: {  	v25 =	vor.u32 v19, v30  }
0x1e0: {  	v29 =	vor.u32 s23, v13;
	v62 =	vadd.s32 $0x280, v21;
	v26 =	vld.idx.msk [tilespmem:v20+s13+$0x0], $0xffff  }
0x1e1: {  	v19 =	vor.u32 v19, v29;
	v22 =	vld.idx.msk [tilespmem:v22+s13+$0x0], $0xffff  }
0x1e2: {  	v21 =	vadd.s32 $0x380, v21;
	v23 =	vld.idx.msk [tilespmem:v23+s13+$0x0], $0xffff  }
0x1e3: {  	v24 =	vld.idx.msk [tilespmem:v24+s13+$0x0], $0xffff  }
0x1e4: {  	v25 =	vld.idx.msk [tilespmem:v25+s13+$0x0], $0xffff  }
0x1e5: {  	v27 =	vld.idx.msk [tilespmem:v62+s13+$0x0], $0xffff  }
0x1e6: {  	v28 =	vld.idx.msk [tilespmem:v19+s13+$0x0], $0xffff;
	v63 =	vmax.f32 v26, v22  }
0x1e7: {  	v32 =	vld.idx.msk [tilespmem:v21+s13+$0x0], $0xffff;
	v19 =	vmax.f32 v63, v23  }
0x1e8: {  	v19 =	vmax.f32 v19, v24  }
0x1e9: {  	v19 =	vmax.f32 v19, v25  }
0x1ea: {  	v19 =	vmax.f32 v19, v27  }
0x1eb: {  	v19 =	vmax.f32 v19, v28  }
0x1ec: {  	v20 =	vmax.f32 v19, v32  }
0x1ed: {  	v19 =	vsub.f32 v26, v20  }
0x1ee: {  	v34 =	vsub.f32 v22, v20  }
0x1ef: {  	v19 =	vmul.f32 $1.442695020e+00, v19  }
0x1f0: {  	v21 =	vmul.f32 $1.442695020e+00, v34  }
0x1f1: {  	vm10 =	vgt.s32 v15, $0x0;
	v35 =	vsub.f32 v23, v20;
	(erf) = vpow2.f32 v19  }
0x1f2: {  	v36 =	vsub.f32 v24, v20;
	(erf) = vpow2.f32 v21;
	v21 =	vadd.s32 $0xFFFFFFFF, v15  }
0x1f3: {  	v40 =	vsub.f32 v25, v20;
	v37 =	vmul.f32 $1.442695020e+00, v35;
	v39 =	vshra.s32 v21, $0x3  }
0x1f4: {  	v41 =	vsub.f32 v27, v20;
	v38 =	vmul.f32 $1.442695020e+00, v36;
	v19 =	vnsel vm10, $0x0, v39  }
0x1f5: {  	(erf) = vpow2.f32 v37;
	vm11 =	vge.s32 v19, v6;
	vm3 =	vlt.s32 v19, v7  }
0x1f6: {  	v25 =	vmul.f32 $1.442695020e+00, v40;
	v42 =	vshll.u32 v19, $0x3;
	vm2 =	vmand vm11, vm3  }
0x1f7: {  	(erf) = vpow2.f32 v38;
	v43 =	vadd.s32 v42, v8;
	vm1 =	vmand vm10, vm2  }
0x1f8: {  	v44 =	vsub.f32 v28, v20;
	v22 =	vnsel vm1, $0x0, v43  }
0x1f9: {  	v23 =	vmul.f32 $1.442695020e+00, v41;
	(erf) = vpow2.f32 v25;
	v45 =	vshll.u32 v22, $0x7  }
0x1fa: {  	v32 =	vsub.f32 v32, v20;
	v47 =	vor.u32 v14, v45;
	v48 =	vadd.s32 v14, v45  }
0x1fb: {  	v24 =	vmul.f32 $1.442695020e+00, v44;
	v46 =	vpop (erf);
	(erf) = vpow2.f32 v23;
	v33 =	vadd.s32 $0x80, v48  }
0x1fc: {  	v51 =	vmul.f32 $1.442695020e+00, v32;
	v50 =	vor.u32 v45, v31;
	v49 =	vpop (erf)  }
0x1fd: {  	(erf) = vpow2.f32 v24;
	v52 =	vadd.s32 $0x180, v48;
	v26 =	vadd.f32 v49, v46  }
0x1fe: {  	v35 =	vor.u32 v45, v30;
	v34 =	vpop (erf)  }
0x1ff: {  	v54 =	vadd.s32 $0x280, v48;
	(erf) = vpow2.f32 v51;
	v26 =	vadd.f32 v26, v34;
	v53 =	vld.idx.msk [tilespmem:v47+s13+$0x0], $0xffff  }
0x200: {  	v25 =	vor.u32 v45, v29;
	v55 =	vpop (erf);
	v33 =	vld.idx.msk [tilespmem:v33+s13+$0x0], $0xffff  }
0x201: {  	v27 =	vadd.s32 $0x380, v48;
	v28 =	vld.idx.msk [tilespmem:v50+s13+$0x0], $0xffff;
	v26 =	vadd.f32 v26, v55  }
0x202: {  	v56 =	vpop (erf);
	v36 =	vld.idx.msk [tilespmem:v52+s13+$0x0], $0xffff  }
0x203: {  	v57 =	vld.idx.msk [tilespmem:v35+s13+$0x0], $0xffff;
	v26 =	vadd.f32 v26, v56  }
0x204: {  	v59 =	vld.idx.msk [tilespmem:v54+s13+$0x0], $0xffff;
	v58 =	vpop (erf)  }
0x205: {  	v61 =	vld.idx.msk [tilespmem:v25+s13+$0x0], $0xffff;
	v60 =	vadd.f32 v26, v58;
	v62 =	vmax.f32 v53, v33  }
0x206: {  	v37 =	vld.idx.msk [tilespmem:v27+s13+$0x0], $0xffff;
	v63 =	vpop (erf);
	v25 =	vmax.f32 v62, v28  }
0x207: {  	v23 =	vadd.f32 v60, v63;
	v25 =	vmax.f32 v25, v36  }
0x208: {  	v32 =	vpop (erf);
	v25 =	vmax.f32 v25, v57  }
0x209: {  	v27 =	vadd.f32 v23, v32;
	v38 =	vmax.f32 v25, v59  }
0x20a: {  	v23 =	vmax.f32 v38, v61  }
0x20b: {  	v39 =	vand.u32 $0x7FFFFF, v27;
	v23 =	vmax.f32 v23, v37  }
0x20c: {  	v32 =	vor.u32 $0x3F800000, v39;
	v24 =	vsub.f32 v53, v23  }
0x20d: {  	v25 =	vadd.f32 $1.000000000e+00, v32;
	v33 =	vsub.f32 v33, v23  }
0x20e: {  	vm12 =	vgt.s32 v19, $0x0;
	v28 =	vsub.f32 v28, v23;
	v24 =	vmul.f32 $1.442695020e+00, v24  }
0x20f: {  	v42 =	vsub.f32 v36, v23;
	(erf) = vrcp.f32 v25;
	v40 =	vmul.f32 $1.442695020e+00, v33  }
0x210: {  	v44 =	vsub.f32 v57, v23;
	v25 =	vadd.s32 $0xFFFFFFFF, v19;
	(erf) = vpow2.f32 v24  }
0x211: {  	v41 =	vmul.f32 $1.442695020e+00, v28;
	v45 =	vshra.s32 v25, $0x3;
	(erf) = vpow2.f32 v40  }
0x212: {  	v46 =	vsub.f32 v59, v23;
	v43 =	vmul.f32 $1.442695020e+00, v42;
	v24 =	vnsel vm12, $0x0, v45  }
0x213: {  	vm13 =	vge.s32 v24, v6;
	vm4 =	vlt.s32 v24, v7;
	(erf) = vpow2.f32 v41  }
0x214: {  	v28 =	vmul.f32 $1.442695020e+00, v44;
	v48 =	vshll.u32 v24, $0x3;
	vm3 =	vmand vm13, vm4  }
0x215: {  	v50 =	vadd.s32 v48, v8;
	(erf) = vpow2.f32 v43;
	vm2 =	vmand vm12, vm3  }
0x216: {  	v49 =	vsub.f32 v61, v23;
	v26 =	vnsel vm2, $0x0, v50  }
0x217: {  	v47 =	vmul.f32 $1.442695020e+00, v46;
	(erf) = vpow2.f32 v28;
	v53 =	vshll.u32 v26, $0x7  }
0x218: {  	v37 =	vsub.f32 v37, v23;
	v38 =	vor.u32 v14, v53;
	v39 =	vadd.s32 v14, v53;
	v36 =	vpop (erf)  }
0x219: {  	v52 =	vmul.f32 $1.442695020e+00, v49;
	(erf) = vpow2.f32 v47;
	v55 =	vadd.s32 $0x80, v39;
	v51 =	vpop (erf)  }
0x21a: {  	v56 =	vmul.f32 $1.442695020e+00, v37;
	v57 =	vor.u32 v53, v31;
	v54 =	vpop (erf)  }
0x21b: {  	v41 =	vadd.s32 $0x180, v39;
	(erf) = vpow2.f32 v52;
	v28 =	vadd.f32 v54, v51  }
0x21c: {  	v58 =	vor.u32 v53, v30;
	v40 =	vpop (erf)  }
0x21d: {  	v42 =	vadd.s32 $0x280, v39;
	(erf) = vpow2.f32 v56;
	v38 =	vld.idx.msk [tilespmem:v38+s13+$0x0], $0xffff;
	v28 =	vadd.f32 v28, v40  }
0x21e: {  	v34 =	vor.u32 v53, v29;
	v59 =	vpop (erf);
	v35 =	vld.idx.msk [tilespmem:v55+s13+$0x0], $0xffff  }
0x21f: {  	v39 =	vadd.s32 $0x380, v39;
	v37 =	vld.idx.msk [tilespmem:v57+s13+$0x0], $0xffff;
	v28 =	vadd.f32 v28, v59  }
0x220: {  	v61 =	vld.idx.msk [tilespmem:v41+s13+$0x0], $0xffff;
	v60 =	vpop (erf)  }
0x221: {  	v43 =	vld.idx.msk [tilespmem:v58+s13+$0x0], $0xffff;
	v28 =	vadd.f32 v28, v60  }
0x222: {  	v63 =	vld.idx.msk [tilespmem:v42+s13+$0x0], $0xffff;
	v62 =	vpop (erf)  }
0x223: {  	v48 =	vld.idx.msk [tilespmem:v34+s13+$0x0], $0xffff;
	v49 =	vmax.f32 v38, v35;
	v28 =	vadd.f32 v28, v62  }
0x224: {  	v39 =	vld.idx.msk [tilespmem:v39+s13+$0x0], $0xffff;
	v47 =	vpop (erf);
	v50 =	vmax.f32 v49, v37  }
0x225: {  	v33 =	vmax.f32 v50, v61;
	v28 =	vadd.f32 v28, v47  }
0x226: {  	v51 =	vpop (erf);
	v52 =	vmax.f32 v33, v43  }
0x227: {  	v34 =	vadd.f32 v28, v51;
	v28 =	vmax.f32 v52, v63  }
0x228: {  	v28 =	vmax.f32 v28, v48  }
0x229: {  	v53 =	vand.u32 $0x7FFFFF, v34;
	v28 =	vmax.f32 v28, v39  }
0x22a: {  	v44 =	vor.u32 $0x3F800000, v53;
	v38 =	vsub.f32 v38, v28  }
0x22b: {  	v35 =	vsub.f32 v35, v28;
	v33 =	vadd.f32 $1.000000000e+00, v44  }
0x22c: {  	vm14 =	vgt.s32 v24, $0x0;
	v37 =	vsub.f32 v37, v28;
	v38 =	vmul.f32 $1.442695020e+00, v38  }
0x22d: {  	v57 =	vsub.f32 v61, v28;
	v35 =	vmul.f32 $1.442695020e+00, v35;
	(erf) = vrcp.f32 v33  }
0x22e: {  	v59 =	vsub.f32 v43, v28;
	v33 =	vadd.s32 $0xFFFFFFFF, v24;
	(erf) = vpow2.f32 v38  }
0x22f: {  	v55 =	vmul.f32 $1.442695020e+00, v37;
	v54 =	vshra.s32 v33, $0x3;
	(erf) = vpow2.f32 v35  }
0x230: {  	v60 =	vsub.f32 v63, v28;
	v58 =	vmul.f32 $1.442695020e+00, v57;
	v56 =	vnsel vm14, $0x0, v54  }
0x231: {  	vm15 =	vge.s32 v56, v6;
	vm5 =	vlt.s32 v56, v7;
	(erf) = vpow2.f32 v55  }
0x232: {  	v38 =	vmul.f32 $1.442695020e+00, v59;
	v37 =	vshll.u32 v56, $0x3;
	vm4 =	vmand vm15, vm5  }
0x233: {  	(erf) = vpow2.f32 v58;
	v61 =	vadd.s32 v37, v8;
	vm3 =	vmand vm14, vm4  }
0x234: {  	v63 =	vsub.f32 v48, v28;
	v35 =	vnsel vm3, $0x0, v61  }
0x235: {  	v62 =	vmul.f32 $1.442695020e+00, v60;
	(erf) = vpow2.f32 v38;
	v48 =	vshll.u32 v35, $0x7  }
0x236: {  	v39 =	vsub.f32 v39, v28;
	v50 =	vor.u32 v14, v48;
	v51 =	vadd.s32 v14, v48;
	v40 =	vpop (erf)  }
0x237: {  	v38 =	vmul.f32 $1.442695020e+00, v63;
	(erf) = vpow2.f32 v62;
	v46 =	vadd.s32 $0x80, v51;
	v49 =	vpop (erf)  }
0x238: {  	v52 =	vmul.f32 $1.442695020e+00, v39;
	v31 =	vor.u32 v48, v31;
	v45 =	vpop (erf)  }
0x239: {  	v53 =	vadd.s32 $0x180, v51;
	(erf) = vpow2.f32 v38;
	v42 =	vadd.f32 v45, v49  }
0x23a: {  	v30 =	vor.u32 v48, v30;
	v54 =	vpop (erf)  }
0x23b: {  	v55 =	vadd.s32 $0x280, v51;
	(erf) = vpow2.f32 v52;
	v37 =	vld.idx.msk [tilespmem:v50+s13+$0x0], $0xffff;
	v42 =	vadd.f32 v42, v54  }
0x23c: {  	v29 =	vor.u32 v48, v29;
	v56 =	vpop (erf);
	v46 =	vld.idx.msk [tilespmem:v46+s13+$0x0], $0xffff  }
0x23d: {  	v58 =	vadd.s32 $0x380, v51;
	v31 =	vld.idx.msk [tilespmem:v31+s13+$0x0], $0xffff;
	v57 =	vadd.f32 v42, v56  }
0x23e: {  	v59 =	vpop (erf);
	v39 =	vld.idx.msk [tilespmem:v53+s13+$0x0], $0xffff  }
0x23f: {  	v60 =	vld.idx.msk [tilespmem:v30+s13+$0x0], $0xffff;
	v41 =	vadd.f32 v57, v59  }
0x240: {  	v38 =	vld.idx.msk [tilespmem:v55+s13+$0x0], $0xffff;
	v61 =	vpop (erf)  }
0x241: {  	v62 =	vld.idx.msk [tilespmem:v29+s13+$0x0], $0xffff;
	v63 =	vmax.f32 v37, v46;
	v30 =	vadd.f32 v41, v61  }
0x242: {  	v42 =	vld.idx.msk [tilespmem:v58+s13+$0x0], $0xffff;
	v48 =	vpop (erf);
	v29 =	vmax.f32 v63, v31  }
0x243: {  	v29 =	vmax.f32 v29, v39;
	v30 =	vadd.f32 v30, v48  }
0x244: {  	v49 =	vpop (erf);
	v29 =	vmax.f32 v29, v60  }
0x245: {  	v29 =	vmax.f32 v29, v38;
	v30 =	vadd.f32 v30, v49  }
0x246: {  	v29 =	vmax.f32 v29, v62  }
0x247: {  	v29 =	vmax.f32 v29, v42;
	v45 =	vand.u32 $0x7FFFFF, v30  }
0x248: {  	v37 =	vsub.f32 v37, v29;
	v45 =	vor.u32 $0x3F800000, v45  }
0x249: {  	v46 =	vsub.f32 v46, v29;
	v47 =	vadd.f32 $1.000000000e+00, v45  }
0x24a: {  	v37 =	vmul.f32 $1.442695020e+00, v37  }
0x24b: {  	v31 =	vsub.f32 v31, v29;
	v46 =	vmul.f32 $1.442695020e+00, v46;
	(erf) = vrcp.f32 v47  }
0x24c: {  	(erf) = vpow2.f32 v37  }
0x24d: {  	v50 =	vsub.f32 v39, v29;
	v31 =	vmul.f32 $1.442695020e+00, v31;
	(erf) = vpow2.f32 v46;
	_ =	sdelay $0x1  }
0x24e: {  	v52 =	vsub.f32 v60, v29;
	v51 =	vmul.f32 $1.442695020e+00, v50;
	(erf) = vpow2.f32 v31;
	_ =	sdelay $0x1  }
0x24f: {  	v54 =	vsub.f32 v38, v29;
	v53 =	vmul.f32 $1.442695020e+00, v52;
	(erf) = vpow2.f32 v51;
	_ =	sdelay $0x1  }
0x250: {  	v56 =	vsub.f32 v62, v29;
	v55 =	vmul.f32 $1.442695020e+00, v54;
	(erf) = vpow2.f32 v53  }
0x251: {  	v57 =	vpop (erf)  }
0x252: {  	v60 =	vsub.f32 v42, v29;
	v59 =	vmul.f32 $1.442695020e+00, v56;
	(erf) = vpow2.f32 v55;
	v58 =	vpop (erf)  }
0x253: {  	v61 =	vpop (erf)  }
0x254: {  	v62 =	vmul.f32 $1.442695020e+00, v60;
	(erf) = vpow2.f32 v59;
	v39 =	vadd.f32 v61, v58  }
0x255: {  	v63 =	vpop (erf)  }
0x256: {  	(erf) = vpow2.f32 v62;
	v37 =	vadd.f32 v39, v63  }
0x257: {  	v41 =	vpop (erf)  }
0x258: {  	v31 =	vadd.f32 v37, v41  }
0x259: {  	v42 =	vpop (erf)  }
0x25a: {  	v31 =	vadd.f32 v31, v42  }
0x25b: {  	v43 =	vpop (erf)  }
0x25c: {  	v31 =	vadd.f32 v31, v43  }
0x25d: {  	v46 =	vpop (erf)  }
0x25e: {  	v31 =	vadd.f32 v31, v46  }
0x25f: {  	v47 =	vpop (erf)  }
0x260: {  	v31 =	vadd.f32 v31, v47;
	_ =	sdelay $0x1  }
0x261: {  	v51 =	vand.u32 $0x7FFFFF, v31  }
0x262: {  	v32 =	vadd.f32 $-1.000000000e+00, v32;
	v52 =	vor.u32 $0x3F800000, v51  }
0x263: {  	v49 =	vadd.f32 $-1.000000000e+00, v44;
	v41 =	vadd.f32 $1.000000000e+00, v52  }
0x264: {  	v32 =	vmul.f32 v36, v32  }
0x265: {  	v17 =	vand.u32 $0x7, v17;
	v36 =	vmul.f32 v40, v49;
	(erf) = vrcp.f32 v41  }
0x266: {  	v17 =	vadd.s32 v17, v18  }
0x267: {  	v17 =	vshll.u32 v17, $0x7;
	v53 =	vmul.f32 v36, v36  }
0x268: {  	v16 =	vnsel vm0, $0x0, v16;
	v17 =	vadd.s32 v14, v17  }
0x269: {  	v21 =	vand.u32 $0x7, v21;
	v15 =	vnsel vm1, $0x0, v15;
	v54 =	vmul.f32 $9.090909360e-02, v53  }
0x26a: {  	v21 =	vadd.s32 v21, v22;
	v48 =	vmul.f32 v32, v32;
	v55 =	vadd.f32 $-1.000000000e+00, v45  }
0x26b: {  	v21 =	vshll.u32 v21, $0x7;
	v27 =	vshra.s32 v27, $0x17;
	v41 =	vadd.f32 $1.111111120e-01, v54  }
0x26c: {  	v27 =	vadd.s32 $0xFFFFFF81, v27;
	v50 =	vmul.f32 $9.090909360e-02, v48;
	v38 =	vmul.f32 v57, v55  }
0x26d: {  	v27 =	vcvt.s32.f32 v27;
	v40 =	vadd.f32 $-1.000000000e+00, v52;
	v41 =	vmul.f32 v41, v53  }
0x26e: {  	v21 =	vadd.s32 v14, v21;
	v39 =	vadd.f32 $1.111111120e-01, v50;
	v43 =	vmul.f32 v38, v38;
	v56 =	vpop (erf)  }
0x26f: {  	v27 =	vmul.f32 $6.931471820e-01, v27;
	v41 =	vadd.f32 $1.428571490e-01, v41;
	v40 =	vmul.f32 v56, v40  }
0x270: {  	v25 =	vand.u32 $0x7, v25;
	v39 =	vmul.f32 v39, v48;
	v57 =	vmul.f32 $9.090909360e-02, v43  }
0x271: {  	v25 =	vadd.s32 v25, v26;
	v41 =	vmul.f32 v41, v53;
	v58 =	vmul.f32 v40, v40  }
0x272: {  	v19 =	vnsel vm2, $0x0, v19;
	v25 =	vshll.u32 v25, $0x7;
	v39 =	vadd.f32 $1.428571490e-01, v39  }
0x273: {  	v44 =	vadd.f32 $1.111111120e-01, v57;
	v41 =	vadd.f32 $2.000000030e-01, v41;
	v59 =	vmul.f32 $9.090909360e-02, v58  }
0x274: {  	v25 =	vadd.s32 v14, v25;
	v34 =	vshra.s32 v34, $0x17;
	v39 =	vmul.f32 v39, v48  }
0x275: {  	v44 =	vmul.f32 v44, v43;
	v41 =	vmul.f32 v41, v53;
	v45 =	vadd.f32 $1.111111120e-01, v59  }
0x276: {  	v34 =	vadd.s32 $0xFFFFFF81, v34;
	v30 =	vshra.s32 v30, $0x17;
	v39 =	vadd.f32 $2.000000030e-01, v39  }
0x277: {  	v61 =	vadd.f32 $1.428571490e-01, v44;
	v41 =	vadd.f32 $3.333333430e-01, v41;
	v62 =	vmul.f32 v45, v58  }
0x278: {  	v34 =	vcvt.s32.f32 v34;
	v30 =	vadd.s32 $0xFFFFFF81, v30;
	v39 =	vmul.f32 v39, v48  }
0x279: {  	v60 =	vmul.f32 v41, v53;
	v41 =	vmul.f32 v61, v43;
	v42 =	vadd.f32 $1.428571490e-01, v62  }
0x27a: {  	v34 =	vmul.f32 $6.931471820e-01, v34;
	v30 =	vcvt.s32.f32 v30;
	v39 =	vadd.f32 $3.333333430e-01, v39  }
0x27b: {  	v24 =	vnsel vm3, $0x0, v24;
	v41 =	vadd.f32 $2.000000030e-01, v41;
	v44 =	vmul.f32 v42, v58  }
0x27c: {  	v32 =	vadd.f32 v32, v32;
	v30 =	vmul.f32 $6.931471820e-01, v30;
	v37 =	vmul.f32 v39, v48  }
0x27d: {  	v50 =	vand.u32 $0x7, v33;
	v45 =	vmul.f32 v41, v43;
	v46 =	vadd.f32 $2.000000030e-01, v44  }
0x27e: {  	v36 =	vadd.f32 v36, v36;
	v26 =	vadd.s32 v50, v35;
	v37 =	vadd.f32 $1.000000000e+00, v37  }
0x27f: {  	v26 =	vshll.u32 v26, $0x7;
	v48 =	vadd.f32 $3.333333430e-01, v45;
	v18 =	vmul.f32 v46, v58  }
0x280: {  	v26 =	vadd.s32 v14, v26;
	v32 =	vmul.f32 v37, v32;
	v37 =	vadd.f32 $1.000000000e+00, v60  }
0x281: {  	v17 =	vld.idx.msk [tilespmem:v17+s13+$0x0], $0xffff;
	v31 =	vshra.s32 v31, $0x17;
	v49 =	vmul.f32 v48, v43;
	v18 =	vadd.f32 $3.333333430e-01, v18  }
0x282: {  	v16 =	vld.idx.msk [tilespmem:v16+s16+$0x0], $0xffff;
	v51 =	vadd.f32 v38, v38;
	v27 =	vadd.f32 v32, v27;
	v63 =	vmul.f32 v37, v36  }
0x283: {  	v21 =	vld.idx.msk [tilespmem:v21+s13+$0x0], $0xffff;
	v31 =	vadd.s32 $0xFFFFFF81, v31;
	v22 =	vadd.f32 $1.000000000e+00, v49;
	v18 =	vmul.f32 v18, v58  }
0x284: {  	v31 =	vcvt.s32.f32 v31;
	v20 =	vadd.f32 v27, v20;
	v47 =	vadd.f32 v63, v34  }
0x285: {  	v15 =	vld.idx.msk [tilespmem:v15+s16+$0x0], $0xffff;
	v52 =	vadd.f32 v40, v40;
	v22 =	vmul.f32 v22, v51;
	v18 =	vadd.f32 $1.000000000e+00, v18  }
0x286: {  	v54 =	vld.idx.msk [tilespmem:v25+s13+$0x0], $0xffff;
	v17 =	vsub.f32 v17, v20;
	v53 =	vadd.f32 v47, v23  }
0x287: {  	v19 =	vld.idx.msk [tilespmem:v19+s16+$0x0], $0xffff;
	v55 =	vmul.f32 $6.931471820e-01, v31;
	v22 =	vadd.f32 v22, v30;
	v18 =	vmul.f32 v18, v52  }
0x288: {  	v57 =	vld.idx.msk [tilespmem:v26+s13+$0x0], $0xffff;
	v16 =	vmul.f32 v17, v16;
	v56 =	vsub.f32 v21, v53  }
0x289: {  	v58 =	vadd.f32 v22, v28;
	v18 =	vadd.f32 v18, v55  }
0x28a: {  	v16 =	vadd.f32 $0.0e+00, v16;
	v59 =	vld.idx.msk [tilespmem:v24+s16+$0x0], $0xffff  }
0x28b: {  	v15 =	vmul.f32 v56, v15;
	v60 =	vsub.f32 v54, v58;
	v18 =	vadd.f32 v18, v29  }
0x28c: {  	v16 =	vnsel vm0, $0x0, v16  }
0x28d: {  	v15 =	vnsel vm1, $0x0, v15;
	v17 =	vmul.f32 v60, v19;
	v18 =	vsub.f32 v57, v18  }
0x28e: {  	v15 =	vadd.f32 v15, v16  }
0x28f: {  	p0 =	sne.s32 s23, $0x70;
	v61 =	vnsel vm2, $0x0, v17;
	v62 =	vmul.f32 v18, v59  }
.Ltmp2:
0x290: {  	v15 =	vadd.f32 v61, v15;
	(pc) =	sbr.rel @p0 .LBB2_6-.Ltmp2, $3  }
0x291: {  	v63 =	vnsel vm3, $0x0, v62  }
0x292: {  	v15 =	vadd.f32 v63, v15;
	_ =	sdelay $0x1  }
0x293: {  	s23 =	sadd.s32 $0x10, s23;
	[tilespmem:v14+s20+$0x0] =	vst.idx.add.f32.msk $0xffff, v15  }
0x294: {  	v14 =	vld [tilespmem:$0x1B300]  }
0x295: {  	v15 =	vld [tilespmem:$0x1B310]  }
0x296: {  	v16 =	vld [tilespmem:$0x1B320]  }
0x297: {  	v17 =	vld [tilespmem:$0x1B330]  }
0x298: {  	v18 =	vld [tilespmem:$0x1B340]  }
0x299: {  	v19 =	vld [tilespmem:$0x1B350];
	v14 =	vmul.f32 $-9.765625000e-04, v14  }
0x29a: {  	v20 =	vld [tilespmem:$0x1B360];
	v15 =	vmul.f32 $-9.765625000e-04, v15  }
0x29b: {  	v63 =	vld [tilespmem:$0x1B370];
	[tilespmem:$0x1B300] =	vst v14;
	v14 =	vmul.f32 $-9.765625000e-04, v16  }
0x29c: {  	[tilespmem:$0x1B310] =	vst v15;
	v15 =	vmul.f32 $-9.765625000e-04, v17  }
0x29d: {  	[tilespmem:$0x1B320] =	vst v14;
	v14 =	vmul.f32 $-9.765625000e-04, v18  }
0x29e: {  	[tilespmem:$0x1B330] =	vst v15;
	v15 =	vmul.f32 $-9.765625000e-04, v19  }
0x29f: {  	[tilespmem:$0x1B340] =	vst v14;
	v14 =	vmul.f32 $-9.765625000e-04, v20  }
0x2a0: {  	s22 =	sadd.s32 $0x1, s22;
	[tilespmem:$0x1B350] =	vst v15;
	v15 =	vmul.f32 $-9.765625000e-04, v63  }
0x2a1: {  	p0 =	sne.s32 s22, s10;
	[tilespmem:$0x1B360] =	vst v14  }
.Ltmp3:
0x2a2: {  	[tilespmem:$0x1B370] =	vst v15;
	(pc) =	sbr.rel @p0 .LBB2_1-.Ltmp3, $4  }
0x2a3: {  	[hbm4b:s9+s3] =	stream.linear.scatter [tilespmem:s20], [sflag:$0x3], $0x80, $0x38;
	[tilespmem:$0x1B380] =	vst v63  }
0x2a4: {  	_ =	swait.ge [sflag:s15], $0x80  }
0x2a5: {  	[sflag:s15] =	ssyncset.done $0x0  }
0x2a6: {  	[sflag:s15] =	ssyncadd.s32 $0xFFFFFF80  }
0x2a7: {  	_ =	sfence.sel $0x180000  }
0x2a8: {  	[bflag:$0x0] =	sbarrier.arrive $0xFFFF  }
0x2a9: {  	p0 =	sne.s32 s0, $0x0;
	_ =	strace $0x90000047  }
0x2aa: {  	s0 =	sadd.s32 @!p0 $0x100000, s1;
	[bflag:$0x2] =	sbarrier.arrive $0xFFFF  }
0x2ab: {  	[sflag:s0] =	ssyncadd.tile.s32 @!p0 $0x1;
	_ =	shalt  }
.Lfunc_end2:
_tile_overlayer_lowered:
.L_overlay_start_2:
0x2ac: {  	(tag) =	ssettag $0x2  }
0x2ad: {  	s0 =	rddreg [dreg:$0x0];
	s2 =	stileid.u32  }
0x2ae: {  	s1 =	rddreg [dreg:$0x1];
	p0 =	sne.s32 s2, $0x0  }
0x2af: {  	s3 =	rddreg [dreg:$0x2];
	[bflag:$0x3] =	sbarrier.arrive $0xFFFF;
	s2 =	simm.s32 @!p0 $0x1C03  }
0x2b0: {  	[timem:s3], [sflag:s2] =	dma.local @!p0 [hbm:s0], s1  }
0x2b1: {  	s0 =	simm.s32 @!p0 $0x3  }
0x2b2: {  	_ =	swait.ge @!p0 [sflag:s0], s1  }
0x2b3: {  	s1 =	ssub.s32 @!p0 $0x0, s1;
	[sflag:s0] =	ssyncset.done @!p0 $0x0  }
0x2b4: {  	[sflag:s0] =	ssyncadd.s32 @!p0 s1  }
0x2b5: {  	[bflag:$0x3] =	sbarrier.arrive $0xFFFF  }
0x2b6: {  	_ =	shalt  }

</sc_bundles>
